<compile_context>
chip_gen: v7x
topology: tpu7x:2x2x1
jax: 0.10.2.dev20260603
libtpu: 0.0.44.dev20260713+nightly
codegen_flags: <defaults>
</compile_context>

<pallas_src>
import functools

import jax
import jax.numpy as jnp
from jax import lax
from jax.experimental import pallas as pl
from jax.experimental.pallas import tpu as pltpu
from jax.experimental.pallas import tpu_sc as plsc

N_NODES = 10000
N_EDGES = 320000
NC, NS = 2, 16
NT = NC * NS
CHUNK = 128
NCHUNK = 80
EPAD = NT * NCHUNK * CHUNK
ROWS = 10112
RPT = ROWS // NS
NPT = N_NODES // NS
PAD_DST = N_NODES + 8
_DLANES = 8
_MESH = plsc.VectorSubcoreMesh(core_axis_name="c", subcore_axis_name="s")


def _make_sc_agg(F):

    @functools.partial(
        pl.kernel,
        out_type=jax.ShapeDtypeStruct((ROWS, 2 * F), jnp.float32),
        mesh=_MESH,
        compiler_params=pltpu.CompilerParams(use_tc_tiling_on_sc=False),
        scratch_types=[
            pltpu.VMEM((NCHUNK, CHUNK), jnp.int32),
            pltpu.VMEM((NCHUNK, CHUNK), jnp.int32),
            pltpu.VMEM((CHUNK, F), jnp.float32),
            pltpu.VMEM((CHUNK, F), jnp.float32),
            pltpu.VMEM_SHARED((N_NODES, F), jnp.float32),
            pltpu.VMEM_SHARED((ROWS, F), jnp.float32),
            pltpu.SemaphoreType.DMA,
            pltpu.SemaphoreType.DMA,
        ],
    )
    def agg(g_hbm, src_hbm, dst_hbm, zero_hbm, out_hbm,
            src_v, dst_v, gb0, gb1, gsh, acc, sem0, sem1):
        c = lax.axis_index("c")
        s = lax.axis_index("s")
        wid = c * NS + s
        pltpu.sync_copy(src_hbm.at[wid], src_v)
        pltpu.sync_copy(dst_hbm.at[wid], dst_v)
        g0 = s * NPT
        pltpu.sync_copy(g_hbm.at[pl.ds(g0, NPT)], gsh.at[pl.ds(g0, NPT)])
        r0 = s * RPT
        pltpu.sync_copy(zero_hbm.at[pl.ds(r0, RPT)], acc.at[pl.ds(r0, RPT)])
        plsc.subcore_barrier()

        gbufs = (gb0, gb1)
        sems = (sem0, sem1)
        for b in range(2):
            pltpu.async_copy(gsh.at[src_v.at[b]], gbufs[b], sems[b])

        @pl.loop(0, NCHUNK - 2, step=2)
        def _(j0):
            for b in range(2):
                j = j0 + b
                pltpu.make_async_copy(gsh.at[src_v.at[j]], gbufs[b], sems[b]).wait()
                pltpu.sync_copy(gbufs[b], acc.at[dst_v.at[j]], add=True)
                pltpu.async_copy(gsh.at[src_v.at[j + 2]], gbufs[b], sems[b])

        for b in range(2):
            j = NCHUNK - 2 + b
            pltpu.make_async_copy(gsh.at[src_v.at[j]], gbufs[b], sems[b]).wait()
            pltpu.sync_copy(gbufs[b], acc.at[dst_v.at[j]], add=True)

        plsc.subcore_barrier()
        pltpu.sync_copy(acc.at[pl.ds(r0, RPT)],
                        out_hbm.at[pl.ds(r0, RPT), pl.ds(c * F, F)])

    return agg


_AGG = {f: _make_sc_agg(f) for f in (64, 32, 16)}


@functools.partial(
    pl.kernel,
    out_type=jax.ShapeDtypeStruct((ROWS, 2 * _DLANES), jnp.float32),
    mesh=_MESH,
    compiler_params=pltpu.CompilerParams(use_tc_tiling_on_sc=False),
    scratch_types=[
        pltpu.VMEM((NCHUNK, CHUNK), jnp.int32),
        pltpu.VMEM((CHUNK, _DLANES), jnp.float32),
        pltpu.VMEM_SHARED((ROWS, _DLANES), jnp.float32),
        pltpu.SemaphoreType.DMA,
    ],
)
def _sc_deg(dst_hbm, ones_hbm, zero_hbm, out_hbm, dst_v, ones_v, acc, sem):
    c = lax.axis_index("c")
    s = lax.axis_index("s")
    wid = c * NS + s
    pltpu.sync_copy(dst_hbm.at[wid], dst_v)
    pltpu.sync_copy(ones_hbm, ones_v)
    r0 = s * RPT
    pltpu.sync_copy(zero_hbm.at[pl.ds(r0, RPT)], acc.at[pl.ds(r0, RPT)])
    plsc.subcore_barrier()

    @pl.loop(0, NCHUNK)
    def _(j):
        pltpu.async_copy(ones_v, acc.at[dst_v.at[j]], sem, add=True)

    @pl.loop(0, NCHUNK)
    def _(j):
        pltpu.make_async_copy(ones_v, acc.at[dst_v.at[j]], sem).wait()

    plsc.subcore_barrier()
    pltpu.sync_copy(acc.at[pl.ds(r0, RPT)],
                    out_hbm.at[pl.ds(r0, RPT), pl.ds(c * _DLANES, _DLANES)])


_BN = 10000


def _dinv_block(deg_ref):
    return lax.rsqrt(deg_ref[:, 0:1] + deg_ref[:, _DLANES:_DLANES + 1] + 1.0)


_DEG_SPEC = pl.BlockSpec((_BN, 2 * _DLANES), lambda i: (i, 0))


def _tc_matmul(x, W1):

    def body(x_ref, w_ref, h_ref):
        h_ref[...] = jnp.dot(x_ref[...], w_ref[...],
                             preferred_element_type=jnp.float32)

    F = W1.shape[1]
    return pl.pallas_call(
        body,
        grid=(N_NODES // _BN,),
        in_specs=[
            pl.BlockSpec((_BN, 128), lambda i: (i, 0)),
            pl.BlockSpec((128, F), lambda i: (0, 0)),
        ],
        out_specs=pl.BlockSpec((_BN, F), lambda i: (i, 0)),
        out_shape=jax.ShapeDtypeStruct((N_NODES, F), jnp.float32),
    )(x, W1)


def _tc_scale(h, degs):

    def body(h_ref, deg_ref, g_ref):
        g_ref[...] = h_ref[...] * _dinv_block(deg_ref)

    F = h.shape[1]
    return pl.pallas_call(
        body,
        grid=(N_NODES // _BN,),
        in_specs=[
            pl.BlockSpec((_BN, F), lambda i: (i, 0)),
            _DEG_SPEC,
        ],
        out_specs=pl.BlockSpec((_BN, F), lambda i: (i, 0)),
        out_shape=jax.ShapeDtypeStruct((N_NODES, F), jnp.float32),
    )(h, degs)


def _tc_mid(acc, h_prev, degs, b_prev, W):
    Fp, F = W.shape

    def body(a_ref, h_ref, deg_ref, b_ref, w_ref, ho_ref, go_ref):
        d = _dinv_block(deg_ref)
        a = a_ref[:, :Fp] + a_ref[:, Fp:]
        z = d * a + (d * d) * h_ref[...] + b_ref[...]
        z = jnp.maximum(z, 0.0)
        h = jnp.dot(z, w_ref[...], preferred_element_type=jnp.float32)
        ho_ref[...] = h
        go_ref[...] = h * d

    return pl.pallas_call(
        body,
        grid=(N_NODES // _BN,),
        in_specs=[
            pl.BlockSpec((_BN, 2 * Fp), lambda i: (i, 0)),
            pl.BlockSpec((_BN, Fp), lambda i: (i, 0)),
            _DEG_SPEC,
            pl.BlockSpec((1, Fp), lambda i: (0, 0)),
            pl.BlockSpec((Fp, F), lambda i: (0, 0)),
        ],
        out_specs=[
            pl.BlockSpec((_BN, F), lambda i: (i, 0)),
            pl.BlockSpec((_BN, F), lambda i: (i, 0)),
        ],
        out_shape=[jax.ShapeDtypeStruct((N_NODES, F), jnp.float32)] * 2,
    )(acc, h_prev, degs, b_prev, W)


def _tc_last(acc, h_prev, degs, b):
    F = h_prev.shape[1]

    def body(a_ref, h_ref, deg_ref, b_ref, o_ref):
        d = _dinv_block(deg_ref)
        a = a_ref[:, :F] + a_ref[:, F:]
        z = d * a + (d * d) * h_ref[...] + b_ref[...]
        m = jnp.max(z, axis=1, keepdims=True)
        e = jnp.exp(z - m)
        lse = jnp.log(jnp.sum(e, axis=1, keepdims=True))
        o_ref[...] = (z - m) - lse

    return pl.pallas_call(
        body,
        grid=(N_NODES // _BN,),
        in_specs=[
            pl.BlockSpec((_BN, 2 * F), lambda i: (i, 0)),
            pl.BlockSpec((_BN, F), lambda i: (i, 0)),
            _DEG_SPEC,
            pl.BlockSpec((1, F), lambda i: (0, 0)),
        ],
        out_specs=pl.BlockSpec((_BN, F), lambda i: (i, 0)),
        out_shape=jax.ShapeDtypeStruct((N_NODES, F), jnp.float32),
    )(acc, h_prev, degs, b)


def kernel(x, edge_index, W1, b1, W2, b2, W3, b3, W4, b4):
    ei = edge_index.astype(jnp.int32)
    npad = EPAD - N_EDGES
    srcp = jnp.concatenate([ei[0], jnp.zeros((npad,), jnp.int32)]).reshape(
        NT, NCHUNK, CHUNK)
    dstp = jnp.concatenate([ei[1], jnp.full((npad,), PAD_DST, jnp.int32)]).reshape(
        NT, NCHUNK, CHUNK)

    z8 = jnp.zeros((ROWS, 8), jnp.float32)
    z16 = jnp.zeros((ROWS, 16), jnp.float32)
    z32 = jnp.zeros((ROWS, 32), jnp.float32)
    z64 = jnp.zeros((ROWS, 64), jnp.float32)
    ones = jnp.ones((CHUNK, _DLANES), jnp.float32)

    degs = _sc_deg(dstp, ones, z8)
    h1 = _tc_matmul(x, W1)
    g1 = _tc_scale(h1, degs)

    acc1 = _AGG[64](g1, srcp, dstp, z64)
    h2, g2 = _tc_mid(acc1, h1, degs, b1.reshape(1, -1), W2)
    acc2 = _AGG[32](g2, srcp, dstp, z32)
    h3, g3 = _tc_mid(acc2, h2, degs, b2.reshape(1, -1), W3)
    acc3 = _AGG[16](g3, srcp, dstp, z16)
    h4, g4 = _tc_mid(acc3, h3, degs, b3.reshape(1, -1), W4)
    acc4 = _AGG[16](g4, srcp, dstp, z16)
    return _tc_last(acc4, h4, degs, b4.reshape(1, -1))

# --- scband reference (transcript-rebuilt; emitter-appended) ---
"""Pipeline reference for scband-group-gcn-45861660786780 (READ-ONLY COPY).

The authoritative reference and input builder live on the scoring server;
editing this copy changes nothing except your own understanding.
"""

import jax, jax.numpy as jnp
import numpy as np

N_NODES = 10000
N_EDGES = 320000
D_FEAT = 128
NUM_CLASSES = 16


def glorot(key, shape):
    fan_in, fan_out = shape[0], shape[1]
    limit = np.sqrt(6.0 / (fan_in + fan_out))
    return jax.random.uniform(key, shape, dtype=jnp.float32, minval=-limit, maxval=limit)


def setup_inputs(seed: int = 0) -> dict:
    key = jax.random.key(seed)
    ks = jax.random.split(key, 10)
    x = jax.random.normal(ks[0], (N_NODES, D_FEAT), dtype=jnp.float32)
    edge_index = jax.random.randint(ks[1], (2, N_EDGES), 0, N_NODES, dtype=jnp.int64)
    W1 = glorot(ks[2], (D_FEAT, 64))
    b1 = jnp.zeros((64,), dtype=jnp.float32)
    W2 = glorot(ks[3], (64, 32))
    b2 = jnp.zeros((32,), dtype=jnp.float32)
    W3 = glorot(ks[4], (32, 16))
    b3 = jnp.zeros((16,), dtype=jnp.float32)
    W4 = glorot(ks[5], (16, NUM_CLASSES))
    b4 = jnp.zeros((NUM_CLASSES,), dtype=jnp.float32)
    return {"x": x, "edge_index": edge_index, "W1": W1, "b1": b1, "W2": W2, "b2": b2, "W3": W3, "b3": b3, "W4": W4, "b4": b4}


def gcn_conv(x, src, dst, norm, W, b):
    # GCNConv: x' = D^{-1/2}(A+I)D^{-1/2} (x W) + b
    h = x @ W
    msg = h[src] * norm[:, None]
    out = jax.ops.segment_sum(msg, dst, num_segments=x.shape[0])
    return out + b


def gcn_norm(edge_index, num_nodes):
    loop = jnp.arange(num_nodes, dtype=edge_index.dtype)
    src = jnp.concatenate([edge_index[0], loop])
    dst = jnp.concatenate([edge_index[1], loop])
    deg = jnp.zeros((num_nodes,), dtype=jnp.float32).at[dst].add(1.0)
    dinv = jnp.where(deg > 0, 1.0 / jnp.sqrt(deg), 0.0)
    norm = dinv[src] * dinv[dst]
    return src, dst, norm


def reference(x, edge_index, W1, b1, W2, b2, W3, b3, W4, b4):
    src, dst, norm = gcn_norm(edge_index, x.shape[0])
    h = gcn_conv(x, src, dst, norm, W1, b1)
    h = jax.nn.relu(h)
    h = gcn_conv(h, src, dst, norm, W2, b2)
    h = jax.nn.relu(h)
    h = gcn_conv(h, src, dst, norm, W3, b3)
    h = jax.nn.relu(h)
    h = gcn_conv(h, src, dst, norm, W4, b4)
    return jax.nn.log_softmax(h, axis=1)

if __name__ == "__main__":
    import jax
    _d = setup_inputs()
    print(jax.jit(kernel)(*tuple(_d.values())))

</pallas_src>

<mosaic_0001>
#map = affine_map<(d0, d1) -> (0, 0)>
#map1 = affine_map<(d0, d1) -> (0, 0, 0)>
module attributes {stable_mosaic.version = 14 : i64} {
  func.func @agg(%arg0: i32, %arg1: i32, %arg2: memref<10000x64xf32, #tpu.memory_space<hbm>>, %arg3: memref<32x80x128xi32, #tpu.memory_space<hbm>>, %arg4: memref<32x80x128xi32, #tpu.memory_space<hbm>>, %arg5: memref<10112x64xf32, #tpu.memory_space<hbm>>, %arg6: memref<10112x128xf32, #tpu.memory_space<hbm>>, %arg7: memref<80x128xi32, #tpu.memory_space<vmem>>, %arg8: memref<80x128xi32, #tpu.memory_space<vmem>>, %arg9: memref<128x64xf32, #tpu.memory_space<vmem>>, %arg10: memref<128x64xf32, #tpu.memory_space<vmem>>, %arg11: memref<10000x64xf32, #tpu.memory_space<vmem_shared>>, %arg12: memref<10112x64xf32, #tpu.memory_space<vmem_shared>>, %arg13: memref<!tpu.dma_semaphore, #tpu.memory_space<semaphore_mem>>, %arg14: memref<!tpu.dma_semaphore, #tpu.memory_space<semaphore_mem>>) attributes {dimension_semantics = [#tpu.dimension_semantics<core_parallel>, #tpu.dimension_semantics<subcore_parallel>], iteration_bounds = array<i64: 2, 16>, scalar_prefetch = 0 : i64, scratch_operands = 8 : i64, tpu.core_type = #tpu.core_type<sc_vector_subcore>, window_params = [{transform_indices = #map}, {transform_indices = #map1}, {transform_indices = #map1}, {transform_indices = #map}, {transform_indices = #map}]} {
    %mul3A = arith.constant 16 : i32
    %mul3A_0 = arith.muli %arg0, %mul3A : i32
    %add3A = arith.addi %mul3A_0, %arg1 : i32
    "tpu.region"() ({
      %run_scoped3A_39 = tpu.sem_alloc : memref<!tpu.dma_semaphore, #tpu.memory_space<semaphore_mem>>
      %dma_start3A_40 = arith.constant 0 : i32
      %dma_start3A_41 = arith.constant 0 : i32
      %dma_start3A_42 = tpu.memref_slice %arg3[%add3A, %dma_start3A_40, %dma_start3A_41] : memref<32x80x128xi32, #tpu.memory_space<hbm>> -> memref<1x80x128xi32, #tpu.memory_space<hbm>>
      %dma_start3A_43 = tpu.memref_squeeze %dma_start3A_42 : memref<1x80x128xi32, #tpu.memory_space<hbm>> -> memref<80x128xi32, #tpu.memory_space<hbm>>
      %dma_start3A_44 = arith.constant 0 : i32
      %dma_start3A_45 = arith.constant 0 : i32
      %dma_start3A_46 = tpu.memref_slice %arg3[%add3A, %dma_start3A_44, %dma_start3A_45] : memref<32x80x128xi32, #tpu.memory_space<hbm>> -> memref<1x80x128xi32, #tpu.memory_space<hbm>>
      %dma_start3A_47 = tpu.memref_squeeze %dma_start3A_46 : memref<1x80x128xi32, #tpu.memory_space<hbm>> -> memref<80x128xi32, #tpu.memory_space<hbm>>
      tpu.enqueue_dma source(%dma_start3A_47 : memref<80x128xi32, #tpu.memory_space<hbm>>) target(%arg7 : memref<80x128xi32, #tpu.memory_space<vmem>>) target_semaphore(%run_scoped3A_39 : memref<!tpu.dma_semaphore, #tpu.memory_space<semaphore_mem>>)
      %dma_wait3A_48 = arith.constant 0 : i32
      %dma_wait3A_49 = arith.constant 0 : i32
      %dma_wait3A_50 = tpu.memref_slice %arg3[%add3A, %dma_wait3A_48, %dma_wait3A_49] : memref<32x80x128xi32, #tpu.memory_space<hbm>> -> memref<1x80x128xi32, #tpu.memory_space<hbm>>
      %dma_wait3A_51 = tpu.memref_squeeze %dma_wait3A_50 : memref<1x80x128xi32, #tpu.memory_space<hbm>> -> memref<80x128xi32, #tpu.memory_space<hbm>>
      %dma_wait3A_52 = arith.constant 0 : i32
      %dma_wait3A_53 = arith.constant 0 : i32
      %dma_wait3A_54 = tpu.memref_slice %arg3[%add3A, %dma_wait3A_52, %dma_wait3A_53] : memref<32x80x128xi32, #tpu.memory_space<hbm>> -> memref<1x80x128xi32, #tpu.memory_space<hbm>>
      %dma_wait3A_55 = tpu.memref_squeeze %dma_wait3A_54 : memref<1x80x128xi32, #tpu.memory_space<hbm>> -> memref<80x128xi32, #tpu.memory_space<hbm>>
      tpu.wait_dma2 semaphore(%run_scoped3A_39 : memref<!tpu.dma_semaphore, #tpu.memory_space<semaphore_mem>>) src(%dma_wait3A_55 : memref<80x128xi32, #tpu.memory_space<hbm>>) dst(%arg7 : memref<80x128xi32, #tpu.memory_space<vmem>>)
      tpu.yield
    }) : () -> ()
    "tpu.region"() ({
      %run_scoped3A_39 = tpu.sem_alloc : memref<!tpu.dma_semaphore, #tpu.memory_space<semaphore_mem>>
      %dma_start3A_40 = arith.constant 0 : i32
      %dma_start3A_41 = arith.constant 0 : i32
      %dma_start3A_42 = tpu.memref_slice %arg4[%add3A, %dma_start3A_40, %dma_start3A_41] : memref<32x80x128xi32, #tpu.memory_space<hbm>> -> memref<1x80x128xi32, #tpu.memory_space<hbm>>
      %dma_start3A_43 = tpu.memref_squeeze %dma_start3A_42 : memref<1x80x128xi32, #tpu.memory_space<hbm>> -> memref<80x128xi32, #tpu.memory_space<hbm>>
      %dma_start3A_44 = arith.constant 0 : i32
      %dma_start3A_45 = arith.constant 0 : i32
      %dma_start3A_46 = tpu.memref_slice %arg4[%add3A, %dma_start3A_44, %dma_start3A_45] : memref<32x80x128xi32, #tpu.memory_space<hbm>> -> memref<1x80x128xi32, #tpu.memory_space<hbm>>
      %dma_start3A_47 = tpu.memref_squeeze %dma_start3A_46 : memref<1x80x128xi32, #tpu.memory_space<hbm>> -> memref<80x128xi32, #tpu.memory_space<hbm>>
      tpu.enqueue_dma source(%dma_start3A_47 : memref<80x128xi32, #tpu.memory_space<hbm>>) target(%arg8 : memref<80x128xi32, #tpu.memory_space<vmem>>) target_semaphore(%run_scoped3A_39 : memref<!tpu.dma_semaphore, #tpu.memory_space<semaphore_mem>>)
      %dma_wait3A_48 = arith.constant 0 : i32
      %dma_wait3A_49 = arith.constant 0 : i32
      %dma_wait3A_50 = tpu.memref_slice %arg4[%add3A, %dma_wait3A_48, %dma_wait3A_49] : memref<32x80x128xi32, #tpu.memory_space<hbm>> -> memref<1x80x128xi32, #tpu.memory_space<hbm>>
      %dma_wait3A_51 = tpu.memref_squeeze %dma_wait3A_50 : memref<1x80x128xi32, #tpu.memory_space<hbm>> -> memref<80x128xi32, #tpu.memory_space<hbm>>
      %dma_wait3A_52 = arith.constant 0 : i32
      %dma_wait3A_53 = arith.constant 0 : i32
      %dma_wait3A_54 = tpu.memref_slice %arg4[%add3A, %dma_wait3A_52, %dma_wait3A_53] : memref<32x80x128xi32, #tpu.memory_space<hbm>> -> memref<1x80x128xi32, #tpu.memory_space<hbm>>
      %dma_wait3A_55 = tpu.memref_squeeze %dma_wait3A_54 : memref<1x80x128xi32, #tpu.memory_space<hbm>> -> memref<80x128xi32, #tpu.memory_space<hbm>>
      tpu.wait_dma2 semaphore(%run_scoped3A_39 : memref<!tpu.dma_semaphore, #tpu.memory_space<semaphore_mem>>) src(%dma_wait3A_55 : memref<80x128xi32, #tpu.memory_space<hbm>>) dst(%arg8 : memref<80x128xi32, #tpu.memory_space<vmem>>)
      tpu.yield
    }) : () -> ()
    %mul3A_1 = arith.constant 625 : i32
    %mul3A_2 = arith.muli %arg1, %mul3A_1 : i32
    "tpu.region"() ({
      %run_scoped3A_39 = tpu.sem_alloc : memref<!tpu.dma_semaphore, #tpu.memory_space<semaphore_mem>>
      %dma_start3A_40 = arith.constant 0 : i32
      %dma_start3A_41 = tpu.memref_slice %arg11[%mul3A_2, %dma_start3A_40] : memref<10000x64xf32, #tpu.memory_space<vmem_shared>> -> memref<625x64xf32, #tpu.memory_space<vmem_shared>>
      %dma_start3A_42 = arith.constant 0 : i32
      %dma_start3A_43 = tpu.memref_slice %arg2[%mul3A_2, %dma_start3A_42] : memref<10000x64xf32, #tpu.memory_space<hbm>> -> memref<625x64xf32, #tpu.memory_space<hbm>>
      tpu.enqueue_dma source(%dma_start3A_43 : memref<625x64xf32, #tpu.memory_space<hbm>>) target(%dma_start3A_41 : memref<625x64xf32, #tpu.memory_space<vmem_shared>>) target_semaphore(%run_scoped3A_39 : memref<!tpu.dma_semaphore, #tpu.memory_space<semaphore_mem>>)
      %dma_wait3A_44 = arith.constant 0 : i32
      %dma_wait3A_45 = tpu.memref_slice %arg11[%mul3A_2, %dma_wait3A_44] : memref<10000x64xf32, #tpu.memory_space<vmem_shared>> -> memref<625x64xf32, #tpu.memory_space<vmem_shared>>
      %dma_wait3A_46 = arith.constant 0 : i32
      %dma_wait3A_47 = tpu.memref_slice %arg2[%mul3A_2, %dma_wait3A_46] : memref<10000x64xf32, #tpu.memory_space<hbm>> -> memref<625x64xf32, #tpu.memory_space<hbm>>
      tpu.wait_dma2 semaphore(%run_scoped3A_39 : memref<!tpu.dma_semaphore, #tpu.memory_space<semaphore_mem>>) src(%dma_wait3A_47 : memref<625x64xf32, #tpu.memory_space<hbm>>) dst(%dma_wait3A_45 : memref<625x64xf32, #tpu.memory_space<vmem_shared>>)
      tpu.yield
    }) : () -> ()
    %mul3A_3 = arith.constant 632 : i32
    %mul3A_4 = arith.muli %arg1, %mul3A_3 : i32
    "tpu.region"() ({
      %run_scoped3A_39 = tpu.sem_alloc : memref<!tpu.dma_semaphore, #tpu.memory_space<semaphore_mem>>
      %dma_start3A_40 = arith.constant 0 : i32
      %dma_start3A_41 = tpu.memref_slice %arg12[%mul3A_4, %dma_start3A_40] : memref<10112x64xf32, #tpu.memory_space<vmem_shared>> -> memref<632x64xf32, #tpu.memory_space<vmem_shared>>
      %dma_start3A_42 = arith.constant 0 : i32
      %dma_start3A_43 = tpu.memref_slice %arg5[%mul3A_4, %dma_start3A_42] : memref<10112x64xf32, #tpu.memory_space<hbm>> -> memref<632x64xf32, #tpu.memory_space<hbm>>
      tpu.enqueue_dma source(%dma_start3A_43 : memref<632x64xf32, #tpu.memory_space<hbm>>) target(%dma_start3A_41 : memref<632x64xf32, #tpu.memory_space<vmem_shared>>) target_semaphore(%run_scoped3A_39 : memref<!tpu.dma_semaphore, #tpu.memory_space<semaphore_mem>>)
      %dma_wait3A_44 = arith.constant 0 : i32
      %dma_wait3A_45 = tpu.memref_slice %arg12[%mul3A_4, %dma_wait3A_44] : memref<10112x64xf32, #tpu.memory_space<vmem_shared>> -> memref<632x64xf32, #tpu.memory_space<vmem_shared>>
      %dma_wait3A_46 = arith.constant 0 : i32
      %dma_wait3A_47 = tpu.memref_slice %arg5[%mul3A_4, %dma_wait3A_46] : memref<10112x64xf32, #tpu.memory_space<hbm>> -> memref<632x64xf32, #tpu.memory_space<hbm>>
      tpu.wait_dma2 semaphore(%run_scoped3A_39 : memref<!tpu.dma_semaphore, #tpu.memory_space<semaphore_mem>>) src(%dma_wait3A_47 : memref<632x64xf32, #tpu.memory_space<hbm>>) dst(%dma_wait3A_45 : memref<632x64xf32, #tpu.memory_space<vmem_shared>>)
      tpu.yield
    }) : () -> ()
    %barrier3A = arith.constant 0 : index
    tpu.barrier barrier_id(%barrier3A)
    %dma_start3A = arith.constant 0 : i32
    %dma_start3A_5 = arith.constant 0 : i32
    %dma_start3A_6 = tpu.memref_slice %arg7[%dma_start3A, %dma_start3A_5] : memref<80x128xi32, #tpu.memory_space<vmem>> -> memref<1x128xi32, #tpu.memory_space<vmem>>
    %dma_start3A_7 = tpu.memref_squeeze %dma_start3A_6 : memref<1x128xi32, #tpu.memory_space<vmem>> -> memref<128xi32, #tpu.memory_space<vmem>>
    %dma_start3A_8 = arith.constant 0 : i32
    %dma_start3A_9 = arith.constant 0 : i32
    %dma_start3A_10 = tpu.memref_slice %arg11[%dma_start3A_8, %dma_start3A_9] : memref<10000x64xf32, #tpu.memory_space<vmem_shared>> -> memref<10000x64xf32, #tpu.memory_space<vmem_shared>>
    tpu.enqueue_indirect_dma source(%dma_start3A_10 : memref<10000x64xf32, #tpu.memory_space<vmem_shared>>) target(%arg9 : memref<128x64xf32, #tpu.memory_space<vmem>>) offsets(%dma_start3A_7 : memref<128xi32, #tpu.memory_space<vmem>>) semaphore(%arg13 : memref<!tpu.dma_semaphore, #tpu.memory_space<semaphore_mem>>)
    %dma_start3A_11 = arith.constant 1 : i32
    %dma_start3A_12 = arith.constant 0 : i32
    %dma_start3A_13 = tpu.memref_slice %arg7[%dma_start3A_11, %dma_start3A_12] : memref<80x128xi32, #tpu.memory_space<vmem>> -> memref<1x128xi32, #tpu.memory_space<vmem>>
    %dma_start3A_14 = tpu.memref_squeeze %dma_start3A_13 : memref<1x128xi32, #tpu.memory_space<vmem>> -> memref<128xi32, #tpu.memory_space<vmem>>
    %dma_start3A_15 = arith.constant 0 : i32
    %dma_start3A_16 = arith.constant 0 : i32
    %dma_start3A_17 = tpu.memref_slice %arg11[%dma_start3A_15, %dma_start3A_16] : memref<10000x64xf32, #tpu.memory_space<vmem_shared>> -> memref<10000x64xf32, #tpu.memory_space<vmem_shared>>
    tpu.enqueue_indirect_dma source(%dma_start3A_17 : memref<10000x64xf32, #tpu.memory_space<vmem_shared>>) target(%arg10 : memref<128x64xf32, #tpu.memory_space<vmem>>) offsets(%dma_start3A_14 : memref<128xi32, #tpu.memory_space<vmem>>) semaphore(%arg14 : memref<!tpu.dma_semaphore, #tpu.memory_space<semaphore_mem>>)
    %scan3A = arith.constant 0 : i32
    %scan3A_18 = arith.constant 39 : i32
    %scan3A_19 = arith.addi %scan3A, %scan3A_18 : i32
    %scan3A_20 = arith.constant 1 : i32
    scf.for %scan3A_39 = %scan3A to %scan3A_19 step %scan3A_20  : i32 {
      %mul3A_40 = arith.constant 2 : i32
      %mul3A_41 = arith.muli %scan3A_39, %mul3A_40 : i32
      %add3A_42 = arith.constant 0 : i32
      %add3A_43 = arith.addi %add3A_42, %mul3A_41 : i32
      %add3A_44 = arith.constant 0 : i32
      %add3A_45 = arith.addi %add3A_43, %add3A_44 : i32
      %dma_wait3A_46 = arith.constant 0 : i32
      %dma_wait3A_47 = tpu.memref_slice %arg7[%add3A_45, %dma_wait3A_46] : memref<80x128xi32, #tpu.memory_space<vmem>> -> memref<1x128xi32, #tpu.memory_space<vmem>>
      %dma_wait3A_48 = tpu.memref_squeeze %dma_wait3A_47 : memref<1x128xi32, #tpu.memory_space<vmem>> -> memref<128xi32, #tpu.memory_space<vmem>>
      %dma_wait3A_49 = arith.constant 0 : i32
      %dma_wait3A_50 = arith.constant 0 : i32
      %dma_wait3A_51 = tpu.memref_slice %arg11[%dma_wait3A_49, %dma_wait3A_50] : memref<10000x64xf32, #tpu.memory_space<vmem_shared>> -> memref<10000x64xf32, #tpu.memory_space<vmem_shared>>
      tpu.wait_indirect_dma semaphore(%arg13 : memref<!tpu.dma_semaphore, #tpu.memory_space<semaphore_mem>>) src(%dma_wait3A_51 : memref<10000x64xf32, #tpu.memory_space<vmem_shared>>) dst(%arg9 : memref<128x64xf32, #tpu.memory_space<vmem>>)
      "tpu.region"() ({
        %run_scoped3A_76 = tpu.sem_alloc : memref<!tpu.dma_semaphore, #tpu.memory_space<semaphore_mem>>
        %dma_start3A_77 = arith.constant 0 : i32
        %dma_start3A_78 = tpu.memref_slice %arg8[%add3A_45, %dma_start3A_77] : memref<80x128xi32, #tpu.memory_space<vmem>> -> memref<1x128xi32, #tpu.memory_space<vmem>>
        %dma_start3A_79 = tpu.memref_squeeze %dma_start3A_78 : memref<1x128xi32, #tpu.memory_space<vmem>> -> memref<128xi32, #tpu.memory_space<vmem>>
        %dma_start3A_80 = arith.constant 0 : i32
        %dma_start3A_81 = arith.constant 0 : i32
        %dma_start3A_82 = tpu.memref_slice %arg12[%dma_start3A_80, %dma_start3A_81] : memref<10112x64xf32, #tpu.memory_space<vmem_shared>> -> memref<10112x64xf32, #tpu.memory_space<vmem_shared>>
        tpu.enqueue_indirect_dma source(%arg9 : memref<128x64xf32, #tpu.memory_space<vmem>>) target(%dma_start3A_82 : memref<10112x64xf32, #tpu.memory_space<vmem_shared>>) offsets(%dma_start3A_79 : memref<128xi32, #tpu.memory_space<vmem>>) semaphore(%run_scoped3A_76 : memref<!tpu.dma_semaphore, #tpu.memory_space<semaphore_mem>>) {add = true}
        %dma_wait3A_83 = arith.constant 0 : i32
        %dma_wait3A_84 = tpu.memref_slice %arg8[%add3A_45, %dma_wait3A_83] : memref<80x128xi32, #tpu.memory_space<vmem>> -> memref<1x128xi32, #tpu.memory_space<vmem>>
        %dma_wait3A_85 = tpu.memref_squeeze %dma_wait3A_84 : memref<1x128xi32, #tpu.memory_space<vmem>> -> memref<128xi32, #tpu.memory_space<vmem>>
        %dma_wait3A_86 = arith.constant 0 : i32
        %dma_wait3A_87 = arith.constant 0 : i32
        %dma_wait3A_88 = tpu.memref_slice %arg12[%dma_wait3A_86, %dma_wait3A_87] : memref<10112x64xf32, #tpu.memory_space<vmem_shared>> -> memref<10112x64xf32, #tpu.memory_space<vmem_shared>>
        tpu.wait_indirect_dma semaphore(%run_scoped3A_76 : memref<!tpu.dma_semaphore, #tpu.memory_space<semaphore_mem>>) src(%arg9 : memref<128x64xf32, #tpu.memory_space<vmem>>) dst(%dma_wait3A_88 : memref<10112x64xf32, #tpu.memory_space<vmem_shared>>)
        tpu.yield
      }) : () -> ()
      %add3A_52 = arith.constant 2 : i32
      %add3A_53 = arith.addi %add3A_45, %add3A_52 : i32
      %dma_start3A_54 = arith.constant 0 : i32
      %dma_start3A_55 = tpu.memref_slice %arg7[%add3A_53, %dma_start3A_54] : memref<80x128xi32, #tpu.memory_space<vmem>> -> memref<1x128xi32, #tpu.memory_space<vmem>>
      %dma_start3A_56 = tpu.memref_squeeze %dma_start3A_55 : memref<1x128xi32, #tpu.memory_space<vmem>> -> memref<128xi32, #tpu.memory_space<vmem>>
      %dma_start3A_57 = arith.constant 0 : i32
      %dma_start3A_58 = arith.constant 0 : i32
      %dma_start3A_59 = tpu.memref_slice %arg11[%dma_start3A_57, %dma_start3A_58] : memref<10000x64xf32, #tpu.memory_space<vmem_shared>> -> memref<10000x64xf32, #tpu.memory_space<vmem_shared>>
      tpu.enqueue_indirect_dma source(%dma_start3A_59 : memref<10000x64xf32, #tpu.memory_space<vmem_shared>>) target(%arg9 : memref<128x64xf32, #tpu.memory_space<vmem>>) offsets(%dma_start3A_56 : memref<128xi32, #tpu.memory_space<vmem>>) semaphore(%arg13 : memref<!tpu.dma_semaphore, #tpu.memory_space<semaphore_mem>>)
      %add3A_60 = arith.constant 1 : i32
      %add3A_61 = arith.addi %add3A_43, %add3A_60 : i32
      %dma_wait3A_62 = arith.constant 0 : i32
      %dma_wait3A_63 = tpu.memref_slice %arg7[%add3A_61, %dma_wait3A_62] : memref<80x128xi32, #tpu.memory_space<vmem>> -> memref<1x128xi32, #tpu.memory_space<vmem>>
      %dma_wait3A_64 = tpu.memref_squeeze %dma_wait3A_63 : memref<1x128xi32, #tpu.memory_space<vmem>> -> memref<128xi32, #tpu.memory_space<vmem>>
      %dma_wait3A_65 = arith.constant 0 : i32
      %dma_wait3A_66 = arith.constant 0 : i32
      %dma_wait3A_67 = tpu.memref_slice %arg11[%dma_wait3A_65, %dma_wait3A_66] : memref<10000x64xf32, #tpu.memory_space<vmem_shared>> -> memref<10000x64xf32, #tpu.memory_space<vmem_shared>>
      tpu.wait_indirect_dma semaphore(%arg14 : memref<!tpu.dma_semaphore, #tpu.memory_space<semaphore_mem>>) src(%dma_wait3A_67 : memref<10000x64xf32, #tpu.memory_space<vmem_shared>>) dst(%arg10 : memref<128x64xf32, #tpu.memory_space<vmem>>)
      "tpu.region"() ({
        %run_scoped3A_76 = tpu.sem_alloc : memref<!tpu.dma_semaphore, #tpu.memory_space<semaphore_mem>>
        %dma_start3A_77 = arith.constant 0 : i32
        %dma_start3A_78 = tpu.memref_slice %arg8[%add3A_61, %dma_start3A_77] : memref<80x128xi32, #tpu.memory_space<vmem>> -> memref<1x128xi32, #tpu.memory_space<vmem>>
        %dma_start3A_79 = tpu.memref_squeeze %dma_start3A_78 : memref<1x128xi32, #tpu.memory_space<vmem>> -> memref<128xi32, #tpu.memory_space<vmem>>
        %dma_start3A_80 = arith.constant 0 : i32
        %dma_start3A_81 = arith.constant 0 : i32
        %dma_start3A_82 = tpu.memref_slice %arg12[%dma_start3A_80, %dma_start3A_81] : memref<10112x64xf32, #tpu.memory_space<vmem_shared>> -> memref<10112x64xf32, #tpu.memory_space<vmem_shared>>
        tpu.enqueue_indirect_dma source(%arg10 : memref<128x64xf32, #tpu.memory_space<vmem>>) target(%dma_start3A_82 : memref<10112x64xf32, #tpu.memory_space<vmem_shared>>) offsets(%dma_start3A_79 : memref<128xi32, #tpu.memory_space<vmem>>) semaphore(%run_scoped3A_76 : memref<!tpu.dma_semaphore, #tpu.memory_space<semaphore_mem>>) {add = true}
        %dma_wait3A_83 = arith.constant 0 : i32
        %dma_wait3A_84 = tpu.memref_slice %arg8[%add3A_61, %dma_wait3A_83] : memref<80x128xi32, #tpu.memory_space<vmem>> -> memref<1x128xi32, #tpu.memory_space<vmem>>
        %dma_wait3A_85 = tpu.memref_squeeze %dma_wait3A_84 : memref<1x128xi32, #tpu.memory_space<vmem>> -> memref<128xi32, #tpu.memory_space<vmem>>
        %dma_wait3A_86 = arith.constant 0 : i32
        %dma_wait3A_87 = arith.constant 0 : i32
        %dma_wait3A_88 = tpu.memref_slice %arg12[%dma_wait3A_86, %dma_wait3A_87] : memref<10112x64xf32, #tpu.memory_space<vmem_shared>> -> memref<10112x64xf32, #tpu.memory_space<vmem_shared>>
        tpu.wait_indirect_dma semaphore(%run_scoped3A_76 : memref<!tpu.dma_semaphore, #tpu.memory_space<semaphore_mem>>) src(%arg10 : memref<128x64xf32, #tpu.memory_space<vmem>>) dst(%dma_wait3A_88 : memref<10112x64xf32, #tpu.memory_space<vmem_shared>>)
        tpu.yield
      }) : () -> ()
      %add3A_68 = arith.constant 2 : i32
      %add3A_69 = arith.addi %add3A_61, %add3A_68 : i32
      %dma_start3A_70 = arith.constant 0 : i32
      %dma_start3A_71 = tpu.memref_slice %arg7[%add3A_69, %dma_start3A_70] : memref<80x128xi32, #tpu.memory_space<vmem>> -> memref<1x128xi32, #tpu.memory_space<vmem>>
      %dma_start3A_72 = tpu.memref_squeeze %dma_start3A_71 : memref<1x128xi32, #tpu.memory_space<vmem>> -> memref<128xi32, #tpu.memory_space<vmem>>
      %dma_start3A_73 = arith.constant 0 : i32
      %dma_start3A_74 = arith.constant 0 : i32
      %dma_start3A_75 = tpu.memref_slice %arg11[%dma_start3A_73, %dma_start3A_74] : memref<10000x64xf32, #tpu.memory_space<vmem_shared>> -> memref<10000x64xf32, #tpu.memory_space<vmem_shared>>
      tpu.enqueue_indirect_dma source(%dma_start3A_75 : memref<10000x64xf32, #tpu.memory_space<vmem_shared>>) target(%arg10 : memref<128x64xf32, #tpu.memory_space<vmem>>) offsets(%dma_start3A_72 : memref<128xi32, #tpu.memory_space<vmem>>) semaphore(%arg14 : memref<!tpu.dma_semaphore, #tpu.memory_space<semaphore_mem>>)
    }
    %scan3A_21 = arith.constant 39 : i32
    %dma_wait3A = arith.constant 78 : i32
    %dma_wait3A_22 = arith.constant 0 : i32
    %dma_wait3A_23 = tpu.memref_slice %arg7[%dma_wait3A, %dma_wait3A_22] : memref<80x128xi32, #tpu.memory_space<vmem>> -> memref<1x128xi32, #tpu.memory_space<vmem>>
    %dma_wait3A_24 = tpu.memref_squeeze %dma_wait3A_23 : memref<1x128xi32, #tpu.memory_space<vmem>> -> memref<128xi32, #tpu.memory_space<vmem>>
    %dma_wait3A_25 = arith.constant 0 : i32
    %dma_wait3A_26 = arith.constant 0 : i32
    %dma_wait3A_27 = tpu.memref_slice %arg11[%dma_wait3A_25, %dma_wait3A_26] : memref<10000x64xf32, #tpu.memory_space<vmem_shared>> -> memref<10000x64xf32, #tpu.memory_space<vmem_shared>>
    tpu.wait_indirect_dma semaphore(%arg13 : memref<!tpu.dma_semaphore, #tpu.memory_space<semaphore_mem>>) src(%dma_wait3A_27 : memref<10000x64xf32, #tpu.memory_space<vmem_shared>>) dst(%arg9 : memref<128x64xf32, #tpu.memory_space<vmem>>)
    %run_scoped3A = arith.constant 78 : i32
    "tpu.region"() ({
      %run_scoped3A_39 = tpu.sem_alloc : memref<!tpu.dma_semaphore, #tpu.memory_space<semaphore_mem>>
      %dma_start3A_40 = arith.constant 0 : i32
      %dma_start3A_41 = tpu.memref_slice %arg8[%run_scoped3A, %dma_start3A_40] : memref<80x128xi32, #tpu.memory_space<vmem>> -> memref<1x128xi32, #tpu.memory_space<vmem>>
      %dma_start3A_42 = tpu.memref_squeeze %dma_start3A_41 : memref<1x128xi32, #tpu.memory_space<vmem>> -> memref<128xi32, #tpu.memory_space<vmem>>
      %dma_start3A_43 = arith.constant 0 : i32
      %dma_start3A_44 = arith.constant 0 : i32
      %dma_start3A_45 = tpu.memref_slice %arg12[%dma_start3A_43, %dma_start3A_44] : memref<10112x64xf32, #tpu.memory_space<vmem_shared>> -> memref<10112x64xf32, #tpu.memory_space<vmem_shared>>
      tpu.enqueue_indirect_dma source(%arg9 : memref<128x64xf32, #tpu.memory_space<vmem>>) target(%dma_start3A_45 : memref<10112x64xf32, #tpu.memory_space<vmem_shared>>) offsets(%dma_start3A_42 : memref<128xi32, #tpu.memory_space<vmem>>) semaphore(%run_scoped3A_39 : memref<!tpu.dma_semaphore, #tpu.memory_space<semaphore_mem>>) {add = true}
      %dma_wait3A_46 = arith.constant 0 : i32
      %dma_wait3A_47 = tpu.memref_slice %arg8[%run_scoped3A, %dma_wait3A_46] : memref<80x128xi32, #tpu.memory_space<vmem>> -> memref<1x128xi32, #tpu.memory_space<vmem>>
      %dma_wait3A_48 = tpu.memref_squeeze %dma_wait3A_47 : memref<1x128xi32, #tpu.memory_space<vmem>> -> memref<128xi32, #tpu.memory_space<vmem>>
      %dma_wait3A_49 = arith.constant 0 : i32
      %dma_wait3A_50 = arith.constant 0 : i32
      %dma_wait3A_51 = tpu.memref_slice %arg12[%dma_wait3A_49, %dma_wait3A_50] : memref<10112x64xf32, #tpu.memory_space<vmem_shared>> -> memref<10112x64xf32, #tpu.memory_space<vmem_shared>>
      tpu.wait_indirect_dma semaphore(%run_scoped3A_39 : memref<!tpu.dma_semaphore, #tpu.memory_space<semaphore_mem>>) src(%arg9 : memref<128x64xf32, #tpu.memory_space<vmem>>) dst(%dma_wait3A_51 : memref<10112x64xf32, #tpu.memory_space<vmem_shared>>)
      tpu.yield
    }) : () -> ()
    %dma_wait3A_28 = arith.constant 79 : i32
    %dma_wait3A_29 = arith.constant 0 : i32
    %dma_wait3A_30 = tpu.memref_slice %arg7[%dma_wait3A_28, %dma_wait3A_29] : memref<80x128xi32, #tpu.memory_space<vmem>> -> memref<1x128xi32, #tpu.memory_space<vmem>>
    %dma_wait3A_31 = tpu.memref_squeeze %dma_wait3A_30 : memref<1x128xi32, #tpu.memory_space<vmem>> -> memref<128xi32, #tpu.memory_space<vmem>>
    %dma_wait3A_32 = arith.constant 0 : i32
    %dma_wait3A_33 = arith.constant 0 : i32
    %dma_wait3A_34 = tpu.memref_slice %arg11[%dma_wait3A_32, %dma_wait3A_33] : memref<10000x64xf32, #tpu.memory_space<vmem_shared>> -> memref<10000x64xf32, #tpu.memory_space<vmem_shared>>
    tpu.wait_indirect_dma semaphore(%arg14 : memref<!tpu.dma_semaphore, #tpu.memory_space<semaphore_mem>>) src(%dma_wait3A_34 : memref<10000x64xf32, #tpu.memory_space<vmem_shared>>) dst(%arg10 : memref<128x64xf32, #tpu.memory_space<vmem>>)
    %run_scoped3A_35 = arith.constant 79 : i32
    "tpu.region"() ({
      %run_scoped3A_39 = tpu.sem_alloc : memref<!tpu.dma_semaphore, #tpu.memory_space<semaphore_mem>>
      %dma_start3A_40 = arith.constant 0 : i32
      %dma_start3A_41 = tpu.memref_slice %arg8[%run_scoped3A_35, %dma_start3A_40] : memref<80x128xi32, #tpu.memory_space<vmem>> -> memref<1x128xi32, #tpu.memory_space<vmem>>
      %dma_start3A_42 = tpu.memref_squeeze %dma_start3A_41 : memref<1x128xi32, #tpu.memory_space<vmem>> -> memref<128xi32, #tpu.memory_space<vmem>>
      %dma_start3A_43 = arith.constant 0 : i32
      %dma_start3A_44 = arith.constant 0 : i32
      %dma_start3A_45 = tpu.memref_slice %arg12[%dma_start3A_43, %dma_start3A_44] : memref<10112x64xf32, #tpu.memory_space<vmem_shared>> -> memref<10112x64xf32, #tpu.memory_space<vmem_shared>>
      tpu.enqueue_indirect_dma source(%arg10 : memref<128x64xf32, #tpu.memory_space<vmem>>) target(%dma_start3A_45 : memref<10112x64xf32, #tpu.memory_space<vmem_shared>>) offsets(%dma_start3A_42 : memref<128xi32, #tpu.memory_space<vmem>>) semaphore(%run_scoped3A_39 : memref<!tpu.dma_semaphore, #tpu.memory_space<semaphore_mem>>) {add = true}
      %dma_wait3A_46 = arith.constant 0 : i32
      %dma_wait3A_47 = tpu.memref_slice %arg8[%run_scoped3A_35, %dma_wait3A_46] : memref<80x128xi32, #tpu.memory_space<vmem>> -> memref<1x128xi32, #tpu.memory_space<vmem>>
      %dma_wait3A_48 = tpu.memref_squeeze %dma_wait3A_47 : memref<1x128xi32, #tpu.memory_space<vmem>> -> memref<128xi32, #tpu.memory_space<vmem>>
      %dma_wait3A_49 = arith.constant 0 : i32
      %dma_wait3A_50 = arith.constant 0 : i32
      %dma_wait3A_51 = tpu.memref_slice %arg12[%dma_wait3A_49, %dma_wait3A_50] : memref<10112x64xf32, #tpu.memory_space<vmem_shared>> -> memref<10112x64xf32, #tpu.memory_space<vmem_shared>>
      tpu.wait_indirect_dma semaphore(%run_scoped3A_39 : memref<!tpu.dma_semaphore, #tpu.memory_space<semaphore_mem>>) src(%arg10 : memref<128x64xf32, #tpu.memory_space<vmem>>) dst(%dma_wait3A_51 : memref<10112x64xf32, #tpu.memory_space<vmem_shared>>)
      tpu.yield
    }) : () -> ()
    %barrier3A_36 = arith.constant 0 : index
    tpu.barrier barrier_id(%barrier3A_36)
    %mul3A_37 = arith.constant 64 : i32
    %mul3A_38 = arith.muli %arg0, %mul3A_37 : i32
    "tpu.region"() ({
      %run_scoped3A_39 = tpu.sem_alloc : memref<!tpu.dma_semaphore, #tpu.memory_space<semaphore_mem>>
      %dma_start3A_40 = tpu.memref_slice %arg6[%mul3A_4, %mul3A_38] : memref<10112x128xf32, #tpu.memory_space<hbm>> -> memref<632x64xf32, #tpu.memory_space<hbm>>
      %dma_start3A_41 = arith.constant 0 : i32
      %dma_start3A_42 = tpu.memref_slice %arg12[%mul3A_4, %dma_start3A_41] : memref<10112x64xf32, #tpu.memory_space<vmem_shared>> -> memref<632x64xf32, #tpu.memory_space<vmem_shared>>
      tpu.enqueue_dma source(%dma_start3A_42 : memref<632x64xf32, #tpu.memory_space<vmem_shared>>) target(%dma_start3A_40 : memref<632x64xf32, #tpu.memory_space<hbm>>) target_semaphore(%run_scoped3A_39 : memref<!tpu.dma_semaphore, #tpu.memory_space<semaphore_mem>>)
      %dma_wait3A_43 = tpu.memref_slice %arg6[%mul3A_4, %mul3A_38] : memref<10112x128xf32, #tpu.memory_space<hbm>> -> memref<632x64xf32, #tpu.memory_space<hbm>>
      %dma_wait3A_44 = arith.constant 0 : i32
      %dma_wait3A_45 = tpu.memref_slice %arg12[%mul3A_4, %dma_wait3A_44] : memref<10112x64xf32, #tpu.memory_space<vmem_shared>> -> memref<632x64xf32, #tpu.memory_space<vmem_shared>>
      tpu.wait_dma2 semaphore(%run_scoped3A_39 : memref<!tpu.dma_semaphore, #tpu.memory_space<semaphore_mem>>) src(%dma_wait3A_45 : memref<632x64xf32, #tpu.memory_space<vmem_shared>>) dst(%dma_wait3A_43 : memref<632x64xf32, #tpu.memory_space<hbm>>)
      tpu.yield
    }) : () -> ()
    return
  }
}

#map = affine_map<(d0, d1) -> (0, 0, 0)>
#map1 = affine_map<(d0, d1) -> (0, 0)>
module attributes {stable_mosaic.version = 14 : i64} {
  func.func @_sc_deg(%arg0: i32, %arg1: i32, %arg2: memref<32x80x128xi32, #tpu.memory_space<hbm>>, %arg3: memref<128x8xf32, #tpu.memory_space<hbm>>, %arg4: memref<10112x8xf32, #tpu.memory_space<hbm>>, %arg5: memref<10112x16xf32, #tpu.memory_space<hbm>>, %arg6: memref<80x128xi32, #tpu.memory_space<vmem>>, %arg7: memref<128x8xf32, #tpu.memory_space<vmem>>, %arg8: memref<10112x8xf32, #tpu.memory_space<vmem_shared>>, %arg9: memref<!tpu.dma_semaphore, #tpu.memory_space<semaphore_mem>>) attributes {dimension_semantics = [#tpu.dimension_semantics<core_parallel>, #tpu.dimension_semantics<subcore_parallel>], iteration_bounds = array<i64: 2, 16>, scalar_prefetch = 0 : i64, scratch_operands = 4 : i64, tpu.core_type = #tpu.core_type<sc_vector_subcore>, window_params = [{transform_indices = #map}, {transform_indices = #map1}, {transform_indices = #map1}, {transform_indices = #map1}]} {
    %mul3A = arith.constant 16 : i32
    %mul3A_0 = arith.muli %arg0, %mul3A : i32
    %add3A = arith.addi %mul3A_0, %arg1 : i32
    "tpu.region"() ({
      %run_scoped3A = tpu.sem_alloc : memref<!tpu.dma_semaphore, #tpu.memory_space<semaphore_mem>>
      %dma_start3A = arith.constant 0 : i32
      %dma_start3A_15 = arith.constant 0 : i32
      %dma_start3A_16 = tpu.memref_slice %arg2[%add3A, %dma_start3A, %dma_start3A_15] : memref<32x80x128xi32, #tpu.memory_space<hbm>> -> memref<1x80x128xi32, #tpu.memory_space<hbm>>
      %dma_start3A_17 = tpu.memref_squeeze %dma_start3A_16 : memref<1x80x128xi32, #tpu.memory_space<hbm>> -> memref<80x128xi32, #tpu.memory_space<hbm>>
      %dma_start3A_18 = arith.constant 0 : i32
      %dma_start3A_19 = arith.constant 0 : i32
      %dma_start3A_20 = tpu.memref_slice %arg2[%add3A, %dma_start3A_18, %dma_start3A_19] : memref<32x80x128xi32, #tpu.memory_space<hbm>> -> memref<1x80x128xi32, #tpu.memory_space<hbm>>
      %dma_start3A_21 = tpu.memref_squeeze %dma_start3A_20 : memref<1x80x128xi32, #tpu.memory_space<hbm>> -> memref<80x128xi32, #tpu.memory_space<hbm>>
      tpu.enqueue_dma source(%dma_start3A_21 : memref<80x128xi32, #tpu.memory_space<hbm>>) target(%arg6 : memref<80x128xi32, #tpu.memory_space<vmem>>) target_semaphore(%run_scoped3A : memref<!tpu.dma_semaphore, #tpu.memory_space<semaphore_mem>>)
      %dma_wait3A = arith.constant 0 : i32
      %dma_wait3A_22 = arith.constant 0 : i32
      %dma_wait3A_23 = tpu.memref_slice %arg2[%add3A, %dma_wait3A, %dma_wait3A_22] : memref<32x80x128xi32, #tpu.memory_space<hbm>> -> memref<1x80x128xi32, #tpu.memory_space<hbm>>
      %dma_wait3A_24 = tpu.memref_squeeze %dma_wait3A_23 : memref<1x80x128xi32, #tpu.memory_space<hbm>> -> memref<80x128xi32, #tpu.memory_space<hbm>>
      %dma_wait3A_25 = arith.constant 0 : i32
      %dma_wait3A_26 = arith.constant 0 : i32
      %dma_wait3A_27 = tpu.memref_slice %arg2[%add3A, %dma_wait3A_25, %dma_wait3A_26] : memref<32x80x128xi32, #tpu.memory_space<hbm>> -> memref<1x80x128xi32, #tpu.memory_space<hbm>>
      %dma_wait3A_28 = tpu.memref_squeeze %dma_wait3A_27 : memref<1x80x128xi32, #tpu.memory_space<hbm>> -> memref<80x128xi32, #tpu.memory_space<hbm>>
      tpu.wait_dma2 semaphore(%run_scoped3A : memref<!tpu.dma_semaphore, #tpu.memory_space<semaphore_mem>>) src(%dma_wait3A_28 : memref<80x128xi32, #tpu.memory_space<hbm>>) dst(%arg6 : memref<80x128xi32, #tpu.memory_space<vmem>>)
      tpu.yield
    }) : () -> ()
    "tpu.region"() ({
      %run_scoped3A = tpu.sem_alloc : memref<!tpu.dma_semaphore, #tpu.memory_space<semaphore_mem>>
      tpu.enqueue_dma source(%arg3 : memref<128x8xf32, #tpu.memory_space<hbm>>) target(%arg7 : memref<128x8xf32, #tpu.memory_space<vmem>>) target_semaphore(%run_scoped3A : memref<!tpu.dma_semaphore, #tpu.memory_space<semaphore_mem>>)
      tpu.wait_dma2 semaphore(%run_scoped3A : memref<!tpu.dma_semaphore, #tpu.memory_space<semaphore_mem>>) src(%arg3 : memref<128x8xf32, #tpu.memory_space<hbm>>) dst(%arg7 : memref<128x8xf32, #tpu.memory_space<vmem>>)
      tpu.yield
    }) : () -> ()
    %mul3A_1 = arith.constant 632 : i32
    %mul3A_2 = arith.muli %arg1, %mul3A_1 : i32
    "tpu.region"() ({
      %run_scoped3A = tpu.sem_alloc : memref<!tpu.dma_semaphore, #tpu.memory_space<semaphore_mem>>
      %dma_start3A = arith.constant 0 : i32
      %dma_start3A_15 = tpu.memref_slice %arg8[%mul3A_2, %dma_start3A] : memref<10112x8xf32, #tpu.memory_space<vmem_shared>> -> memref<632x8xf32, #tpu.memory_space<vmem_shared>>
      %dma_start3A_16 = arith.constant 0 : i32
      %dma_start3A_17 = tpu.memref_slice %arg4[%mul3A_2, %dma_start3A_16] : memref<10112x8xf32, #tpu.memory_space<hbm>> -> memref<632x8xf32, #tpu.memory_space<hbm>>
      tpu.enqueue_dma source(%dma_start3A_17 : memref<632x8xf32, #tpu.memory_space<hbm>>) target(%dma_start3A_15 : memref<632x8xf32, #tpu.memory_space<vmem_shared>>) target_semaphore(%run_scoped3A : memref<!tpu.dma_semaphore, #tpu.memory_space<semaphore_mem>>)
      %dma_wait3A = arith.constant 0 : i32
      %dma_wait3A_18 = tpu.memref_slice %arg8[%mul3A_2, %dma_wait3A] : memref<10112x8xf32, #tpu.memory_space<vmem_shared>> -> memref<632x8xf32, #tpu.memory_space<vmem_shared>>
      %dma_wait3A_19 = arith.constant 0 : i32
      %dma_wait3A_20 = tpu.memref_slice %arg4[%mul3A_2, %dma_wait3A_19] : memref<10112x8xf32, #tpu.memory_space<hbm>> -> memref<632x8xf32, #tpu.memory_space<hbm>>
      tpu.wait_dma2 semaphore(%run_scoped3A : memref<!tpu.dma_semaphore, #tpu.memory_space<semaphore_mem>>) src(%dma_wait3A_20 : memref<632x8xf32, #tpu.memory_space<hbm>>) dst(%dma_wait3A_18 : memref<632x8xf32, #tpu.memory_space<vmem_shared>>)
      tpu.yield
    }) : () -> ()
    %barrier3A = arith.constant 0 : index
    tpu.barrier barrier_id(%barrier3A)
    %scan3A = arith.constant 0 : i32
    %scan3A_3 = arith.constant 80 : i32
    %scan3A_4 = arith.addi %scan3A, %scan3A_3 : i32
    %scan3A_5 = arith.constant 1 : i32
    scf.for %scan3A_15 = %scan3A to %scan3A_4 step %scan3A_5  : i32 {
      %mul3A_16 = arith.constant 1 : i32
      %mul3A_17 = arith.muli %scan3A_15, %mul3A_16 : i32
      %add3A_18 = arith.constant 0 : i32
      %add3A_19 = arith.addi %add3A_18, %mul3A_17 : i32
      %dma_start3A = arith.constant 0 : i32
      %dma_start3A_20 = tpu.memref_slice %arg6[%add3A_19, %dma_start3A] : memref<80x128xi32, #tpu.memory_space<vmem>> -> memref<1x128xi32, #tpu.memory_space<vmem>>
      %dma_start3A_21 = tpu.memref_squeeze %dma_start3A_20 : memref<1x128xi32, #tpu.memory_space<vmem>> -> memref<128xi32, #tpu.memory_space<vmem>>
      %dma_start3A_22 = arith.constant 0 : i32
      %dma_start3A_23 = arith.constant 0 : i32
      %dma_start3A_24 = tpu.memref_slice %arg8[%dma_start3A_22, %dma_start3A_23] : memref<10112x8xf32, #tpu.memory_space<vmem_shared>> -> memref<10112x8xf32, #tpu.memory_space<vmem_shared>>
      tpu.enqueue_indirect_dma source(%arg7 : memref<128x8xf32, #tpu.memory_space<vmem>>) target(%dma_start3A_24 : memref<10112x8xf32, #tpu.memory_space<vmem_shared>>) offsets(%dma_start3A_21 : memref<128xi32, #tpu.memory_space<vmem>>) semaphore(%arg9 : memref<!tpu.dma_semaphore, #tpu.memory_space<semaphore_mem>>) {add = true}
    }
    %scan3A_6 = arith.constant 80 : i32
    %scan3A_7 = arith.constant 0 : i32
    %scan3A_8 = arith.constant 80 : i32
    %scan3A_9 = arith.addi %scan3A_7, %scan3A_8 : i32
    %scan3A_10 = arith.constant 1 : i32
    scf.for %scan3A_15 = %scan3A_7 to %scan3A_9 step %scan3A_10  : i32 {
      %mul3A_16 = arith.constant 1 : i32
      %mul3A_17 = arith.muli %scan3A_15, %mul3A_16 : i32
      %add3A_18 = arith.constant 0 : i32
      %add3A_19 = arith.addi %add3A_18, %mul3A_17 : i32
      %dma_wait3A = arith.constant 0 : i32
      %dma_wait3A_20 = tpu.memref_slice %arg6[%add3A_19, %dma_wait3A] : memref<80x128xi32, #tpu.memory_space<vmem>> -> memref<1x128xi32, #tpu.memory_space<vmem>>
      %dma_wait3A_21 = tpu.memref_squeeze %dma_wait3A_20 : memref<1x128xi32, #tpu.memory_space<vmem>> -> memref<128xi32, #tpu.memory_space<vmem>>
      %dma_wait3A_22 = arith.constant 0 : i32
      %dma_wait3A_23 = arith.constant 0 : i32
      %dma_wait3A_24 = tpu.memref_slice %arg8[%dma_wait3A_22, %dma_wait3A_23] : memref<10112x8xf32, #tpu.memory_space<vmem_shared>> -> memref<10112x8xf32, #tpu.memory_space<vmem_shared>>
      tpu.wait_indirect_dma semaphore(%arg9 : memref<!tpu.dma_semaphore, #tpu.memory_space<semaphore_mem>>) src(%arg7 : memref<128x8xf32, #tpu.memory_space<vmem>>) dst(%dma_wait3A_24 : memref<10112x8xf32, #tpu.memory_space<vmem_shared>>)
    }
    %scan3A_11 = arith.constant 80 : i32
    %barrier3A_12 = arith.constant 0 : index
    tpu.barrier barrier_id(%barrier3A_12)
    %mul3A_13 = arith.constant 8 : i32
    %mul3A_14 = arith.muli %arg0, %mul3A_13 : i32
    "tpu.region"() ({
      %run_scoped3A = tpu.sem_alloc : memref<!tpu.dma_semaphore, #tpu.memory_space<semaphore_mem>>
      %dma_start3A = tpu.memref_slice %arg5[%mul3A_2, %mul3A_14] : memref<10112x16xf32, #tpu.memory_space<hbm>> -> memref<632x8xf32, #tpu.memory_space<hbm>>
      %dma_start3A_15 = arith.constant 0 : i32
      %dma_start3A_16 = tpu.memref_slice %arg8[%mul3A_2, %dma_start3A_15] : memref<10112x8xf32, #tpu.memory_space<vmem_shared>> -> memref<632x8xf32, #tpu.memory_space<vmem_shared>>
      tpu.enqueue_dma source(%dma_start3A_16 : memref<632x8xf32, #tpu.memory_space<vmem_shared>>) target(%dma_start3A : memref<632x8xf32, #tpu.memory_space<hbm>>) target_semaphore(%run_scoped3A : memref<!tpu.dma_semaphore, #tpu.memory_space<semaphore_mem>>)
      %dma_wait3A = tpu.memref_slice %arg5[%mul3A_2, %mul3A_14] : memref<10112x16xf32, #tpu.memory_space<hbm>> -> memref<632x8xf32, #tpu.memory_space<hbm>>
      %dma_wait3A_17 = arith.constant 0 : i32
      %dma_wait3A_18 = tpu.memref_slice %arg8[%mul3A_2, %dma_wait3A_17] : memref<10112x8xf32, #tpu.memory_space<vmem_shared>> -> memref<632x8xf32, #tpu.memory_space<vmem_shared>>
      tpu.wait_dma2 semaphore(%run_scoped3A : memref<!tpu.dma_semaphore, #tpu.memory_space<semaphore_mem>>) src(%dma_wait3A_18 : memref<632x8xf32, #tpu.memory_space<vmem_shared>>) dst(%dma_wait3A : memref<632x8xf32, #tpu.memory_space<hbm>>)
      tpu.yield
    }) : () -> ()
    return
  }
}

#map = affine_map<(d0, d1) -> (0, 0)>
#map1 = affine_map<(d0, d1) -> (0, 0, 0)>
module attributes {stable_mosaic.version = 14 : i64} {
  func.func @agg(%arg0: i32, %arg1: i32, %arg2: memref<10000x16xf32, #tpu.memory_space<hbm>>, %arg3: memref<32x80x128xi32, #tpu.memory_space<hbm>>, %arg4: memref<32x80x128xi32, #tpu.memory_space<hbm>>, %arg5: memref<10112x16xf32, #tpu.memory_space<hbm>>, %arg6: memref<10112x32xf32, #tpu.memory_space<hbm>>, %arg7: memref<80x128xi32, #tpu.memory_space<vmem>>, %arg8: memref<80x128xi32, #tpu.memory_space<vmem>>, %arg9: memref<128x16xf32, #tpu.memory_space<vmem>>, %arg10: memref<128x16xf32, #tpu.memory_space<vmem>>, %arg11: memref<10000x16xf32, #tpu.memory_space<vmem_shared>>, %arg12: memref<10112x16xf32, #tpu.memory_space<vmem_shared>>, %arg13: memref<!tpu.dma_semaphore, #tpu.memory_space<semaphore_mem>>, %arg14: memref<!tpu.dma_semaphore, #tpu.memory_space<semaphore_mem>>) attributes {dimension_semantics = [#tpu.dimension_semantics<core_parallel>, #tpu.dimension_semantics<subcore_parallel>], iteration_bounds = array<i64: 2, 16>, scalar_prefetch = 0 : i64, scratch_operands = 8 : i64, tpu.core_type = #tpu.core_type<sc_vector_subcore>, window_params = [{transform_indices = #map}, {transform_indices = #map1}, {transform_indices = #map1}, {transform_indices = #map}, {transform_indices = #map}]} {
    %mul3A = arith.constant 16 : i32
    %mul3A_0 = arith.muli %arg0, %mul3A : i32
    %add3A = arith.addi %mul3A_0, %arg1 : i32
    "tpu.region"() ({
      %run_scoped3A_39 = tpu.sem_alloc : memref<!tpu.dma_semaphore, #tpu.memory_space<semaphore_mem>>
      %dma_start3A_40 = arith.constant 0 : i32
      %dma_start3A_41 = arith.constant 0 : i32
      %dma_start3A_42 = tpu.memref_slice %arg3[%add3A, %dma_start3A_40, %dma_start3A_41] : memref<32x80x128xi32, #tpu.memory_space<hbm>> -> memref<1x80x128xi32, #tpu.memory_space<hbm>>
      %dma_start3A_43 = tpu.memref_squeeze %dma_start3A_42 : memref<1x80x128xi32, #tpu.memory_space<hbm>> -> memref<80x128xi32, #tpu.memory_space<hbm>>
      %dma_start3A_44 = arith.constant 0 : i32
      %dma_start3A_45 = arith.constant 0 : i32
      %dma_start3A_46 = tpu.memref_slice %arg3[%add3A, %dma_start3A_44, %dma_start3A_45] : memref<32x80x128xi32, #tpu.memory_space<hbm>> -> memref<1x80x128xi32, #tpu.memory_space<hbm>>
      %dma_start3A_47 = tpu.memref_squeeze %dma_start3A_46 : memref<1x80x128xi32, #tpu.memory_space<hbm>> -> memref<80x128xi32, #tpu.memory_space<hbm>>
      tpu.enqueue_dma source(%dma_start3A_47 : memref<80x128xi32, #tpu.memory_space<hbm>>) target(%arg7 : memref<80x128xi32, #tpu.memory_space<vmem>>) target_semaphore(%run_scoped3A_39 : memref<!tpu.dma_semaphore, #tpu.memory_space<semaphore_mem>>)
      %dma_wait3A_48 = arith.constant 0 : i32
      %dma_wait3A_49 = arith.constant 0 : i32
      %dma_wait3A_50 = tpu.memref_slice %arg3[%add3A, %dma_wait3A_48, %dma_wait3A_49] : memref<32x80x128xi32, #tpu.memory_space<hbm>> -> memref<1x80x128xi32, #tpu.memory_space<hbm>>
      %dma_wait3A_51 = tpu.memref_squeeze %dma_wait3A_50 : memref<1x80x128xi32, #tpu.memory_space<hbm>> -> memref<80x128xi32, #tpu.memory_space<hbm>>
      %dma_wait3A_52 = arith.constant 0 : i32
      %dma_wait3A_53 = arith.constant 0 : i32
      %dma_wait3A_54 = tpu.memref_slice %arg3[%add3A, %dma_wait3A_52, %dma_wait3A_53] : memref<32x80x128xi32, #tpu.memory_space<hbm>> -> memref<1x80x128xi32, #tpu.memory_space<hbm>>
      %dma_wait3A_55 = tpu.memref_squeeze %dma_wait3A_54 : memref<1x80x128xi32, #tpu.memory_space<hbm>> -> memref<80x128xi32, #tpu.memory_space<hbm>>
      tpu.wait_dma2 semaphore(%run_scoped3A_39 : memref<!tpu.dma_semaphore, #tpu.memory_space<semaphore_mem>>) src(%dma_wait3A_55 : memref<80x128xi32, #tpu.memory_space<hbm>>) dst(%arg7 : memref<80x128xi32, #tpu.memory_space<vmem>>)
      tpu.yield
    }) : () -> ()
    "tpu.region"() ({
      %run_scoped3A_39 = tpu.sem_alloc : memref<!tpu.dma_semaphore, #tpu.memory_space<semaphore_mem>>
      %dma_start3A_40 = arith.constant 0 : i32
      %dma_start3A_41 = arith.constant 0 : i32
      %dma_start3A_42 = tpu.memref_slice %arg4[%add3A, %dma_start3A_40, %dma_start3A_41] : memref<32x80x128xi32, #tpu.memory_space<hbm>> -> memref<1x80x128xi32, #tpu.memory_space<hbm>>
      %dma_start3A_43 = tpu.memref_squeeze %dma_start3A_42 : memref<1x80x128xi32, #tpu.memory_space<hbm>> -> memref<80x128xi32, #tpu.memory_space<hbm>>
      %dma_start3A_44 = arith.constant 0 : i32
      %dma_start3A_45 = arith.constant 0 : i32
      %dma_start3A_46 = tpu.memref_slice %arg4[%add3A, %dma_start3A_44, %dma_start3A_45] : memref<32x80x128xi32, #tpu.memory_space<hbm>> -> memref<1x80x128xi32, #tpu.memory_space<hbm>>
      %dma_start3A_47 = tpu.memref_squeeze %dma_start3A_46 : memref<1x80x128xi32, #tpu.memory_space<hbm>> -> memref<80x128xi32, #tpu.memory_space<hbm>>
      tpu.enqueue_dma source(%dma_start3A_47 : memref<80x128xi32, #tpu.memory_space<hbm>>) target(%arg8 : memref<80x128xi32, #tpu.memory_space<vmem>>) target_semaphore(%run_scoped3A_39 : memref<!tpu.dma_semaphore, #tpu.memory_space<semaphore_mem>>)
      %dma_wait3A_48 = arith.constant 0 : i32
      %dma_wait3A_49 = arith.constant 0 : i32
      %dma_wait3A_50 = tpu.memref_slice %arg4[%add3A, %dma_wait3A_48, %dma_wait3A_49] : memref<32x80x128xi32, #tpu.memory_space<hbm>> -> memref<1x80x128xi32, #tpu.memory_space<hbm>>
      %dma_wait3A_51 = tpu.memref_squeeze %dma_wait3A_50 : memref<1x80x128xi32, #tpu.memory_space<hbm>> -> memref<80x128xi32, #tpu.memory_space<hbm>>
      %dma_wait3A_52 = arith.constant 0 : i32
      %dma_wait3A_53 = arith.constant 0 : i32
      %dma_wait3A_54 = tpu.memref_slice %arg4[%add3A, %dma_wait3A_52, %dma_wait3A_53] : memref<32x80x128xi32, #tpu.memory_space<hbm>> -> memref<1x80x128xi32, #tpu.memory_space<hbm>>
      %dma_wait3A_55 = tpu.memref_squeeze %dma_wait3A_54 : memref<1x80x128xi32, #tpu.memory_space<hbm>> -> memref<80x128xi32, #tpu.memory_space<hbm>>
      tpu.wait_dma2 semaphore(%run_scoped3A_39 : memref<!tpu.dma_semaphore, #tpu.memory_space<semaphore_mem>>) src(%dma_wait3A_55 : memref<80x128xi32, #tpu.memory_space<hbm>>) dst(%arg8 : memref<80x128xi32, #tpu.memory_space<vmem>>)
      tpu.yield
    }) : () -> ()
    %mul3A_1 = arith.constant 625 : i32
    %mul3A_2 = arith.muli %arg1, %mul3A_1 : i32
    "tpu.region"() ({
      %run_scoped3A_39 = tpu.sem_alloc : memref<!tpu.dma_semaphore, #tpu.memory_space<semaphore_mem>>
      %dma_start3A_40 = arith.constant 0 : i32
      %dma_start3A_41 = tpu.memref_slice %arg11[%mul3A_2, %dma_start3A_40] : memref<10000x16xf32, #tpu.memory_space<vmem_shared>> -> memref<625x16xf32, #tpu.memory_space<vmem_shared>>
      %dma_start3A_42 = arith.constant 0 : i32
      %dma_start3A_43 = tpu.memref_slice %arg2[%mul3A_2, %dma_start3A_42] : memref<10000x16xf32, #tpu.memory_space<hbm>> -> memref<625x16xf32, #tpu.memory_space<hbm>>
      tpu.enqueue_dma source(%dma_start3A_43 : memref<625x16xf32, #tpu.memory_space<hbm>>) target(%dma_start3A_41 : memref<625x16xf32, #tpu.memory_space<vmem_shared>>) target_semaphore(%run_scoped3A_39 : memref<!tpu.dma_semaphore, #tpu.memory_space<semaphore_mem>>)
      %dma_wait3A_44 = arith.constant 0 : i32
      %dma_wait3A_45 = tpu.memref_slice %arg11[%mul3A_2, %dma_wait3A_44] : memref<10000x16xf32, #tpu.memory_space<vmem_shared>> -> memref<625x16xf32, #tpu.memory_space<vmem_shared>>
      %dma_wait3A_46 = arith.constant 0 : i32
      %dma_wait3A_47 = tpu.memref_slice %arg2[%mul3A_2, %dma_wait3A_46] : memref<10000x16xf32, #tpu.memory_space<hbm>> -> memref<625x16xf32, #tpu.memory_space<hbm>>
      tpu.wait_dma2 semaphore(%run_scoped3A_39 : memref<!tpu.dma_semaphore, #tpu.memory_space<semaphore_mem>>) src(%dma_wait3A_47 : memref<625x16xf32, #tpu.memory_space<hbm>>) dst(%dma_wait3A_45 : memref<625x16xf32, #tpu.memory_space<vmem_shared>>)
      tpu.yield
    }) : () -> ()
    %mul3A_3 = arith.constant 632 : i32
    %mul3A_4 = arith.muli %arg1, %mul3A_3 : i32
    "tpu.region"() ({
      %run_scoped3A_39 = tpu.sem_alloc : memref<!tpu.dma_semaphore, #tpu.memory_space<semaphore_mem>>
      %dma_start3A_40 = arith.constant 0 : i32
      %dma_start3A_41 = tpu.memref_slice %arg12[%mul3A_4, %dma_start3A_40] : memref<10112x16xf32, #tpu.memory_space<vmem_shared>> -> memref<632x16xf32, #tpu.memory_space<vmem_shared>>
      %dma_start3A_42 = arith.constant 0 : i32
      %dma_start3A_43 = tpu.memref_slice %arg5[%mul3A_4, %dma_start3A_42] : memref<10112x16xf32, #tpu.memory_space<hbm>> -> memref<632x16xf32, #tpu.memory_space<hbm>>
      tpu.enqueue_dma source(%dma_start3A_43 : memref<632x16xf32, #tpu.memory_space<hbm>>) target(%dma_start3A_41 : memref<632x16xf32, #tpu.memory_space<vmem_shared>>) target_semaphore(%run_scoped3A_39 : memref<!tpu.dma_semaphore, #tpu.memory_space<semaphore_mem>>)
      %dma_wait3A_44 = arith.constant 0 : i32
      %dma_wait3A_45 = tpu.memref_slice %arg12[%mul3A_4, %dma_wait3A_44] : memref<10112x16xf32, #tpu.memory_space<vmem_shared>> -> memref<632x16xf32, #tpu.memory_space<vmem_shared>>
      %dma_wait3A_46 = arith.constant 0 : i32
      %dma_wait3A_47 = tpu.memref_slice %arg5[%mul3A_4, %dma_wait3A_46] : memref<10112x16xf32, #tpu.memory_space<hbm>> -> memref<632x16xf32, #tpu.memory_space<hbm>>
      tpu.wait_dma2 semaphore(%run_scoped3A_39 : memref<!tpu.dma_semaphore, #tpu.memory_space<semaphore_mem>>) src(%dma_wait3A_47 : memref<632x16xf32, #tpu.memory_space<hbm>>) dst(%dma_wait3A_45 : memref<632x16xf32, #tpu.memory_space<vmem_shared>>)
      tpu.yield
    }) : () -> ()
    %barrier3A = arith.constant 0 : index
    tpu.barrier barrier_id(%barrier3A)
    %dma_start3A = arith.constant 0 : i32
    %dma_start3A_5 = arith.constant 0 : i32
    %dma_start3A_6 = tpu.memref_slice %arg7[%dma_start3A, %dma_start3A_5] : memref<80x128xi32, #tpu.memory_space<vmem>> -> memref<1x128xi32, #tpu.memory_space<vmem>>
    %dma_start3A_7 = tpu.memref_squeeze %dma_start3A_6 : memref<1x128xi32, #tpu.memory_space<vmem>> -> memref<128xi32, #tpu.memory_space<vmem>>
    %dma_start3A_8 = arith.constant 0 : i32
    %dma_start3A_9 = arith.constant 0 : i32
    %dma_start3A_10 = tpu.memref_slice %arg11[%dma_start3A_8, %dma_start3A_9] : memref<10000x16xf32, #tpu.memory_space<vmem_shared>> -> memref<10000x16xf32, #tpu.memory_space<vmem_shared>>
    tpu.enqueue_indirect_dma source(%dma_start3A_10 : memref<10000x16xf32, #tpu.memory_space<vmem_shared>>) target(%arg9 : memref<128x16xf32, #tpu.memory_space<vmem>>) offsets(%dma_start3A_7 : memref<128xi32, #tpu.memory_space<vmem>>) semaphore(%arg13 : memref<!tpu.dma_semaphore, #tpu.memory_space<semaphore_mem>>)
    %dma_start3A_11 = arith.constant 1 : i32
    %dma_start3A_12 = arith.constant 0 : i32
    %dma_start3A_13 = tpu.memref_slice %arg7[%dma_start3A_11, %dma_start3A_12] : memref<80x128xi32, #tpu.memory_space<vmem>> -> memref<1x128xi32, #tpu.memory_space<vmem>>
    %dma_start3A_14 = tpu.memref_squeeze %dma_start3A_13 : memref<1x128xi32, #tpu.memory_space<vmem>> -> memref<128xi32, #tpu.memory_space<vmem>>
    %dma_start3A_15 = arith.constant 0 : i32
    %dma_start3A_16 = arith.constant 0 : i32
    %dma_start3A_17 = tpu.memref_slice %arg11[%dma_start3A_15, %dma_start3A_16] : memref<10000x16xf32, #tpu.memory_space<vmem_shared>> -> memref<10000x16xf32, #tpu.memory_space<vmem_shared>>
    tpu.enqueue_indirect_dma source(%dma_start3A_17 : memref<10000x16xf32, #tpu.memory_space<vmem_shared>>) target(%arg10 : memref<128x16xf32, #tpu.memory_space<vmem>>) offsets(%dma_start3A_14 : memref<128xi32, #tpu.memory_space<vmem>>) semaphore(%arg14 : memref<!tpu.dma_semaphore, #tpu.memory_space<semaphore_mem>>)
    %scan3A = arith.constant 0 : i32
    %scan3A_18 = arith.constant 39 : i32
    %scan3A_19 = arith.addi %scan3A, %scan3A_18 : i32
    %scan3A_20 = arith.constant 1 : i32
    scf.for %scan3A_39 = %scan3A to %scan3A_19 step %scan3A_20  : i32 {
      %mul3A_40 = arith.constant 2 : i32
      %mul3A_41 = arith.muli %scan3A_39, %mul3A_40 : i32
      %add3A_42 = arith.constant 0 : i32
      %add3A_43 = arith.addi %add3A_42, %mul3A_41 : i32
      %add3A_44 = arith.constant 0 : i32
      %add3A_45 = arith.addi %add3A_43, %add3A_44 : i32
      %dma_wait3A_46 = arith.constant 0 : i32
      %dma_wait3A_47 = tpu.memref_slice %arg7[%add3A_45, %dma_wait3A_46] : memref<80x128xi32, #tpu.memory_space<vmem>> -> memref<1x128xi32, #tpu.memory_space<vmem>>
      %dma_wait3A_48 = tpu.memref_squeeze %dma_wait3A_47 : memref<1x128xi32, #tpu.memory_space<vmem>> -> memref<128xi32, #tpu.memory_space<vmem>>
      %dma_wait3A_49 = arith.constant 0 : i32
      %dma_wait3A_50 = arith.constant 0 : i32
      %dma_wait3A_51 = tpu.memref_slice %arg11[%dma_wait3A_49, %dma_wait3A_50] : memref<10000x16xf32, #tpu.memory_space<vmem_shared>> -> memref<10000x16xf32, #tpu.memory_space<vmem_shared>>
      tpu.wait_indirect_dma semaphore(%arg13 : memref<!tpu.dma_semaphore, #tpu.memory_space<semaphore_mem>>) src(%dma_wait3A_51 : memref<10000x16xf32, #tpu.memory_space<vmem_shared>>) dst(%arg9 : memref<128x16xf32, #tpu.memory_space<vmem>>)
      "tpu.region"() ({
        %run_scoped3A_76 = tpu.sem_alloc : memref<!tpu.dma_semaphore, #tpu.memory_space<semaphore_mem>>
        %dma_start3A_77 = arith.constant 0 : i32
        %dma_start3A_78 = tpu.memref_slice %arg8[%add3A_45, %dma_start3A_77] : memref<80x128xi32, #tpu.memory_space<vmem>> -> memref<1x128xi32, #tpu.memory_space<vmem>>
        %dma_start3A_79 = tpu.memref_squeeze %dma_start3A_78 : memref<1x128xi32, #tpu.memory_space<vmem>> -> memref<128xi32, #tpu.memory_space<vmem>>
        %dma_start3A_80 = arith.constant 0 : i32
        %dma_start3A_81 = arith.constant 0 : i32
        %dma_start3A_82 = tpu.memref_slice %arg12[%dma_start3A_80, %dma_start3A_81] : memref<10112x16xf32, #tpu.memory_space<vmem_shared>> -> memref<10112x16xf32, #tpu.memory_space<vmem_shared>>
        tpu.enqueue_indirect_dma source(%arg9 : memref<128x16xf32, #tpu.memory_space<vmem>>) target(%dma_start3A_82 : memref<10112x16xf32, #tpu.memory_space<vmem_shared>>) offsets(%dma_start3A_79 : memref<128xi32, #tpu.memory_space<vmem>>) semaphore(%run_scoped3A_76 : memref<!tpu.dma_semaphore, #tpu.memory_space<semaphore_mem>>) {add = true}
        %dma_wait3A_83 = arith.constant 0 : i32
        %dma_wait3A_84 = tpu.memref_slice %arg8[%add3A_45, %dma_wait3A_83] : memref<80x128xi32, #tpu.memory_space<vmem>> -> memref<1x128xi32, #tpu.memory_space<vmem>>
        %dma_wait3A_85 = tpu.memref_squeeze %dma_wait3A_84 : memref<1x128xi32, #tpu.memory_space<vmem>> -> memref<128xi32, #tpu.memory_space<vmem>>
        %dma_wait3A_86 = arith.constant 0 : i32
        %dma_wait3A_87 = arith.constant 0 : i32
        %dma_wait3A_88 = tpu.memref_slice %arg12[%dma_wait3A_86, %dma_wait3A_87] : memref<10112x16xf32, #tpu.memory_space<vmem_shared>> -> memref<10112x16xf32, #tpu.memory_space<vmem_shared>>
        tpu.wait_indirect_dma semaphore(%run_scoped3A_76 : memref<!tpu.dma_semaphore, #tpu.memory_space<semaphore_mem>>) src(%arg9 : memref<128x16xf32, #tpu.memory_space<vmem>>) dst(%dma_wait3A_88 : memref<10112x16xf32, #tpu.memory_space<vmem_shared>>)
        tpu.yield
      }) : () -> ()
      %add3A_52 = arith.constant 2 : i32
      %add3A_53 = arith.addi %add3A_45, %add3A_52 : i32
      %dma_start3A_54 = arith.constant 0 : i32
      %dma_start3A_55 = tpu.memref_slice %arg7[%add3A_53, %dma_start3A_54] : memref<80x128xi32, #tpu.memory_space<vmem>> -> memref<1x128xi32, #tpu.memory_space<vmem>>
      %dma_start3A_56 = tpu.memref_squeeze %dma_start3A_55 : memref<1x128xi32, #tpu.memory_space<vmem>> -> memref<128xi32, #tpu.memory_space<vmem>>
      %dma_start3A_57 = arith.constant 0 : i32
      %dma_start3A_58 = arith.constant 0 : i32
      %dma_start3A_59 = tpu.memref_slice %arg11[%dma_start3A_57, %dma_start3A_58] : memref<10000x16xf32, #tpu.memory_space<vmem_shared>> -> memref<10000x16xf32, #tpu.memory_space<vmem_shared>>
      tpu.enqueue_indirect_dma source(%dma_start3A_59 : memref<10000x16xf32, #tpu.memory_space<vmem_shared>>) target(%arg9 : memref<128x16xf32, #tpu.memory_space<vmem>>) offsets(%dma_start3A_56 : memref<128xi32, #tpu.memory_space<vmem>>) semaphore(%arg13 : memref<!tpu.dma_semaphore, #tpu.memory_space<semaphore_mem>>)
      %add3A_60 = arith.constant 1 : i32
      %add3A_61 = arith.addi %add3A_43, %add3A_60 : i32
      %dma_wait3A_62 = arith.constant 0 : i32
      %dma_wait3A_63 = tpu.memref_slice %arg7[%add3A_61, %dma_wait3A_62] : memref<80x128xi32, #tpu.memory_space<vmem>> -> memref<1x128xi32, #tpu.memory_space<vmem>>
      %dma_wait3A_64 = tpu.memref_squeeze %dma_wait3A_63 : memref<1x128xi32, #tpu.memory_space<vmem>> -> memref<128xi32, #tpu.memory_space<vmem>>
      %dma_wait3A_65 = arith.constant 0 : i32
      %dma_wait3A_66 = arith.constant 0 : i32
      %dma_wait3A_67 = tpu.memref_slice %arg11[%dma_wait3A_65, %dma_wait3A_66] : memref<10000x16xf32, #tpu.memory_space<vmem_shared>> -> memref<10000x16xf32, #tpu.memory_space<vmem_shared>>
      tpu.wait_indirect_dma semaphore(%arg14 : memref<!tpu.dma_semaphore, #tpu.memory_space<semaphore_mem>>) src(%dma_wait3A_67 : memref<10000x16xf32, #tpu.memory_space<vmem_shared>>) dst(%arg10 : memref<128x16xf32, #tpu.memory_space<vmem>>)
      "tpu.region"() ({
        %run_scoped3A_76 = tpu.sem_alloc : memref<!tpu.dma_semaphore, #tpu.memory_space<semaphore_mem>>
        %dma_start3A_77 = arith.constant 0 : i32
        %dma_start3A_78 = tpu.memref_slice %arg8[%add3A_61, %dma_start3A_77] : memref<80x128xi32, #tpu.memory_space<vmem>> -> memref<1x128xi32, #tpu.memory_space<vmem>>
        %dma_start3A_79 = tpu.memref_squeeze %dma_start3A_78 : memref<1x128xi32, #tpu.memory_space<vmem>> -> memref<128xi32, #tpu.memory_space<vmem>>
        %dma_start3A_80 = arith.constant 0 : i32
        %dma_start3A_81 = arith.constant 0 : i32
        %dma_start3A_82 = tpu.memref_slice %arg12[%dma_start3A_80, %dma_start3A_81] : memref<10112x16xf32, #tpu.memory_space<vmem_shared>> -> memref<10112x16xf32, #tpu.memory_space<vmem_shared>>
        tpu.enqueue_indirect_dma source(%arg10 : memref<128x16xf32, #tpu.memory_space<vmem>>) target(%dma_start3A_82 : memref<10112x16xf32, #tpu.memory_space<vmem_shared>>) offsets(%dma_start3A_79 : memref<128xi32, #tpu.memory_space<vmem>>) semaphore(%run_scoped3A_76 : memref<!tpu.dma_semaphore, #tpu.memory_space<semaphore_mem>>) {add = true}
        %dma_wait3A_83 = arith.constant 0 : i32
        %dma_wait3A_84 = tpu.memref_slice %arg8[%add3A_61, %dma_wait3A_83] : memref<80x128xi32, #tpu.memory_space<vmem>> -> memref<1x128xi32, #tpu.memory_space<vmem>>
        %dma_wait3A_85 = tpu.memref_squeeze %dma_wait3A_84 : memref<1x128xi32, #tpu.memory_space<vmem>> -> memref<128xi32, #tpu.memory_space<vmem>>
        %dma_wait3A_86 = arith.constant 0 : i32
        %dma_wait3A_87 = arith.constant 0 : i32
        %dma_wait3A_88 = tpu.memref_slice %arg12[%dma_wait3A_86, %dma_wait3A_87] : memref<10112x16xf32, #tpu.memory_space<vmem_shared>> -> memref<10112x16xf32, #tpu.memory_space<vmem_shared>>
        tpu.wait_indirect_dma semaphore(%run_scoped3A_76 : memref<!tpu.dma_semaphore, #tpu.memory_space<semaphore_mem>>) src(%arg10 : memref<128x16xf32, #tpu.memory_space<vmem>>) dst(%dma_wait3A_88 : memref<10112x16xf32, #tpu.memory_space<vmem_shared>>)
        tpu.yield
      }) : () -> ()
      %add3A_68 = arith.constant 2 : i32
      %add3A_69 = arith.addi %add3A_61, %add3A_68 : i32
      %dma_start3A_70 = arith.constant 0 : i32
      %dma_start3A_71 = tpu.memref_slice %arg7[%add3A_69, %dma_start3A_70] : memref<80x128xi32, #tpu.memory_space<vmem>> -> memref<1x128xi32, #tpu.memory_space<vmem>>
      %dma_start3A_72 = tpu.memref_squeeze %dma_start3A_71 : memref<1x128xi32, #tpu.memory_space<vmem>> -> memref<128xi32, #tpu.memory_space<vmem>>
      %dma_start3A_73 = arith.constant 0 : i32
      %dma_start3A_74 = arith.constant 0 : i32
      %dma_start3A_75 = tpu.memref_slice %arg11[%dma_start3A_73, %dma_start3A_74] : memref<10000x16xf32, #tpu.memory_space<vmem_shared>> -> memref<10000x16xf32, #tpu.memory_space<vmem_shared>>
      tpu.enqueue_indirect_dma source(%dma_start3A_75 : memref<10000x16xf32, #tpu.memory_space<vmem_shared>>) target(%arg10 : memref<128x16xf32, #tpu.memory_space<vmem>>) offsets(%dma_start3A_72 : memref<128xi32, #tpu.memory_space<vmem>>) semaphore(%arg14 : memref<!tpu.dma_semaphore, #tpu.memory_space<semaphore_mem>>)
    }
    %scan3A_21 = arith.constant 39 : i32
    %dma_wait3A = arith.constant 78 : i32
    %dma_wait3A_22 = arith.constant 0 : i32
    %dma_wait3A_23 = tpu.memref_slice %arg7[%dma_wait3A, %dma_wait3A_22] : memref<80x128xi32, #tpu.memory_space<vmem>> -> memref<1x128xi32, #tpu.memory_space<vmem>>
    %dma_wait3A_24 = tpu.memref_squeeze %dma_wait3A_23 : memref<1x128xi32, #tpu.memory_space<vmem>> -> memref<128xi32, #tpu.memory_space<vmem>>
    %dma_wait3A_25 = arith.constant 0 : i32
    %dma_wait3A_26 = arith.constant 0 : i32
    %dma_wait3A_27 = tpu.memref_slice %arg11[%dma_wait3A_25, %dma_wait3A_26] : memref<10000x16xf32, #tpu.memory_space<vmem_shared>> -> memref<10000x16xf32, #tpu.memory_space<vmem_shared>>
    tpu.wait_indirect_dma semaphore(%arg13 : memref<!tpu.dma_semaphore, #tpu.memory_space<semaphore_mem>>) src(%dma_wait3A_27 : memref<10000x16xf32, #tpu.memory_space<vmem_shared>>) dst(%arg9 : memref<128x16xf32, #tpu.memory_space<vmem>>)
    %run_scoped3A = arith.constant 78 : i32
    "tpu.region"() ({
      %run_scoped3A_39 = tpu.sem_alloc : memref<!tpu.dma_semaphore, #tpu.memory_space<semaphore_mem>>
      %dma_start3A_40 = arith.constant 0 : i32
      %dma_start3A_41 = tpu.memref_slice %arg8[%run_scoped3A, %dma_start3A_40] : memref<80x128xi32, #tpu.memory_space<vmem>> -> memref<1x128xi32, #tpu.memory_space<vmem>>
      %dma_start3A_42 = tpu.memref_squeeze %dma_start3A_41 : memref<1x128xi32, #tpu.memory_space<vmem>> -> memref<128xi32, #tpu.memory_space<vmem>>
      %dma_start3A_43 = arith.constant 0 : i32
      %dma_start3A_44 = arith.constant 0 : i32
      %dma_start3A_45 = tpu.memref_slice %arg12[%dma_start3A_43, %dma_start3A_44] : memref<10112x16xf32, #tpu.memory_space<vmem_shared>> -> memref<10112x16xf32, #tpu.memory_space<vmem_shared>>
      tpu.enqueue_indirect_dma source(%arg9 : memref<128x16xf32, #tpu.memory_space<vmem>>) target(%dma_start3A_45 : memref<10112x16xf32, #tpu.memory_space<vmem_shared>>) offsets(%dma_start3A_42 : memref<128xi32, #tpu.memory_space<vmem>>) semaphore(%run_scoped3A_39 : memref<!tpu.dma_semaphore, #tpu.memory_space<semaphore_mem>>) {add = true}
      %dma_wait3A_46 = arith.constant 0 : i32
      %dma_wait3A_47 = tpu.memref_slice %arg8[%run_scoped3A, %dma_wait3A_46] : memref<80x128xi32, #tpu.memory_space<vmem>> -> memref<1x128xi32, #tpu.memory_space<vmem>>
      %dma_wait3A_48 = tpu.memref_squeeze %dma_wait3A_47 : memref<1x128xi32, #tpu.memory_space<vmem>> -> memref<128xi32, #tpu.memory_space<vmem>>
      %dma_wait3A_49 = arith.constant 0 : i32
      %dma_wait3A_50 = arith.constant 0 : i32
      %dma_wait3A_51 = tpu.memref_slice %arg12[%dma_wait3A_49, %dma_wait3A_50] : memref<10112x16xf32, #tpu.memory_space<vmem_shared>> -> memref<10112x16xf32, #tpu.memory_space<vmem_shared>>
      tpu.wait_indirect_dma semaphore(%run_scoped3A_39 : memref<!tpu.dma_semaphore, #tpu.memory_space<semaphore_mem>>) src(%arg9 : memref<128x16xf32, #tpu.memory_space<vmem>>) dst(%dma_wait3A_51 : memref<10112x16xf32, #tpu.memory_space<vmem_shared>>)
      tpu.yield
    }) : () -> ()
    %dma_wait3A_28 = arith.constant 79 : i32
    %dma_wait3A_29 = arith.constant 0 : i32
    %dma_wait3A_30 = tpu.memref_slice %arg7[%dma_wait3A_28, %dma_wait3A_29] : memref<80x128xi32, #tpu.memory_space<vmem>> -> memref<1x128xi32, #tpu.memory_space<vmem>>
    %dma_wait3A_31 = tpu.memref_squeeze %dma_wait3A_30 : memref<1x128xi32, #tpu.memory_space<vmem>> -> memref<128xi32, #tpu.memory_space<vmem>>
    %dma_wait3A_32 = arith.constant 0 : i32
    %dma_wait3A_33 = arith.constant 0 : i32
    %dma_wait3A_34 = tpu.memref_slice %arg11[%dma_wait3A_32, %dma_wait3A_33] : memref<10000x16xf32, #tpu.memory_space<vmem_shared>> -> memref<10000x16xf32, #tpu.memory_space<vmem_shared>>
    tpu.wait_indirect_dma semaphore(%arg14 : memref<!tpu.dma_semaphore, #tpu.memory_space<semaphore_mem>>) src(%dma_wait3A_34 : memref<10000x16xf32, #tpu.memory_space<vmem_shared>>) dst(%arg10 : memref<128x16xf32, #tpu.memory_space<vmem>>)
    %run_scoped3A_35 = arith.constant 79 : i32
    "tpu.region"() ({
      %run_scoped3A_39 = tpu.sem_alloc : memref<!tpu.dma_semaphore, #tpu.memory_space<semaphore_mem>>
      %dma_start3A_40 = arith.constant 0 : i32
      %dma_start3A_41 = tpu.memref_slice %arg8[%run_scoped3A_35, %dma_start3A_40] : memref<80x128xi32, #tpu.memory_space<vmem>> -> memref<1x128xi32, #tpu.memory_space<vmem>>
      %dma_start3A_42 = tpu.memref_squeeze %dma_start3A_41 : memref<1x128xi32, #tpu.memory_space<vmem>> -> memref<128xi32, #tpu.memory_space<vmem>>
      %dma_start3A_43 = arith.constant 0 : i32
      %dma_start3A_44 = arith.constant 0 : i32
      %dma_start3A_45 = tpu.memref_slice %arg12[%dma_start3A_43, %dma_start3A_44] : memref<10112x16xf32, #tpu.memory_space<vmem_shared>> -> memref<10112x16xf32, #tpu.memory_space<vmem_shared>>
      tpu.enqueue_indirect_dma source(%arg10 : memref<128x16xf32, #tpu.memory_space<vmem>>) target(%dma_start3A_45 : memref<10112x16xf32, #tpu.memory_space<vmem_shared>>) offsets(%dma_start3A_42 : memref<128xi32, #tpu.memory_space<vmem>>) semaphore(%run_scoped3A_39 : memref<!tpu.dma_semaphore, #tpu.memory_space<semaphore_mem>>) {add = true}
      %dma_wait3A_46 = arith.constant 0 : i32
      %dma_wait3A_47 = tpu.memref_slice %arg8[%run_scoped3A_35, %dma_wait3A_46] : memref<80x128xi32, #tpu.memory_space<vmem>> -> memref<1x128xi32, #tpu.memory_space<vmem>>
      %dma_wait3A_48 = tpu.memref_squeeze %dma_wait3A_47 : memref<1x128xi32, #tpu.memory_space<vmem>> -> memref<128xi32, #tpu.memory_space<vmem>>
      %dma_wait3A_49 = arith.constant 0 : i32
      %dma_wait3A_50 = arith.constant 0 : i32
      %dma_wait3A_51 = tpu.memref_slice %arg12[%dma_wait3A_49, %dma_wait3A_50] : memref<10112x16xf32, #tpu.memory_space<vmem_shared>> -> memref<10112x16xf32, #tpu.memory_space<vmem_shared>>
      tpu.wait_indirect_dma semaphore(%run_scoped3A_39 : memref<!tpu.dma_semaphore, #tpu.memory_space<semaphore_mem>>) src(%arg10 : memref<128x16xf32, #tpu.memory_space<vmem>>) dst(%dma_wait3A_51 : memref<10112x16xf32, #tpu.memory_space<vmem_shared>>)
      tpu.yield
    }) : () -> ()
    %barrier3A_36 = arith.constant 0 : index
    tpu.barrier barrier_id(%barrier3A_36)
    %mul3A_37 = arith.constant 16 : i32
    %mul3A_38 = arith.muli %arg0, %mul3A_37 : i32
    "tpu.region"() ({
      %run_scoped3A_39 = tpu.sem_alloc : memref<!tpu.dma_semaphore, #tpu.memory_space<semaphore_mem>>
      %dma_start3A_40 = tpu.memref_slice %arg6[%mul3A_4, %mul3A_38] : memref<10112x32xf32, #tpu.memory_space<hbm>> -> memref<632x16xf32, #tpu.memory_space<hbm>>
      %dma_start3A_41 = arith.constant 0 : i32
      %dma_start3A_42 = tpu.memref_slice %arg12[%mul3A_4, %dma_start3A_41] : memref<10112x16xf32, #tpu.memory_space<vmem_shared>> -> memref<632x16xf32, #tpu.memory_space<vmem_shared>>
      tpu.enqueue_dma source(%dma_start3A_42 : memref<632x16xf32, #tpu.memory_space<vmem_shared>>) target(%dma_start3A_40 : memref<632x16xf32, #tpu.memory_space<hbm>>) target_semaphore(%run_scoped3A_39 : memref<!tpu.dma_semaphore, #tpu.memory_space<semaphore_mem>>)
      %dma_wait3A_43 = tpu.memref_slice %arg6[%mul3A_4, %mul3A_38] : memref<10112x32xf32, #tpu.memory_space<hbm>> -> memref<632x16xf32, #tpu.memory_space<hbm>>
      %dma_wait3A_44 = arith.constant 0 : i32
      %dma_wait3A_45 = tpu.memref_slice %arg12[%mul3A_4, %dma_wait3A_44] : memref<10112x16xf32, #tpu.memory_space<vmem_shared>> -> memref<632x16xf32, #tpu.memory_space<vmem_shared>>
      tpu.wait_dma2 semaphore(%run_scoped3A_39 : memref<!tpu.dma_semaphore, #tpu.memory_space<semaphore_mem>>) src(%dma_wait3A_45 : memref<632x16xf32, #tpu.memory_space<vmem_shared>>) dst(%dma_wait3A_43 : memref<632x16xf32, #tpu.memory_space<hbm>>)
      tpu.yield
    }) : () -> ()
    return
  }
}

#map = affine_map<(d0, d1) -> (0, 0)>
#map1 = affine_map<(d0, d1) -> (0, 0, 0)>
module attributes {stable_mosaic.version = 14 : i64} {
  func.func @agg(%arg0: i32, %arg1: i32, %arg2: memref<10000x32xf32, #tpu.memory_space<hbm>>, %arg3: memref<32x80x128xi32, #tpu.memory_space<hbm>>, %arg4: memref<32x80x128xi32, #tpu.memory_space<hbm>>, %arg5: memref<10112x32xf32, #tpu.memory_space<hbm>>, %arg6: memref<10112x64xf32, #tpu.memory_space<hbm>>, %arg7: memref<80x128xi32, #tpu.memory_space<vmem>>, %arg8: memref<80x128xi32, #tpu.memory_space<vmem>>, %arg9: memref<128x32xf32, #tpu.memory_space<vmem>>, %arg10: memref<128x32xf32, #tpu.memory_space<vmem>>, %arg11: memref<10000x32xf32, #tpu.memory_space<vmem_shared>>, %arg12: memref<10112x32xf32, #tpu.memory_space<vmem_shared>>, %arg13: memref<!tpu.dma_semaphore, #tpu.memory_space<semaphore_mem>>, %arg14: memref<!tpu.dma_semaphore, #tpu.memory_space<semaphore_mem>>) attributes {dimension_semantics = [#tpu.dimension_semantics<core_parallel>, #tpu.dimension_semantics<subcore_parallel>], iteration_bounds = array<i64: 2, 16>, scalar_prefetch = 0 : i64, scratch_operands = 8 : i64, tpu.core_type = #tpu.core_type<sc_vector_subcore>, window_params = [{transform_indices = #map}, {transform_indices = #map1}, {transform_indices = #map1}, {transform_indices = #map}, {transform_indices = #map}]} {
    %mul3A = arith.constant 16 : i32
    %mul3A_0 = arith.muli %arg0, %mul3A : i32
    %add3A = arith.addi %mul3A_0, %arg1 : i32
    "tpu.region"() ({
      %run_scoped3A_39 = tpu.sem_alloc : memref<!tpu.dma_semaphore, #tpu.memory_space<semaphore_mem>>
      %dma_start3A_40 = arith.constant 0 : i32
      %dma_start3A_41 = arith.constant 0 : i32
      %dma_start3A_42 = tpu.memref_slice %arg3[%add3A, %dma_start3A_40, %dma_start3A_41] : memref<32x80x128xi32, #tpu.memory_space<hbm>> -> memref<1x80x128xi32, #tpu.memory_space<hbm>>
      %dma_start3A_43 = tpu.memref_squeeze %dma_start3A_42 : memref<1x80x128xi32, #tpu.memory_space<hbm>> -> memref<80x128xi32, #tpu.memory_space<hbm>>
      %dma_start3A_44 = arith.constant 0 : i32
      %dma_start3A_45 = arith.constant 0 : i32
      %dma_start3A_46 = tpu.memref_slice %arg3[%add3A, %dma_start3A_44, %dma_start3A_45] : memref<32x80x128xi32, #tpu.memory_space<hbm>> -> memref<1x80x128xi32, #tpu.memory_space<hbm>>
      %dma_start3A_47 = tpu.memref_squeeze %dma_start3A_46 : memref<1x80x128xi32, #tpu.memory_space<hbm>> -> memref<80x128xi32, #tpu.memory_space<hbm>>
      tpu.enqueue_dma source(%dma_start3A_47 : memref<80x128xi32, #tpu.memory_space<hbm>>) target(%arg7 : memref<80x128xi32, #tpu.memory_space<vmem>>) target_semaphore(%run_scoped3A_39 : memref<!tpu.dma_semaphore, #tpu.memory_space<semaphore_mem>>)
      %dma_wait3A_48 = arith.constant 0 : i32
      %dma_wait3A_49 = arith.constant 0 : i32
      %dma_wait3A_50 = tpu.memref_slice %arg3[%add3A, %dma_wait3A_48, %dma_wait3A_49] : memref<32x80x128xi32, #tpu.memory_space<hbm>> -> memref<1x80x128xi32, #tpu.memory_space<hbm>>
      %dma_wait3A_51 = tpu.memref_squeeze %dma_wait3A_50 : memref<1x80x128xi32, #tpu.memory_space<hbm>> -> memref<80x128xi32, #tpu.memory_space<hbm>>
      %dma_wait3A_52 = arith.constant 0 : i32
      %dma_wait3A_53 = arith.constant 0 : i32
      %dma_wait3A_54 = tpu.memref_slice %arg3[%add3A, %dma_wait3A_52, %dma_wait3A_53] : memref<32x80x128xi32, #tpu.memory_space<hbm>> -> memref<1x80x128xi32, #tpu.memory_space<hbm>>
      %dma_wait3A_55 = tpu.memref_squeeze %dma_wait3A_54 : memref<1x80x128xi32, #tpu.memory_space<hbm>> -> memref<80x128xi32, #tpu.memory_space<hbm>>
      tpu.wait_dma2 semaphore(%run_scoped3A_39 : memref<!tpu.dma_semaphore, #tpu.memory_space<semaphore_mem>>) src(%dma_wait3A_55 : memref<80x128xi32, #tpu.memory_space<hbm>>) dst(%arg7 : memref<80x128xi32, #tpu.memory_space<vmem>>)
      tpu.yield
    }) : () -> ()
    "tpu.region"() ({
      %run_scoped3A_39 = tpu.sem_alloc : memref<!tpu.dma_semaphore, #tpu.memory_space<semaphore_mem>>
      %dma_start3A_40 = arith.constant 0 : i32
      %dma_start3A_41 = arith.constant 0 : i32
      %dma_start3A_42 = tpu.memref_slice %arg4[%add3A, %dma_start3A_40, %dma_start3A_41] : memref<32x80x128xi32, #tpu.memory_space<hbm>> -> memref<1x80x128xi32, #tpu.memory_space<hbm>>
      %dma_start3A_43 = tpu.memref_squeeze %dma_start3A_42 : memref<1x80x128xi32, #tpu.memory_space<hbm>> -> memref<80x128xi32, #tpu.memory_space<hbm>>
      %dma_start3A_44 = arith.constant 0 : i32
      %dma_start3A_45 = arith.constant 0 : i32
      %dma_start3A_46 = tpu.memref_slice %arg4[%add3A, %dma_start3A_44, %dma_start3A_45] : memref<32x80x128xi32, #tpu.memory_space<hbm>> -> memref<1x80x128xi32, #tpu.memory_space<hbm>>
      %dma_start3A_47 = tpu.memref_squeeze %dma_start3A_46 : memref<1x80x128xi32, #tpu.memory_space<hbm>> -> memref<80x128xi32, #tpu.memory_space<hbm>>
      tpu.enqueue_dma source(%dma_start3A_47 : memref<80x128xi32, #tpu.memory_space<hbm>>) target(%arg8 : memref<80x128xi32, #tpu.memory_space<vmem>>) target_semaphore(%run_scoped3A_39 : memref<!tpu.dma_semaphore, #tpu.memory_space<semaphore_mem>>)
      %dma_wait3A_48 = arith.constant 0 : i32
      %dma_wait3A_49 = arith.constant 0 : i32
      %dma_wait3A_50 = tpu.memref_slice %arg4[%add3A, %dma_wait3A_48, %dma_wait3A_49] : memref<32x80x128xi32, #tpu.memory_space<hbm>> -> memref<1x80x128xi32, #tpu.memory_space<hbm>>
      %dma_wait3A_51 = tpu.memref_squeeze %dma_wait3A_50 : memref<1x80x128xi32, #tpu.memory_space<hbm>> -> memref<80x128xi32, #tpu.memory_space<hbm>>
      %dma_wait3A_52 = arith.constant 0 : i32
      %dma_wait3A_53 = arith.constant 0 : i32
      %dma_wait3A_54 = tpu.memref_slice %arg4[%add3A, %dma_wait3A_52, %dma_wait3A_53] : memref<32x80x128xi32, #tpu.memory_space<hbm>> -> memref<1x80x128xi32, #tpu.memory_space<hbm>>
      %dma_wait3A_55 = tpu.memref_squeeze %dma_wait3A_54 : memref<1x80x128xi32, #tpu.memory_space<hbm>> -> memref<80x128xi32, #tpu.memory_space<hbm>>
      tpu.wait_dma2 semaphore(%run_scoped3A_39 : memref<!tpu.dma_semaphore, #tpu.memory_space<semaphore_mem>>) src(%dma_wait3A_55 : memref<80x128xi32, #tpu.memory_space<hbm>>) dst(%arg8 : memref<80x128xi32, #tpu.memory_space<vmem>>)
      tpu.yield
    }) : () -> ()
    %mul3A_1 = arith.constant 625 : i32
    %mul3A_2 = arith.muli %arg1, %mul3A_1 : i32
    "tpu.region"() ({
      %run_scoped3A_39 = tpu.sem_alloc : memref<!tpu.dma_semaphore, #tpu.memory_space<semaphore_mem>>
      %dma_start3A_40 = arith.constant 0 : i32
      %dma_start3A_41 = tpu.memref_slice %arg11[%mul3A_2, %dma_start3A_40] : memref<10000x32xf32, #tpu.memory_space<vmem_shared>> -> memref<625x32xf32, #tpu.memory_space<vmem_shared>>
      %dma_start3A_42 = arith.constant 0 : i32
      %dma_start3A_43 = tpu.memref_slice %arg2[%mul3A_2, %dma_start3A_42] : memref<10000x32xf32, #tpu.memory_space<hbm>> -> memref<625x32xf32, #tpu.memory_space<hbm>>
      tpu.enqueue_dma source(%dma_start3A_43 : memref<625x32xf32, #tpu.memory_space<hbm>>) target(%dma_start3A_41 : memref<625x32xf32, #tpu.memory_space<vmem_shared>>) target_semaphore(%run_scoped3A_39 : memref<!tpu.dma_semaphore, #tpu.memory_space<semaphore_mem>>)
      %dma_wait3A_44 = arith.constant 0 : i32
      %dma_wait3A_45 = tpu.memref_slice %arg11[%mul3A_2, %dma_wait3A_44] : memref<10000x32xf32, #tpu.memory_space<vmem_shared>> -> memref<625x32xf32, #tpu.memory_space<vmem_shared>>
      %dma_wait3A_46 = arith.constant 0 : i32
      %dma_wait3A_47 = tpu.memref_slice %arg2[%mul3A_2, %dma_wait3A_46] : memref<10000x32xf32, #tpu.memory_space<hbm>> -> memref<625x32xf32, #tpu.memory_space<hbm>>
      tpu.wait_dma2 semaphore(%run_scoped3A_39 : memref<!tpu.dma_semaphore, #tpu.memory_space<semaphore_mem>>) src(%dma_wait3A_47 : memref<625x32xf32, #tpu.memory_space<hbm>>) dst(%dma_wait3A_45 : memref<625x32xf32, #tpu.memory_space<vmem_shared>>)
      tpu.yield
    }) : () -> ()
    %mul3A_3 = arith.constant 632 : i32
    %mul3A_4 = arith.muli %arg1, %mul3A_3 : i32
    "tpu.region"() ({
      %run_scoped3A_39 = tpu.sem_alloc : memref<!tpu.dma_semaphore, #tpu.memory_space<semaphore_mem>>
      %dma_start3A_40 = arith.constant 0 : i32
      %dma_start3A_41 = tpu.memref_slice %arg12[%mul3A_4, %dma_start3A_40] : memref<10112x32xf32, #tpu.memory_space<vmem_shared>> -> memref<632x32xf32, #tpu.memory_space<vmem_shared>>
      %dma_start3A_42 = arith.constant 0 : i32
      %dma_start3A_43 = tpu.memref_slice %arg5[%mul3A_4, %dma_start3A_42] : memref<10112x32xf32, #tpu.memory_space<hbm>> -> memref<632x32xf32, #tpu.memory_space<hbm>>
      tpu.enqueue_dma source(%dma_start3A_43 : memref<632x32xf32, #tpu.memory_space<hbm>>) target(%dma_start3A_41 : memref<632x32xf32, #tpu.memory_space<vmem_shared>>) target_semaphore(%run_scoped3A_39 : memref<!tpu.dma_semaphore, #tpu.memory_space<semaphore_mem>>)
      %dma_wait3A_44 = arith.constant 0 : i32
      %dma_wait3A_45 = tpu.memref_slice %arg12[%mul3A_4, %dma_wait3A_44] : memref<10112x32xf32, #tpu.memory_space<vmem_shared>> -> memref<632x32xf32, #tpu.memory_space<vmem_shared>>
      %dma_wait3A_46 = arith.constant 0 : i32
      %dma_wait3A_47 = tpu.memref_slice %arg5[%mul3A_4, %dma_wait3A_46] : memref<10112x32xf32, #tpu.memory_space<hbm>> -> memref<632x32xf32, #tpu.memory_space<hbm>>
      tpu.wait_dma2 semaphore(%run_scoped3A_39 : memref<!tpu.dma_semaphore, #tpu.memory_space<semaphore_mem>>) src(%dma_wait3A_47 : memref<632x32xf32, #tpu.memory_space<hbm>>) dst(%dma_wait3A_45 : memref<632x32xf32, #tpu.memory_space<vmem_shared>>)
      tpu.yield
    }) : () -> ()
    %barrier3A = arith.constant 0 : index
    tpu.barrier barrier_id(%barrier3A)
    %dma_start3A = arith.constant 0 : i32
    %dma_start3A_5 = arith.constant 0 : i32
    %dma_start3A_6 = tpu.memref_slice %arg7[%dma_start3A, %dma_start3A_5] : memref<80x128xi32, #tpu.memory_space<vmem>> -> memref<1x128xi32, #tpu.memory_space<vmem>>
    %dma_start3A_7 = tpu.memref_squeeze %dma_start3A_6 : memref<1x128xi32, #tpu.memory_space<vmem>> -> memref<128xi32, #tpu.memory_space<vmem>>
    %dma_start3A_8 = arith.constant 0 : i32
    %dma_start3A_9 = arith.constant 0 : i32
    %dma_start3A_10 = tpu.memref_slice %arg11[%dma_start3A_8, %dma_start3A_9] : memref<10000x32xf32, #tpu.memory_space<vmem_shared>> -> memref<10000x32xf32, #tpu.memory_space<vmem_shared>>
    tpu.enqueue_indirect_dma source(%dma_start3A_10 : memref<10000x32xf32, #tpu.memory_space<vmem_shared>>) target(%arg9 : memref<128x32xf32, #tpu.memory_space<vmem>>) offsets(%dma_start3A_7 : memref<128xi32, #tpu.memory_space<vmem>>) semaphore(%arg13 : memref<!tpu.dma_semaphore, #tpu.memory_space<semaphore_mem>>)
    %dma_start3A_11 = arith.constant 1 : i32
    %dma_start3A_12 = arith.constant 0 : i32
    %dma_start3A_13 = tpu.memref_slice %arg7[%dma_start3A_11, %dma_start3A_12] : memref<80x128xi32, #tpu.memory_space<vmem>> -> memref<1x128xi32, #tpu.memory_space<vmem>>
    %dma_start3A_14 = tpu.memref_squeeze %dma_start3A_13 : memref<1x128xi32, #tpu.memory_space<vmem>> -> memref<128xi32, #tpu.memory_space<vmem>>
    %dma_start3A_15 = arith.constant 0 : i32
    %dma_start3A_16 = arith.constant 0 : i32
    %dma_start3A_17 = tpu.memref_slice %arg11[%dma_start3A_15, %dma_start3A_16] : memref<10000x32xf32, #tpu.memory_space<vmem_shared>> -> memref<10000x32xf32, #tpu.memory_space<vmem_shared>>
    tpu.enqueue_indirect_dma source(%dma_start3A_17 : memref<10000x32xf32, #tpu.memory_space<vmem_shared>>) target(%arg10 : memref<128x32xf32, #tpu.memory_space<vmem>>) offsets(%dma_start3A_14 : memref<128xi32, #tpu.memory_space<vmem>>) semaphore(%arg14 : memref<!tpu.dma_semaphore, #tpu.memory_space<semaphore_mem>>)
    %scan3A = arith.constant 0 : i32
    %scan3A_18 = arith.constant 39 : i32
    %scan3A_19 = arith.addi %scan3A, %scan3A_18 : i32
    %scan3A_20 = arith.constant 1 : i32
    scf.for %scan3A_39 = %scan3A to %scan3A_19 step %scan3A_20  : i32 {
      %mul3A_40 = arith.constant 2 : i32
      %mul3A_41 = arith.muli %scan3A_39, %mul3A_40 : i32
      %add3A_42 = arith.constant 0 : i32
      %add3A_43 = arith.addi %add3A_42, %mul3A_41 : i32
      %add3A_44 = arith.constant 0 : i32
      %add3A_45 = arith.addi %add3A_43, %add3A_44 : i32
      %dma_wait3A_46 = arith.constant 0 : i32
      %dma_wait3A_47 = tpu.memref_slice %arg7[%add3A_45, %dma_wait3A_46] : memref<80x128xi32, #tpu.memory_space<vmem>> -> memref<1x128xi32, #tpu.memory_space<vmem>>
      %dma_wait3A_48 = tpu.memref_squeeze %dma_wait3A_47 : memref<1x128xi32, #tpu.memory_space<vmem>> -> memref<128xi32, #tpu.memory_space<vmem>>
      %dma_wait3A_49 = arith.constant 0 : i32
      %dma_wait3A_50 = arith.constant 0 : i32
      %dma_wait3A_51 = tpu.memref_slice %arg11[%dma_wait3A_49, %dma_wait3A_50] : memref<10000x32xf32, #tpu.memory_space<vmem_shared>> -> memref<10000x32xf32, #tpu.memory_space<vmem_shared>>
      tpu.wait_indirect_dma semaphore(%arg13 : memref<!tpu.dma_semaphore, #tpu.memory_space<semaphore_mem>>) src(%dma_wait3A_51 : memref<10000x32xf32, #tpu.memory_space<vmem_shared>>) dst(%arg9 : memref<128x32xf32, #tpu.memory_space<vmem>>)
      "tpu.region"() ({
        %run_scoped3A_76 = tpu.sem_alloc : memref<!tpu.dma_semaphore, #tpu.memory_space<semaphore_mem>>
        %dma_start3A_77 = arith.constant 0 : i32
        %dma_start3A_78 = tpu.memref_slice %arg8[%add3A_45, %dma_start3A_77] : memref<80x128xi32, #tpu.memory_space<vmem>> -> memref<1x128xi32, #tpu.memory_space<vmem>>
        %dma_start3A_79 = tpu.memref_squeeze %dma_start3A_78 : memref<1x128xi32, #tpu.memory_space<vmem>> -> memref<128xi32, #tpu.memory_space<vmem>>
        %dma_start3A_80 = arith.constant 0 : i32
        %dma_start3A_81 = arith.constant 0 : i32
        %dma_start3A_82 = tpu.memref_slice %arg12[%dma_start3A_80, %dma_start3A_81] : memref<10112x32xf32, #tpu.memory_space<vmem_shared>> -> memref<10112x32xf32, #tpu.memory_space<vmem_shared>>
        tpu.enqueue_indirect_dma source(%arg9 : memref<128x32xf32, #tpu.memory_space<vmem>>) target(%dma_start3A_82 : memref<10112x32xf32, #tpu.memory_space<vmem_shared>>) offsets(%dma_start3A_79 : memref<128xi32, #tpu.memory_space<vmem>>) semaphore(%run_scoped3A_76 : memref<!tpu.dma_semaphore, #tpu.memory_space<semaphore_mem>>) {add = true}
        %dma_wait3A_83 = arith.constant 0 : i32
        %dma_wait3A_84 = tpu.memref_slice %arg8[%add3A_45, %dma_wait3A_83] : memref<80x128xi32, #tpu.memory_space<vmem>> -> memref<1x128xi32, #tpu.memory_space<vmem>>
        %dma_wait3A_85 = tpu.memref_squeeze %dma_wait3A_84 : memref<1x128xi32, #tpu.memory_space<vmem>> -> memref<128xi32, #tpu.memory_space<vmem>>
        %dma_wait3A_86 = arith.constant 0 : i32
        %dma_wait3A_87 = arith.constant 0 : i32
        %dma_wait3A_88 = tpu.memref_slice %arg12[%dma_wait3A_86, %dma_wait3A_87] : memref<10112x32xf32, #tpu.memory_space<vmem_shared>> -> memref<10112x32xf32, #tpu.memory_space<vmem_shared>>
        tpu.wait_indirect_dma semaphore(%run_scoped3A_76 : memref<!tpu.dma_semaphore, #tpu.memory_space<semaphore_mem>>) src(%arg9 : memref<128x32xf32, #tpu.memory_space<vmem>>) dst(%dma_wait3A_88 : memref<10112x32xf32, #tpu.memory_space<vmem_shared>>)
        tpu.yield
      }) : () -> ()
      %add3A_52 = arith.constant 2 : i32
      %add3A_53 = arith.addi %add3A_45, %add3A_52 : i32
      %dma_start3A_54 = arith.constant 0 : i32
      %dma_start3A_55 = tpu.memref_slice %arg7[%add3A_53, %dma_start3A_54] : memref<80x128xi32, #tpu.memory_space<vmem>> -> memref<1x128xi32, #tpu.memory_space<vmem>>
      %dma_start3A_56 = tpu.memref_squeeze %dma_start3A_55 : memref<1x128xi32, #tpu.memory_space<vmem>> -> memref<128xi32, #tpu.memory_space<vmem>>
      %dma_start3A_57 = arith.constant 0 : i32
      %dma_start3A_58 = arith.constant 0 : i32
      %dma_start3A_59 = tpu.memref_slice %arg11[%dma_start3A_57, %dma_start3A_58] : memref<10000x32xf32, #tpu.memory_space<vmem_shared>> -> memref<10000x32xf32, #tpu.memory_space<vmem_shared>>
      tpu.enqueue_indirect_dma source(%dma_start3A_59 : memref<10000x32xf32, #tpu.memory_space<vmem_shared>>) target(%arg9 : memref<128x32xf32, #tpu.memory_space<vmem>>) offsets(%dma_start3A_56 : memref<128xi32, #tpu.memory_space<vmem>>) semaphore(%arg13 : memref<!tpu.dma_semaphore, #tpu.memory_space<semaphore_mem>>)
      %add3A_60 = arith.constant 1 : i32
      %add3A_61 = arith.addi %add3A_43, %add3A_60 : i32
      %dma_wait3A_62 = arith.constant 0 : i32
      %dma_wait3A_63 = tpu.memref_slice %arg7[%add3A_61, %dma_wait3A_62] : memref<80x128xi32, #tpu.memory_space<vmem>> -> memref<1x128xi32, #tpu.memory_space<vmem>>
      %dma_wait3A_64 = tpu.memref_squeeze %dma_wait3A_63 : memref<1x128xi32, #tpu.memory_space<vmem>> -> memref<128xi32, #tpu.memory_space<vmem>>
      %dma_wait3A_65 = arith.constant 0 : i32
      %dma_wait3A_66 = arith.constant 0 : i32
      %dma_wait3A_67 = tpu.memref_slice %arg11[%dma_wait3A_65, %dma_wait3A_66] : memref<10000x32xf32, #tpu.memory_space<vmem_shared>> -> memref<10000x32xf32, #tpu.memory_space<vmem_shared>>
      tpu.wait_indirect_dma semaphore(%arg14 : memref<!tpu.dma_semaphore, #tpu.memory_space<semaphore_mem>>) src(%dma_wait3A_67 : memref<10000x32xf32, #tpu.memory_space<vmem_shared>>) dst(%arg10 : memref<128x32xf32, #tpu.memory_space<vmem>>)
      "tpu.region"() ({
        %run_scoped3A_76 = tpu.sem_alloc : memref<!tpu.dma_semaphore, #tpu.memory_space<semaphore_mem>>
        %dma_start3A_77 = arith.constant 0 : i32
        %dma_start3A_78 = tpu.memref_slice %arg8[%add3A_61, %dma_start3A_77] : memref<80x128xi32, #tpu.memory_space<vmem>> -> memref<1x128xi32, #tpu.memory_space<vmem>>
        %dma_start3A_79 = tpu.memref_squeeze %dma_start3A_78 : memref<1x128xi32, #tpu.memory_space<vmem>> -> memref<128xi32, #tpu.memory_space<vmem>>
        %dma_start3A_80 = arith.constant 0 : i32
        %dma_start3A_81 = arith.constant 0 : i32
        %dma_start3A_82 = tpu.memref_slice %arg12[%dma_start3A_80, %dma_start3A_81] : memref<10112x32xf32, #tpu.memory_space<vmem_shared>> -> memref<10112x32xf32, #tpu.memory_space<vmem_shared>>
        tpu.enqueue_indirect_dma source(%arg10 : memref<128x32xf32, #tpu.memory_space<vmem>>) target(%dma_start3A_82 : memref<10112x32xf32, #tpu.memory_space<vmem_shared>>) offsets(%dma_start3A_79 : memref<128xi32, #tpu.memory_space<vmem>>) semaphore(%run_scoped3A_76 : memref<!tpu.dma_semaphore, #tpu.memory_space<semaphore_mem>>) {add = true}
        %dma_wait3A_83 = arith.constant 0 : i32
        %dma_wait3A_84 = tpu.memref_slice %arg8[%add3A_61, %dma_wait3A_83] : memref<80x128xi32, #tpu.memory_space<vmem>> -> memref<1x128xi32, #tpu.memory_space<vmem>>
        %dma_wait3A_85 = tpu.memref_squeeze %dma_wait3A_84 : memref<1x128xi32, #tpu.memory_space<vmem>> -> memref<128xi32, #tpu.memory_space<vmem>>
        %dma_wait3A_86 = arith.constant 0 : i32
        %dma_wait3A_87 = arith.constant 0 : i32
        %dma_wait3A_88 = tpu.memref_slice %arg12[%dma_wait3A_86, %dma_wait3A_87] : memref<10112x32xf32, #tpu.memory_space<vmem_shared>> -> memref<10112x32xf32, #tpu.memory_space<vmem_shared>>
        tpu.wait_indirect_dma semaphore(%run_scoped3A_76 : memref<!tpu.dma_semaphore, #tpu.memory_space<semaphore_mem>>) src(%arg10 : memref<128x32xf32, #tpu.memory_space<vmem>>) dst(%dma_wait3A_88 : memref<10112x32xf32, #tpu.memory_space<vmem_shared>>)
        tpu.yield
      }) : () -> ()
      %add3A_68 = arith.constant 2 : i32
      %add3A_69 = arith.addi %add3A_61, %add3A_68 : i32
      %dma_start3A_70 = arith.constant 0 : i32
      %dma_start3A_71 = tpu.memref_slice %arg7[%add3A_69, %dma_start3A_70] : memref<80x128xi32, #tpu.memory_space<vmem>> -> memref<1x128xi32, #tpu.memory_space<vmem>>
      %dma_start3A_72 = tpu.memref_squeeze %dma_start3A_71 : memref<1x128xi32, #tpu.memory_space<vmem>> -> memref<128xi32, #tpu.memory_space<vmem>>
      %dma_start3A_73 = arith.constant 0 : i32
      %dma_start3A_74 = arith.constant 0 : i32
      %dma_start3A_75 = tpu.memref_slice %arg11[%dma_start3A_73, %dma_start3A_74] : memref<10000x32xf32, #tpu.memory_space<vmem_shared>> -> memref<10000x32xf32, #tpu.memory_space<vmem_shared>>
      tpu.enqueue_indirect_dma source(%dma_start3A_75 : memref<10000x32xf32, #tpu.memory_space<vmem_shared>>) target(%arg10 : memref<128x32xf32, #tpu.memory_space<vmem>>) offsets(%dma_start3A_72 : memref<128xi32, #tpu.memory_space<vmem>>) semaphore(%arg14 : memref<!tpu.dma_semaphore, #tpu.memory_space<semaphore_mem>>)
    }
    %scan3A_21 = arith.constant 39 : i32
    %dma_wait3A = arith.constant 78 : i32
    %dma_wait3A_22 = arith.constant 0 : i32
    %dma_wait3A_23 = tpu.memref_slice %arg7[%dma_wait3A, %dma_wait3A_22] : memref<80x128xi32, #tpu.memory_space<vmem>> -> memref<1x128xi32, #tpu.memory_space<vmem>>
    %dma_wait3A_24 = tpu.memref_squeeze %dma_wait3A_23 : memref<1x128xi32, #tpu.memory_space<vmem>> -> memref<128xi32, #tpu.memory_space<vmem>>
    %dma_wait3A_25 = arith.constant 0 : i32
    %dma_wait3A_26 = arith.constant 0 : i32
    %dma_wait3A_27 = tpu.memref_slice %arg11[%dma_wait3A_25, %dma_wait3A_26] : memref<10000x32xf32, #tpu.memory_space<vmem_shared>> -> memref<10000x32xf32, #tpu.memory_space<vmem_shared>>
    tpu.wait_indirect_dma semaphore(%arg13 : memref<!tpu.dma_semaphore, #tpu.memory_space<semaphore_mem>>) src(%dma_wait3A_27 : memref<10000x32xf32, #tpu.memory_space<vmem_shared>>) dst(%arg9 : memref<128x32xf32, #tpu.memory_space<vmem>>)
    %run_scoped3A = arith.constant 78 : i32
    "tpu.region"() ({
      %run_scoped3A_39 = tpu.sem_alloc : memref<!tpu.dma_semaphore, #tpu.memory_space<semaphore_mem>>
      %dma_start3A_40 = arith.constant 0 : i32
      %dma_start3A_41 = tpu.memref_slice %arg8[%run_scoped3A, %dma_start3A_40] : memref<80x128xi32, #tpu.memory_space<vmem>> -> memref<1x128xi32, #tpu.memory_space<vmem>>
      %dma_start3A_42 = tpu.memref_squeeze %dma_start3A_41 : memref<1x128xi32, #tpu.memory_space<vmem>> -> memref<128xi32, #tpu.memory_space<vmem>>
      %dma_start3A_43 = arith.constant 0 : i32
      %dma_start3A_44 = arith.constant 0 : i32
      %dma_start3A_45 = tpu.memref_slice %arg12[%dma_start3A_43, %dma_start3A_44] : memref<10112x32xf32, #tpu.memory_space<vmem_shared>> -> memref<10112x32xf32, #tpu.memory_space<vmem_shared>>
      tpu.enqueue_indirect_dma source(%arg9 : memref<128x32xf32, #tpu.memory_space<vmem>>) target(%dma_start3A_45 : memref<10112x32xf32, #tpu.memory_space<vmem_shared>>) offsets(%dma_start3A_42 : memref<128xi32, #tpu.memory_space<vmem>>) semaphore(%run_scoped3A_39 : memref<!tpu.dma_semaphore, #tpu.memory_space<semaphore_mem>>) {add = true}
      %dma_wait3A_46 = arith.constant 0 : i32
      %dma_wait3A_47 = tpu.memref_slice %arg8[%run_scoped3A, %dma_wait3A_46] : memref<80x128xi32, #tpu.memory_space<vmem>> -> memref<1x128xi32, #tpu.memory_space<vmem>>
      %dma_wait3A_48 = tpu.memref_squeeze %dma_wait3A_47 : memref<1x128xi32, #tpu.memory_space<vmem>> -> memref<128xi32, #tpu.memory_space<vmem>>
      %dma_wait3A_49 = arith.constant 0 : i32
      %dma_wait3A_50 = arith.constant 0 : i32
      %dma_wait3A_51 = tpu.memref_slice %arg12[%dma_wait3A_49, %dma_wait3A_50] : memref<10112x32xf32, #tpu.memory_space<vmem_shared>> -> memref<10112x32xf32, #tpu.memory_space<vmem_shared>>
      tpu.wait_indirect_dma semaphore(%run_scoped3A_39 : memref<!tpu.dma_semaphore, #tpu.memory_space<semaphore_mem>>) src(%arg9 : memref<128x32xf32, #tpu.memory_space<vmem>>) dst(%dma_wait3A_51 : memref<10112x32xf32, #tpu.memory_space<vmem_shared>>)
      tpu.yield
    }) : () -> ()
    %dma_wait3A_28 = arith.constant 79 : i32
    %dma_wait3A_29 = arith.constant 0 : i32
    %dma_wait3A_30 = tpu.memref_slice %arg7[%dma_wait3A_28, %dma_wait3A_29] : memref<80x128xi32, #tpu.memory_space<vmem>> -> memref<1x128xi32, #tpu.memory_space<vmem>>
    %dma_wait3A_31 = tpu.memref_squeeze %dma_wait3A_30 : memref<1x128xi32, #tpu.memory_space<vmem>> -> memref<128xi32, #tpu.memory_space<vmem>>
    %dma_wait3A_32 = arith.constant 0 : i32
    %dma_wait3A_33 = arith.constant 0 : i32
    %dma_wait3A_34 = tpu.memref_slice %arg11[%dma_wait3A_32, %dma_wait3A_33] : memref<10000x32xf32, #tpu.memory_space<vmem_shared>> -> memref<10000x32xf32, #tpu.memory_space<vmem_shared>>
    tpu.wait_indirect_dma semaphore(%arg14 : memref<!tpu.dma_semaphore, #tpu.memory_space<semaphore_mem>>) src(%dma_wait3A_34 : memref<10000x32xf32, #tpu.memory_space<vmem_shared>>) dst(%arg10 : memref<128x32xf32, #tpu.memory_space<vmem>>)
    %run_scoped3A_35 = arith.constant 79 : i32
    "tpu.region"() ({
      %run_scoped3A_39 = tpu.sem_alloc : memref<!tpu.dma_semaphore, #tpu.memory_space<semaphore_mem>>
      %dma_start3A_40 = arith.constant 0 : i32
      %dma_start3A_41 = tpu.memref_slice %arg8[%run_scoped3A_35, %dma_start3A_40] : memref<80x128xi32, #tpu.memory_space<vmem>> -> memref<1x128xi32, #tpu.memory_space<vmem>>
      %dma_start3A_42 = tpu.memref_squeeze %dma_start3A_41 : memref<1x128xi32, #tpu.memory_space<vmem>> -> memref<128xi32, #tpu.memory_space<vmem>>
      %dma_start3A_43 = arith.constant 0 : i32
      %dma_start3A_44 = arith.constant 0 : i32
      %dma_start3A_45 = tpu.memref_slice %arg12[%dma_start3A_43, %dma_start3A_44] : memref<10112x32xf32, #tpu.memory_space<vmem_shared>> -> memref<10112x32xf32, #tpu.memory_space<vmem_shared>>
      tpu.enqueue_indirect_dma source(%arg10 : memref<128x32xf32, #tpu.memory_space<vmem>>) target(%dma_start3A_45 : memref<10112x32xf32, #tpu.memory_space<vmem_shared>>) offsets(%dma_start3A_42 : memref<128xi32, #tpu.memory_space<vmem>>) semaphore(%run_scoped3A_39 : memref<!tpu.dma_semaphore, #tpu.memory_space<semaphore_mem>>) {add = true}
      %dma_wait3A_46 = arith.constant 0 : i32
      %dma_wait3A_47 = tpu.memref_slice %arg8[%run_scoped3A_35, %dma_wait3A_46] : memref<80x128xi32, #tpu.memory_space<vmem>> -> memref<1x128xi32, #tpu.memory_space<vmem>>
      %dma_wait3A_48 = tpu.memref_squeeze %dma_wait3A_47 : memref<1x128xi32, #tpu.memory_space<vmem>> -> memref<128xi32, #tpu.memory_space<vmem>>
      %dma_wait3A_49 = arith.constant 0 : i32
      %dma_wait3A_50 = arith.constant 0 : i32
      %dma_wait3A_51 = tpu.memref_slice %arg12[%dma_wait3A_49, %dma_wait3A_50] : memref<10112x32xf32, #tpu.memory_space<vmem_shared>> -> memref<10112x32xf32, #tpu.memory_space<vmem_shared>>
      tpu.wait_indirect_dma semaphore(%run_scoped3A_39 : memref<!tpu.dma_semaphore, #tpu.memory_space<semaphore_mem>>) src(%arg10 : memref<128x32xf32, #tpu.memory_space<vmem>>) dst(%dma_wait3A_51 : memref<10112x32xf32, #tpu.memory_space<vmem_shared>>)
      tpu.yield
    }) : () -> ()
    %barrier3A_36 = arith.constant 0 : index
    tpu.barrier barrier_id(%barrier3A_36)
    %mul3A_37 = arith.constant 32 : i32
    %mul3A_38 = arith.muli %arg0, %mul3A_37 : i32
    "tpu.region"() ({
      %run_scoped3A_39 = tpu.sem_alloc : memref<!tpu.dma_semaphore, #tpu.memory_space<semaphore_mem>>
      %dma_start3A_40 = tpu.memref_slice %arg6[%mul3A_4, %mul3A_38] : memref<10112x64xf32, #tpu.memory_space<hbm>> -> memref<632x32xf32, #tpu.memory_space<hbm>>
      %dma_start3A_41 = arith.constant 0 : i32
      %dma_start3A_42 = tpu.memref_slice %arg12[%mul3A_4, %dma_start3A_41] : memref<10112x32xf32, #tpu.memory_space<vmem_shared>> -> memref<632x32xf32, #tpu.memory_space<vmem_shared>>
      tpu.enqueue_dma source(%dma_start3A_42 : memref<632x32xf32, #tpu.memory_space<vmem_shared>>) target(%dma_start3A_40 : memref<632x32xf32, #tpu.memory_space<hbm>>) target_semaphore(%run_scoped3A_39 : memref<!tpu.dma_semaphore, #tpu.memory_space<semaphore_mem>>)
      %dma_wait3A_43 = tpu.memref_slice %arg6[%mul3A_4, %mul3A_38] : memref<10112x64xf32, #tpu.memory_space<hbm>> -> memref<632x32xf32, #tpu.memory_space<hbm>>
      %dma_wait3A_44 = arith.constant 0 : i32
      %dma_wait3A_45 = tpu.memref_slice %arg12[%mul3A_4, %dma_wait3A_44] : memref<10112x32xf32, #tpu.memory_space<vmem_shared>> -> memref<632x32xf32, #tpu.memory_space<vmem_shared>>
      tpu.wait_dma2 semaphore(%run_scoped3A_39 : memref<!tpu.dma_semaphore, #tpu.memory_space<semaphore_mem>>) src(%dma_wait3A_45 : memref<632x32xf32, #tpu.memory_space<vmem_shared>>) dst(%dma_wait3A_43 : memref<632x32xf32, #tpu.memory_space<hbm>>)
      tpu.yield
    }) : () -> ()
    return
  }
}

#map = affine_map<(d0, d1) -> (0, 0)>
#map1 = affine_map<(d0, d1) -> (0, 0, 0)>
module attributes {stable_mosaic.version = 14 : i64} {
  func.func @agg(%arg0: i32, %arg1: i32, %arg2: memref<10000x16xf32, #tpu.memory_space<hbm>>, %arg3: memref<32x80x128xi32, #tpu.memory_space<hbm>>, %arg4: memref<32x80x128xi32, #tpu.memory_space<hbm>>, %arg5: memref<10112x16xf32, #tpu.memory_space<hbm>>, %arg6: memref<10112x32xf32, #tpu.memory_space<hbm>>, %arg7: memref<80x128xi32, #tpu.memory_space<vmem>>, %arg8: memref<80x128xi32, #tpu.memory_space<vmem>>, %arg9: memref<128x16xf32, #tpu.memory_space<vmem>>, %arg10: memref<128x16xf32, #tpu.memory_space<vmem>>, %arg11: memref<10000x16xf32, #tpu.memory_space<vmem_shared>>, %arg12: memref<10112x16xf32, #tpu.memory_space<vmem_shared>>, %arg13: memref<!tpu.dma_semaphore, #tpu.memory_space<semaphore_mem>>, %arg14: memref<!tpu.dma_semaphore, #tpu.memory_space<semaphore_mem>>) attributes {dimension_semantics = [#tpu.dimension_semantics<core_parallel>, #tpu.dimension_semantics<subcore_parallel>], iteration_bounds = array<i64: 2, 16>, scalar_prefetch = 0 : i64, scratch_operands = 8 : i64, tpu.core_type = #tpu.core_type<sc_vector_subcore>, window_params = [{transform_indices = #map}, {transform_indices = #map1}, {transform_indices = #map1}, {transform_indices = #map}, {transform_indices = #map}]} {
    %mul3A = arith.constant 16 : i32
    %mul3A_0 = arith.muli %arg0, %mul3A : i32
    %add3A = arith.addi %mul3A_0, %arg1 : i32
    "tpu.region"() ({
      %run_scoped3A_39 = tpu.sem_alloc : memref<!tpu.dma_semaphore, #tpu.memory_space<semaphore_mem>>
      %dma_start3A_40 = arith.constant 0 : i32
      %dma_start3A_41 = arith.constant 0 : i32
      %dma_start3A_42 = tpu.memref_slice %arg3[%add3A, %dma_start3A_40, %dma_start3A_41] : memref<32x80x128xi32, #tpu.memory_space<hbm>> -> memref<1x80x128xi32, #tpu.memory_space<hbm>>
      %dma_start3A_43 = tpu.memref_squeeze %dma_start3A_42 : memref<1x80x128xi32, #tpu.memory_space<hbm>> -> memref<80x128xi32, #tpu.memory_space<hbm>>
      %dma_start3A_44 = arith.constant 0 : i32
      %dma_start3A_45 = arith.constant 0 : i32
      %dma_start3A_46 = tpu.memref_slice %arg3[%add3A, %dma_start3A_44, %dma_start3A_45] : memref<32x80x128xi32, #tpu.memory_space<hbm>> -> memref<1x80x128xi32, #tpu.memory_space<hbm>>
      %dma_start3A_47 = tpu.memref_squeeze %dma_start3A_46 : memref<1x80x128xi32, #tpu.memory_space<hbm>> -> memref<80x128xi32, #tpu.memory_space<hbm>>
      tpu.enqueue_dma source(%dma_start3A_47 : memref<80x128xi32, #tpu.memory_space<hbm>>) target(%arg7 : memref<80x128xi32, #tpu.memory_space<vmem>>) target_semaphore(%run_scoped3A_39 : memref<!tpu.dma_semaphore, #tpu.memory_space<semaphore_mem>>)
      %dma_wait3A_48 = arith.constant 0 : i32
      %dma_wait3A_49 = arith.constant 0 : i32
      %dma_wait3A_50 = tpu.memref_slice %arg3[%add3A, %dma_wait3A_48, %dma_wait3A_49] : memref<32x80x128xi32, #tpu.memory_space<hbm>> -> memref<1x80x128xi32, #tpu.memory_space<hbm>>
      %dma_wait3A_51 = tpu.memref_squeeze %dma_wait3A_50 : memref<1x80x128xi32, #tpu.memory_space<hbm>> -> memref<80x128xi32, #tpu.memory_space<hbm>>
      %dma_wait3A_52 = arith.constant 0 : i32
      %dma_wait3A_53 = arith.constant 0 : i32
      %dma_wait3A_54 = tpu.memref_slice %arg3[%add3A, %dma_wait3A_52, %dma_wait3A_53] : memref<32x80x128xi32, #tpu.memory_space<hbm>> -> memref<1x80x128xi32, #tpu.memory_space<hbm>>
      %dma_wait3A_55 = tpu.memref_squeeze %dma_wait3A_54 : memref<1x80x128xi32, #tpu.memory_space<hbm>> -> memref<80x128xi32, #tpu.memory_space<hbm>>
      tpu.wait_dma2 semaphore(%run_scoped3A_39 : memref<!tpu.dma_semaphore, #tpu.memory_space<semaphore_mem>>) src(%dma_wait3A_55 : memref<80x128xi32, #tpu.memory_space<hbm>>) dst(%arg7 : memref<80x128xi32, #tpu.memory_space<vmem>>)
      tpu.yield
    }) : () -> ()
    "tpu.region"() ({
      %run_scoped3A_39 = tpu.sem_alloc : memref<!tpu.dma_semaphore, #tpu.memory_space<semaphore_mem>>
      %dma_start3A_40 = arith.constant 0 : i32
      %dma_start3A_41 = arith.constant 0 : i32
      %dma_start3A_42 = tpu.memref_slice %arg4[%add3A, %dma_start3A_40, %dma_start3A_41] : memref<32x80x128xi32, #tpu.memory_space<hbm>> -> memref<1x80x128xi32, #tpu.memory_space<hbm>>
      %dma_start3A_43 = tpu.memref_squeeze %dma_start3A_42 : memref<1x80x128xi32, #tpu.memory_space<hbm>> -> memref<80x128xi32, #tpu.memory_space<hbm>>
      %dma_start3A_44 = arith.constant 0 : i32
      %dma_start3A_45 = arith.constant 0 : i32
      %dma_start3A_46 = tpu.memref_slice %arg4[%add3A, %dma_start3A_44, %dma_start3A_45] : memref<32x80x128xi32, #tpu.memory_space<hbm>> -> memref<1x80x128xi32, #tpu.memory_space<hbm>>
      %dma_start3A_47 = tpu.memref_squeeze %dma_start3A_46 : memref<1x80x128xi32, #tpu.memory_space<hbm>> -> memref<80x128xi32, #tpu.memory_space<hbm>>
      tpu.enqueue_dma source(%dma_start3A_47 : memref<80x128xi32, #tpu.memory_space<hbm>>) target(%arg8 : memref<80x128xi32, #tpu.memory_space<vmem>>) target_semaphore(%run_scoped3A_39 : memref<!tpu.dma_semaphore, #tpu.memory_space<semaphore_mem>>)
      %dma_wait3A_48 = arith.constant 0 : i32
      %dma_wait3A_49 = arith.constant 0 : i32
      %dma_wait3A_50 = tpu.memref_slice %arg4[%add3A, %dma_wait3A_48, %dma_wait3A_49] : memref<32x80x128xi32, #tpu.memory_space<hbm>> -> memref<1x80x128xi32, #tpu.memory_space<hbm>>
      %dma_wait3A_51 = tpu.memref_squeeze %dma_wait3A_50 : memref<1x80x128xi32, #tpu.memory_space<hbm>> -> memref<80x128xi32, #tpu.memory_space<hbm>>
      %dma_wait3A_52 = arith.constant 0 : i32
      %dma_wait3A_53 = arith.constant 0 : i32
      %dma_wait3A_54 = tpu.memref_slice %arg4[%add3A, %dma_wait3A_52, %dma_wait3A_53] : memref<32x80x128xi32, #tpu.memory_space<hbm>> -> memref<1x80x128xi32, #tpu.memory_space<hbm>>
      %dma_wait3A_55 = tpu.memref_squeeze %dma_wait3A_54 : memref<1x80x128xi32, #tpu.memory_space<hbm>> -> memref<80x128xi32, #tpu.memory_space<hbm>>
      tpu.wait_dma2 semaphore(%run_scoped3A_39 : memref<!tpu.dma_semaphore, #tpu.memory_space<semaphore_mem>>) src(%dma_wait3A_55 : memref<80x128xi32, #tpu.memory_space<hbm>>) dst(%arg8 : memref<80x128xi32, #tpu.memory_space<vmem>>)
      tpu.yield
    }) : () -> ()
    %mul3A_1 = arith.constant 625 : i32
    %mul3A_2 = arith.muli %arg1, %mul3A_1 : i32
    "tpu.region"() ({
      %run_scoped3A_39 = tpu.sem_alloc : memref<!tpu.dma_semaphore, #tpu.memory_space<semaphore_mem>>
      %dma_start3A_40 = arith.constant 0 : i32
      %dma_start3A_41 = tpu.memref_slice %arg11[%mul3A_2, %dma_start3A_40] : memref<10000x16xf32, #tpu.memory_space<vmem_shared>> -> memref<625x16xf32, #tpu.memory_space<vmem_shared>>
      %dma_start3A_42 = arith.constant 0 : i32
      %dma_start3A_43 = tpu.memref_slice %arg2[%mul3A_2, %dma_start3A_42] : memref<10000x16xf32, #tpu.memory_space<hbm>> -> memref<625x16xf32, #tpu.memory_space<hbm>>
      tpu.enqueue_dma source(%dma_start3A_43 : memref<625x16xf32, #tpu.memory_space<hbm>>) target(%dma_start3A_41 : memref<625x16xf32, #tpu.memory_space<vmem_shared>>) target_semaphore(%run_scoped3A_39 : memref<!tpu.dma_semaphore, #tpu.memory_space<semaphore_mem>>)
      %dma_wait3A_44 = arith.constant 0 : i32
      %dma_wait3A_45 = tpu.memref_slice %arg11[%mul3A_2, %dma_wait3A_44] : memref<10000x16xf32, #tpu.memory_space<vmem_shared>> -> memref<625x16xf32, #tpu.memory_space<vmem_shared>>
      %dma_wait3A_46 = arith.constant 0 : i32
      %dma_wait3A_47 = tpu.memref_slice %arg2[%mul3A_2, %dma_wait3A_46] : memref<10000x16xf32, #tpu.memory_space<hbm>> -> memref<625x16xf32, #tpu.memory_space<hbm>>
      tpu.wait_dma2 semaphore(%run_scoped3A_39 : memref<!tpu.dma_semaphore, #tpu.memory_space<semaphore_mem>>) src(%dma_wait3A_47 : memref<625x16xf32, #tpu.memory_space<hbm>>) dst(%dma_wait3A_45 : memref<625x16xf32, #tpu.memory_space<vmem_shared>>)
      tpu.yield
    }) : () -> ()
    %mul3A_3 = arith.constant 632 : i32
    %mul3A_4 = arith.muli %arg1, %mul3A_3 : i32
    "tpu.region"() ({
      %run_scoped3A_39 = tpu.sem_alloc : memref<!tpu.dma_semaphore, #tpu.memory_space<semaphore_mem>>
      %dma_start3A_40 = arith.constant 0 : i32
      %dma_start3A_41 = tpu.memref_slice %arg12[%mul3A_4, %dma_start3A_40] : memref<10112x16xf32, #tpu.memory_space<vmem_shared>> -> memref<632x16xf32, #tpu.memory_space<vmem_shared>>
      %dma_start3A_42 = arith.constant 0 : i32
      %dma_start3A_43 = tpu.memref_slice %arg5[%mul3A_4, %dma_start3A_42] : memref<10112x16xf32, #tpu.memory_space<hbm>> -> memref<632x16xf32, #tpu.memory_space<hbm>>
      tpu.enqueue_dma source(%dma_start3A_43 : memref<632x16xf32, #tpu.memory_space<hbm>>) target(%dma_start3A_41 : memref<632x16xf32, #tpu.memory_space<vmem_shared>>) target_semaphore(%run_scoped3A_39 : memref<!tpu.dma_semaphore, #tpu.memory_space<semaphore_mem>>)
      %dma_wait3A_44 = arith.constant 0 : i32
      %dma_wait3A_45 = tpu.memref_slice %arg12[%mul3A_4, %dma_wait3A_44] : memref<10112x16xf32, #tpu.memory_space<vmem_shared>> -> memref<632x16xf32, #tpu.memory_space<vmem_shared>>
      %dma_wait3A_46 = arith.constant 0 : i32
      %dma_wait3A_47 = tpu.memref_slice %arg5[%mul3A_4, %dma_wait3A_46] : memref<10112x16xf32, #tpu.memory_space<hbm>> -> memref<632x16xf32, #tpu.memory_space<hbm>>
      tpu.wait_dma2 semaphore(%run_scoped3A_39 : memref<!tpu.dma_semaphore, #tpu.memory_space<semaphore_mem>>) src(%dma_wait3A_47 : memref<632x16xf32, #tpu.memory_space<hbm>>) dst(%dma_wait3A_45 : memref<632x16xf32, #tpu.memory_space<vmem_shared>>)
      tpu.yield
    }) : () -> ()
    %barrier3A = arith.constant 0 : index
    tpu.barrier barrier_id(%barrier3A)
    %dma_start3A = arith.constant 0 : i32
    %dma_start3A_5 = arith.constant 0 : i32
    %dma_start3A_6 = tpu.memref_slice %arg7[%dma_start3A, %dma_start3A_5] : memref<80x128xi32, #tpu.memory_space<vmem>> -> memref<1x128xi32, #tpu.memory_space<vmem>>
    %dma_start3A_7 = tpu.memref_squeeze %dma_start3A_6 : memref<1x128xi32, #tpu.memory_space<vmem>> -> memref<128xi32, #tpu.memory_space<vmem>>
    %dma_start3A_8 = arith.constant 0 : i32
    %dma_start3A_9 = arith.constant 0 : i32
    %dma_start3A_10 = tpu.memref_slice %arg11[%dma_start3A_8, %dma_start3A_9] : memref<10000x16xf32, #tpu.memory_space<vmem_shared>> -> memref<10000x16xf32, #tpu.memory_space<vmem_shared>>
    tpu.enqueue_indirect_dma source(%dma_start3A_10 : memref<10000x16xf32, #tpu.memory_space<vmem_shared>>) target(%arg9 : memref<128x16xf32, #tpu.memory_space<vmem>>) offsets(%dma_start3A_7 : memref<128xi32, #tpu.memory_space<vmem>>) semaphore(%arg13 : memref<!tpu.dma_semaphore, #tpu.memory_space<semaphore_mem>>)
    %dma_start3A_11 = arith.constant 1 : i32
    %dma_start3A_12 = arith.constant 0 : i32
    %dma_start3A_13 = tpu.memref_slice %arg7[%dma_start3A_11, %dma_start3A_12] : memref<80x128xi32, #tpu.memory_space<vmem>> -> memref<1x128xi32, #tpu.memory_space<vmem>>
    %dma_start3A_14 = tpu.memref_squeeze %dma_start3A_13 : memref<1x128xi32, #tpu.memory_space<vmem>> -> memref<128xi32, #tpu.memory_space<vmem>>
    %dma_start3A_15 = arith.constant 0 : i32
    %dma_start3A_16 = arith.constant 0 : i32
    %dma_start3A_17 = tpu.memref_slice %arg11[%dma_start3A_15, %dma_start3A_16] : memref<10000x16xf32, #tpu.memory_space<vmem_shared>> -> memref<10000x16xf32, #tpu.memory_space<vmem_shared>>
    tpu.enqueue_indirect_dma source(%dma_start3A_17 : memref<10000x16xf32, #tpu.memory_space<vmem_shared>>) target(%arg10 : memref<128x16xf32, #tpu.memory_space<vmem>>) offsets(%dma_start3A_14 : memref<128xi32, #tpu.memory_space<vmem>>) semaphore(%arg14 : memref<!tpu.dma_semaphore, #tpu.memory_space<semaphore_mem>>)
    %scan3A = arith.constant 0 : i32
    %scan3A_18 = arith.constant 39 : i32
    %scan3A_19 = arith.addi %scan3A, %scan3A_18 : i32
    %scan3A_20 = arith.constant 1 : i32
    scf.for %scan3A_39 = %scan3A to %scan3A_19 step %scan3A_20  : i32 {
      %mul3A_40 = arith.constant 2 : i32
      %mul3A_41 = arith.muli %scan3A_39, %mul3A_40 : i32
      %add3A_42 = arith.constant 0 : i32
      %add3A_43 = arith.addi %add3A_42, %mul3A_41 : i32
      %add3A_44 = arith.constant 0 : i32
      %add3A_45 = arith.addi %add3A_43, %add3A_44 : i32
      %dma_wait3A_46 = arith.constant 0 : i32
      %dma_wait3A_47 = tpu.memref_slice %arg7[%add3A_45, %dma_wait3A_46] : memref<80x128xi32, #tpu.memory_space<vmem>> -> memref<1x128xi32, #tpu.memory_space<vmem>>
      %dma_wait3A_48 = tpu.memref_squeeze %dma_wait3A_47 : memref<1x128xi32, #tpu.memory_space<vmem>> -> memref<128xi32, #tpu.memory_space<vmem>>
      %dma_wait3A_49 = arith.constant 0 : i32
      %dma_wait3A_50 = arith.constant 0 : i32
      %dma_wait3A_51 = tpu.memref_slice %arg11[%dma_wait3A_49, %dma_wait3A_50] : memref<10000x16xf32, #tpu.memory_space<vmem_shared>> -> memref<10000x16xf32, #tpu.memory_space<vmem_shared>>
      tpu.wait_indirect_dma semaphore(%arg13 : memref<!tpu.dma_semaphore, #tpu.memory_space<semaphore_mem>>) src(%dma_wait3A_51 : memref<10000x16xf32, #tpu.memory_space<vmem_shared>>) dst(%arg9 : memref<128x16xf32, #tpu.memory_space<vmem>>)
      "tpu.region"() ({
        %run_scoped3A_76 = tpu.sem_alloc : memref<!tpu.dma_semaphore, #tpu.memory_space<semaphore_mem>>
        %dma_start3A_77 = arith.constant 0 : i32
        %dma_start3A_78 = tpu.memref_slice %arg8[%add3A_45, %dma_start3A_77] : memref<80x128xi32, #tpu.memory_space<vmem>> -> memref<1x128xi32, #tpu.memory_space<vmem>>
        %dma_start3A_79 = tpu.memref_squeeze %dma_start3A_78 : memref<1x128xi32, #tpu.memory_space<vmem>> -> memref<128xi32, #tpu.memory_space<vmem>>
        %dma_start3A_80 = arith.constant 0 : i32
        %dma_start3A_81 = arith.constant 0 : i32
        %dma_start3A_82 = tpu.memref_slice %arg12[%dma_start3A_80, %dma_start3A_81] : memref<10112x16xf32, #tpu.memory_space<vmem_shared>> -> memref<10112x16xf32, #tpu.memory_space<vmem_shared>>
        tpu.enqueue_indirect_dma source(%arg9 : memref<128x16xf32, #tpu.memory_space<vmem>>) target(%dma_start3A_82 : memref<10112x16xf32, #tpu.memory_space<vmem_shared>>) offsets(%dma_start3A_79 : memref<128xi32, #tpu.memory_space<vmem>>) semaphore(%run_scoped3A_76 : memref<!tpu.dma_semaphore, #tpu.memory_space<semaphore_mem>>) {add = true}
        %dma_wait3A_83 = arith.constant 0 : i32
        %dma_wait3A_84 = tpu.memref_slice %arg8[%add3A_45, %dma_wait3A_83] : memref<80x128xi32, #tpu.memory_space<vmem>> -> memref<1x128xi32, #tpu.memory_space<vmem>>
        %dma_wait3A_85 = tpu.memref_squeeze %dma_wait3A_84 : memref<1x128xi32, #tpu.memory_space<vmem>> -> memref<128xi32, #tpu.memory_space<vmem>>
        %dma_wait3A_86 = arith.constant 0 : i32
        %dma_wait3A_87 = arith.constant 0 : i32
        %dma_wait3A_88 = tpu.memref_slice %arg12[%dma_wait3A_86, %dma_wait3A_87] : memref<10112x16xf32, #tpu.memory_space<vmem_shared>> -> memref<10112x16xf32, #tpu.memory_space<vmem_shared>>
        tpu.wait_indirect_dma semaphore(%run_scoped3A_76 : memref<!tpu.dma_semaphore, #tpu.memory_space<semaphore_mem>>) src(%arg9 : memref<128x16xf32, #tpu.memory_space<vmem>>) dst(%dma_wait3A_88 : memref<10112x16xf32, #tpu.memory_space<vmem_shared>>)
        tpu.yield
      }) : () -> ()
      %add3A_52 = arith.constant 2 : i32
      %add3A_53 = arith.addi %add3A_45, %add3A_52 : i32
      %dma_start3A_54 = arith.constant 0 : i32
      %dma_start3A_55 = tpu.memref_slice %arg7[%add3A_53, %dma_start3A_54] : memref<80x128xi32, #tpu.memory_space<vmem>> -> memref<1x128xi32, #tpu.memory_space<vmem>>
      %dma_start3A_56 = tpu.memref_squeeze %dma_start3A_55 : memref<1x128xi32, #tpu.memory_space<vmem>> -> memref<128xi32, #tpu.memory_space<vmem>>
      %dma_start3A_57 = arith.constant 0 : i32
      %dma_start3A_58 = arith.constant 0 : i32
      %dma_start3A_59 = tpu.memref_slice %arg11[%dma_start3A_57, %dma_start3A_58] : memref<10000x16xf32, #tpu.memory_space<vmem_shared>> -> memref<10000x16xf32, #tpu.memory_space<vmem_shared>>
      tpu.enqueue_indirect_dma source(%dma_start3A_59 : memref<10000x16xf32, #tpu.memory_space<vmem_shared>>) target(%arg9 : memref<128x16xf32, #tpu.memory_space<vmem>>) offsets(%dma_start3A_56 : memref<128xi32, #tpu.memory_space<vmem>>) semaphore(%arg13 : memref<!tpu.dma_semaphore, #tpu.memory_space<semaphore_mem>>)
      %add3A_60 = arith.constant 1 : i32
      %add3A_61 = arith.addi %add3A_43, %add3A_60 : i32
      %dma_wait3A_62 = arith.constant 0 : i32
      %dma_wait3A_63 = tpu.memref_slice %arg7[%add3A_61, %dma_wait3A_62] : memref<80x128xi32, #tpu.memory_space<vmem>> -> memref<1x128xi32, #tpu.memory_space<vmem>>
      %dma_wait3A_64 = tpu.memref_squeeze %dma_wait3A_63 : memref<1x128xi32, #tpu.memory_space<vmem>> -> memref<128xi32, #tpu.memory_space<vmem>>
      %dma_wait3A_65 = arith.constant 0 : i32
      %dma_wait3A_66 = arith.constant 0 : i32
      %dma_wait3A_67 = tpu.memref_slice %arg11[%dma_wait3A_65, %dma_wait3A_66] : memref<10000x16xf32, #tpu.memory_space<vmem_shared>> -> memref<10000x16xf32, #tpu.memory_space<vmem_shared>>
      tpu.wait_indirect_dma semaphore(%arg14 : memref<!tpu.dma_semaphore, #tpu.memory_space<semaphore_mem>>) src(%dma_wait3A_67 : memref<10000x16xf32, #tpu.memory_space<vmem_shared>>) dst(%arg10 : memref<128x16xf32, #tpu.memory_space<vmem>>)
      "tpu.region"() ({
        %run_scoped3A_76 = tpu.sem_alloc : memref<!tpu.dma_semaphore, #tpu.memory_space<semaphore_mem>>
        %dma_start3A_77 = arith.constant 0 : i32
        %dma_start3A_78 = tpu.memref_slice %arg8[%add3A_61, %dma_start3A_77] : memref<80x128xi32, #tpu.memory_space<vmem>> -> memref<1x128xi32, #tpu.memory_space<vmem>>
        %dma_start3A_79 = tpu.memref_squeeze %dma_start3A_78 : memref<1x128xi32, #tpu.memory_space<vmem>> -> memref<128xi32, #tpu.memory_space<vmem>>
        %dma_start3A_80 = arith.constant 0 : i32
        %dma_start3A_81 = arith.constant 0 : i32
        %dma_start3A_82 = tpu.memref_slice %arg12[%dma_start3A_80, %dma_start3A_81] : memref<10112x16xf32, #tpu.memory_space<vmem_shared>> -> memref<10112x16xf32, #tpu.memory_space<vmem_shared>>
        tpu.enqueue_indirect_dma source(%arg10 : memref<128x16xf32, #tpu.memory_space<vmem>>) target(%dma_start3A_82 : memref<10112x16xf32, #tpu.memory_space<vmem_shared>>) offsets(%dma_start3A_79 : memref<128xi32, #tpu.memory_space<vmem>>) semaphore(%run_scoped3A_76 : memref<!tpu.dma_semaphore, #tpu.memory_space<semaphore_mem>>) {add = true}
        %dma_wait3A_83 = arith.constant 0 : i32
        %dma_wait3A_84 = tpu.memref_slice %arg8[%add3A_61, %dma_wait3A_83] : memref<80x128xi32, #tpu.memory_space<vmem>> -> memref<1x128xi32, #tpu.memory_space<vmem>>
        %dma_wait3A_85 = tpu.memref_squeeze %dma_wait3A_84 : memref<1x128xi32, #tpu.memory_space<vmem>> -> memref<128xi32, #tpu.memory_space<vmem>>
        %dma_wait3A_86 = arith.constant 0 : i32
        %dma_wait3A_87 = arith.constant 0 : i32
        %dma_wait3A_88 = tpu.memref_slice %arg12[%dma_wait3A_86, %dma_wait3A_87] : memref<10112x16xf32, #tpu.memory_space<vmem_shared>> -> memref<10112x16xf32, #tpu.memory_space<vmem_shared>>
        tpu.wait_indirect_dma semaphore(%run_scoped3A_76 : memref<!tpu.dma_semaphore, #tpu.memory_space<semaphore_mem>>) src(%arg10 : memref<128x16xf32, #tpu.memory_space<vmem>>) dst(%dma_wait3A_88 : memref<10112x16xf32, #tpu.memory_space<vmem_shared>>)
        tpu.yield
      }) : () -> ()
      %add3A_68 = arith.constant 2 : i32
      %add3A_69 = arith.addi %add3A_61, %add3A_68 : i32
      %dma_start3A_70 = arith.constant 0 : i32
      %dma_start3A_71 = tpu.memref_slice %arg7[%add3A_69, %dma_start3A_70] : memref<80x128xi32, #tpu.memory_space<vmem>> -> memref<1x128xi32, #tpu.memory_space<vmem>>
      %dma_start3A_72 = tpu.memref_squeeze %dma_start3A_71 : memref<1x128xi32, #tpu.memory_space<vmem>> -> memref<128xi32, #tpu.memory_space<vmem>>
      %dma_start3A_73 = arith.constant 0 : i32
      %dma_start3A_74 = arith.constant 0 : i32
      %dma_start3A_75 = tpu.memref_slice %arg11[%dma_start3A_73, %dma_start3A_74] : memref<10000x16xf32, #tpu.memory_space<vmem_shared>> -> memref<10000x16xf32, #tpu.memory_space<vmem_shared>>
      tpu.enqueue_indirect_dma source(%dma_start3A_75 : memref<10000x16xf32, #tpu.memory_space<vmem_shared>>) target(%arg10 : memref<128x16xf32, #tpu.memory_space<vmem>>) offsets(%dma_start3A_72 : memref<128xi32, #tpu.memory_space<vmem>>) semaphore(%arg14 : memref<!tpu.dma_semaphore, #tpu.memory_space<semaphore_mem>>)
    }
    %scan3A_21 = arith.constant 39 : i32
    %dma_wait3A = arith.constant 78 : i32
    %dma_wait3A_22 = arith.constant 0 : i32
    %dma_wait3A_23 = tpu.memref_slice %arg7[%dma_wait3A, %dma_wait3A_22] : memref<80x128xi32, #tpu.memory_space<vmem>> -> memref<1x128xi32, #tpu.memory_space<vmem>>
    %dma_wait3A_24 = tpu.memref_squeeze %dma_wait3A_23 : memref<1x128xi32, #tpu.memory_space<vmem>> -> memref<128xi32, #tpu.memory_space<vmem>>
    %dma_wait3A_25 = arith.constant 0 : i32
    %dma_wait3A_26 = arith.constant 0 : i32
    %dma_wait3A_27 = tpu.memref_slice %arg11[%dma_wait3A_25, %dma_wait3A_26] : memref<10000x16xf32, #tpu.memory_space<vmem_shared>> -> memref<10000x16xf32, #tpu.memory_space<vmem_shared>>
    tpu.wait_indirect_dma semaphore(%arg13 : memref<!tpu.dma_semaphore, #tpu.memory_space<semaphore_mem>>) src(%dma_wait3A_27 : memref<10000x16xf32, #tpu.memory_space<vmem_shared>>) dst(%arg9 : memref<128x16xf32, #tpu.memory_space<vmem>>)
    %run_scoped3A = arith.constant 78 : i32
    "tpu.region"() ({
      %run_scoped3A_39 = tpu.sem_alloc : memref<!tpu.dma_semaphore, #tpu.memory_space<semaphore_mem>>
      %dma_start3A_40 = arith.constant 0 : i32
      %dma_start3A_41 = tpu.memref_slice %arg8[%run_scoped3A, %dma_start3A_40] : memref<80x128xi32, #tpu.memory_space<vmem>> -> memref<1x128xi32, #tpu.memory_space<vmem>>
      %dma_start3A_42 = tpu.memref_squeeze %dma_start3A_41 : memref<1x128xi32, #tpu.memory_space<vmem>> -> memref<128xi32, #tpu.memory_space<vmem>>
      %dma_start3A_43 = arith.constant 0 : i32
      %dma_start3A_44 = arith.constant 0 : i32
      %dma_start3A_45 = tpu.memref_slice %arg12[%dma_start3A_43, %dma_start3A_44] : memref<10112x16xf32, #tpu.memory_space<vmem_shared>> -> memref<10112x16xf32, #tpu.memory_space<vmem_shared>>
      tpu.enqueue_indirect_dma source(%arg9 : memref<128x16xf32, #tpu.memory_space<vmem>>) target(%dma_start3A_45 : memref<10112x16xf32, #tpu.memory_space<vmem_shared>>) offsets(%dma_start3A_42 : memref<128xi32, #tpu.memory_space<vmem>>) semaphore(%run_scoped3A_39 : memref<!tpu.dma_semaphore, #tpu.memory_space<semaphore_mem>>) {add = true}
      %dma_wait3A_46 = arith.constant 0 : i32
      %dma_wait3A_47 = tpu.memref_slice %arg8[%run_scoped3A, %dma_wait3A_46] : memref<80x128xi32, #tpu.memory_space<vmem>> -> memref<1x128xi32, #tpu.memory_space<vmem>>
      %dma_wait3A_48 = tpu.memref_squeeze %dma_wait3A_47 : memref<1x128xi32, #tpu.memory_space<vmem>> -> memref<128xi32, #tpu.memory_space<vmem>>
      %dma_wait3A_49 = arith.constant 0 : i32
      %dma_wait3A_50 = arith.constant 0 : i32
      %dma_wait3A_51 = tpu.memref_slice %arg12[%dma_wait3A_49, %dma_wait3A_50] : memref<10112x16xf32, #tpu.memory_space<vmem_shared>> -> memref<10112x16xf32, #tpu.memory_space<vmem_shared>>
      tpu.wait_indirect_dma semaphore(%run_scoped3A_39 : memref<!tpu.dma_semaphore, #tpu.memory_space<semaphore_mem>>) src(%arg9 : memref<128x16xf32, #tpu.memory_space<vmem>>) dst(%dma_wait3A_51 : memref<10112x16xf32, #tpu.memory_space<vmem_shared>>)
      tpu.yield
    }) : () -> ()
    %dma_wait3A_28 = arith.constant 79 : i32
    %dma_wait3A_29 = arith.constant 0 : i32
    %dma_wait3A_30 = tpu.memref_slice %arg7[%dma_wait3A_28, %dma_wait3A_29] : memref<80x128xi32, #tpu.memory_space<vmem>> -> memref<1x128xi32, #tpu.memory_space<vmem>>
    %dma_wait3A_31 = tpu.memref_squeeze %dma_wait3A_30 : memref<1x128xi32, #tpu.memory_space<vmem>> -> memref<128xi32, #tpu.memory_space<vmem>>
    %dma_wait3A_32 = arith.constant 0 : i32
    %dma_wait3A_33 = arith.constant 0 : i32
    %dma_wait3A_34 = tpu.memref_slice %arg11[%dma_wait3A_32, %dma_wait3A_33] : memref<10000x16xf32, #tpu.memory_space<vmem_shared>> -> memref<10000x16xf32, #tpu.memory_space<vmem_shared>>
    tpu.wait_indirect_dma semaphore(%arg14 : memref<!tpu.dma_semaphore, #tpu.memory_space<semaphore_mem>>) src(%dma_wait3A_34 : memref<10000x16xf32, #tpu.memory_space<vmem_shared>>) dst(%arg10 : memref<128x16xf32, #tpu.memory_space<vmem>>)
    %run_scoped3A_35 = arith.constant 79 : i32
    "tpu.region"() ({
      %run_scoped3A_39 = tpu.sem_alloc : memref<!tpu.dma_semaphore, #tpu.memory_space<semaphore_mem>>
      %dma_start3A_40 = arith.constant 0 : i32
      %dma_start3A_41 = tpu.memref_slice %arg8[%run_scoped3A_35, %dma_start3A_40] : memref<80x128xi32, #tpu.memory_space<vmem>> -> memref<1x128xi32, #tpu.memory_space<vmem>>
      %dma_start3A_42 = tpu.memref_squeeze %dma_start3A_41 : memref<1x128xi32, #tpu.memory_space<vmem>> -> memref<128xi32, #tpu.memory_space<vmem>>
      %dma_start3A_43 = arith.constant 0 : i32
      %dma_start3A_44 = arith.constant 0 : i32
      %dma_start3A_45 = tpu.memref_slice %arg12[%dma_start3A_43, %dma_start3A_44] : memref<10112x16xf32, #tpu.memory_space<vmem_shared>> -> memref<10112x16xf32, #tpu.memory_space<vmem_shared>>
      tpu.enqueue_indirect_dma source(%arg10 : memref<128x16xf32, #tpu.memory_space<vmem>>) target(%dma_start3A_45 : memref<10112x16xf32, #tpu.memory_space<vmem_shared>>) offsets(%dma_start3A_42 : memref<128xi32, #tpu.memory_space<vmem>>) semaphore(%run_scoped3A_39 : memref<!tpu.dma_semaphore, #tpu.memory_space<semaphore_mem>>) {add = true}
      %dma_wait3A_46 = arith.constant 0 : i32
      %dma_wait3A_47 = tpu.memref_slice %arg8[%run_scoped3A_35, %dma_wait3A_46] : memref<80x128xi32, #tpu.memory_space<vmem>> -> memref<1x128xi32, #tpu.memory_space<vmem>>
      %dma_wait3A_48 = tpu.memref_squeeze %dma_wait3A_47 : memref<1x128xi32, #tpu.memory_space<vmem>> -> memref<128xi32, #tpu.memory_space<vmem>>
      %dma_wait3A_49 = arith.constant 0 : i32
      %dma_wait3A_50 = arith.constant 0 : i32
      %dma_wait3A_51 = tpu.memref_slice %arg12[%dma_wait3A_49, %dma_wait3A_50] : memref<10112x16xf32, #tpu.memory_space<vmem_shared>> -> memref<10112x16xf32, #tpu.memory_space<vmem_shared>>
      tpu.wait_indirect_dma semaphore(%run_scoped3A_39 : memref<!tpu.dma_semaphore, #tpu.memory_space<semaphore_mem>>) src(%arg10 : memref<128x16xf32, #tpu.memory_space<vmem>>) dst(%dma_wait3A_51 : memref<10112x16xf32, #tpu.memory_space<vmem_shared>>)
      tpu.yield
    }) : () -> ()
    %barrier3A_36 = arith.constant 0 : index
    tpu.barrier barrier_id(%barrier3A_36)
    %mul3A_37 = arith.constant 16 : i32
    %mul3A_38 = arith.muli %arg0, %mul3A_37 : i32
    "tpu.region"() ({
      %run_scoped3A_39 = tpu.sem_alloc : memref<!tpu.dma_semaphore, #tpu.memory_space<semaphore_mem>>
      %dma_start3A_40 = tpu.memref_slice %arg6[%mul3A_4, %mul3A_38] : memref<10112x32xf32, #tpu.memory_space<hbm>> -> memref<632x16xf32, #tpu.memory_space<hbm>>
      %dma_start3A_41 = arith.constant 0 : i32
      %dma_start3A_42 = tpu.memref_slice %arg12[%mul3A_4, %dma_start3A_41] : memref<10112x16xf32, #tpu.memory_space<vmem_shared>> -> memref<632x16xf32, #tpu.memory_space<vmem_shared>>
      tpu.enqueue_dma source(%dma_start3A_42 : memref<632x16xf32, #tpu.memory_space<vmem_shared>>) target(%dma_start3A_40 : memref<632x16xf32, #tpu.memory_space<hbm>>) target_semaphore(%run_scoped3A_39 : memref<!tpu.dma_semaphore, #tpu.memory_space<semaphore_mem>>)
      %dma_wait3A_43 = tpu.memref_slice %arg6[%mul3A_4, %mul3A_38] : memref<10112x32xf32, #tpu.memory_space<hbm>> -> memref<632x16xf32, #tpu.memory_space<hbm>>
      %dma_wait3A_44 = arith.constant 0 : i32
      %dma_wait3A_45 = tpu.memref_slice %arg12[%mul3A_4, %dma_wait3A_44] : memref<10112x16xf32, #tpu.memory_space<vmem_shared>> -> memref<632x16xf32, #tpu.memory_space<vmem_shared>>
      tpu.wait_dma2 semaphore(%run_scoped3A_39 : memref<!tpu.dma_semaphore, #tpu.memory_space<semaphore_mem>>) src(%dma_wait3A_45 : memref<632x16xf32, #tpu.memory_space<vmem_shared>>) dst(%dma_wait3A_43 : memref<632x16xf32, #tpu.memory_space<hbm>>)
      tpu.yield
    }) : () -> ()
    return
  }
}

module attributes {stable_mosaic.version = 14 : i64} {
  func.func @body(%arg0: i32, %arg1: memref<10000x128xf32, #tpu.memory_space<vmem>>, %arg2: memref<128x64xf32, #tpu.memory_space<vmem>>, %arg3: memref<10000x64xf32, #tpu.memory_space<vmem>>) attributes {dimension_semantics = [#tpu.dimension_semantics<arbitrary>], iteration_bounds = array<i64: 1>, scalar_prefetch = 0 : i64, scratch_operands = 0 : i64, tpu.core_type = #tpu.core_type<tc>, window_params = [{transform_indices = @transform_0, window_bounds = array<i64: 10000, 128>}, {pipeline_mode = #tpu.pipeline_mode<synchronous>, transform_indices = @transform_1, window_bounds = array<i64: 128, 64>}, {transform_indices = @transform_2, window_bounds = array<i64: 10000, 64>}]} {
    %get3A = arith.constant 0 : index
    %get3A_0 = arith.constant 0 : index
    %get3A_1 = vector.load %arg1[%get3A, %get3A_0] : memref<10000x128xf32, #tpu.memory_space<vmem>>, vector<10000x128xf32>
    %get3A_2 = arith.constant 0 : index
    %get3A_3 = arith.constant 0 : index
    %get3A_4 = vector.load %arg2[%get3A_2, %get3A_3] : memref<128x64xf32, #tpu.memory_space<vmem>>, vector<128x64xf32>
    %dot_general3A = arith.constant dense<0.000000e+00> : vector<10000x64xf32>
    %dot_general3A_5 = tpu.matmul %get3A_1, %get3A_4, %dot_general3A {dimension_numbers = #tpu.dot_dimension_numbers<[1], [0], [0], [1], [0, 0, 1, 1], [], []>, transpose_lhs_hint = false} : vector<10000x128xf32>, vector<128x64xf32>, vector<10000x64xf32> -> vector<10000x64xf32>
    %swap3A = arith.constant 0 : index
    %swap3A_6 = arith.constant 0 : index
    %swap3A_7 = vector.load %arg3[%swap3A, %swap3A_6] : memref<10000x64xf32, #tpu.memory_space<vmem>>, vector<10000x64xf32>
    tpu.vector_store %arg3[%swap3A, %swap3A_6], %dot_general3A_5 {strides = array<i32>} : memref<10000x64xf32, #tpu.memory_space<vmem>>, vector<10000x64xf32>,
    return
  }
  func.func @transform_0(%arg0: i32) -> (i32, i32) {
    %c0_i32 = arith.constant 0 : i32
    %c0_i32_0 = arith.constant 0 : i32
    return %arg0, %c0_i32 : i32, i32
  }
  func.func @transform_1(%arg0: i32) -> (i32, i32) {
    %c0_i32 = arith.constant 0 : i32
    %c0_i32_0 = arith.constant 0 : i32
    %c0_i32_1 = arith.constant 0 : i32
    return %c0_i32, %c0_i32_0 : i32, i32
  }
  func.func @transform_2(%arg0: i32) -> (i32, i32) {
    %c0_i32 = arith.constant 0 : i32
    %c0_i32_0 = arith.constant 0 : i32
    return %arg0, %c0_i32 : i32, i32
  }
}

module attributes {stable_mosaic.version = 14 : i64} {
  func.func @body(%arg0: i32, %arg1: memref<10000x64xf32, #tpu.memory_space<vmem>>, %arg2: memref<10000x16xf32, #tpu.memory_space<vmem>>, %arg3: memref<10000x64xf32, #tpu.memory_space<vmem>>) attributes {dimension_semantics = [#tpu.dimension_semantics<arbitrary>], iteration_bounds = array<i64: 1>, scalar_prefetch = 0 : i64, scratch_operands = 0 : i64, tpu.core_type = #tpu.core_type<tc>, window_params = [{transform_indices = @transform_0, window_bounds = array<i64: 10000, 64>}, {transform_indices = @transform_1, window_bounds = array<i64: 10000, 16>}, {transform_indices = @transform_2, window_bounds = array<i64: 10000, 64>}]} {
    %get3A = arith.constant 0 : index
    %get3A_0 = arith.constant 0 : index
    %get3A_1 = vector.load %arg1[%get3A, %get3A_0] : memref<10000x64xf32, #tpu.memory_space<vmem>>, vector<10000x64xf32>
    %get3A_2 = arith.constant 0 : index
    %get3A_3 = arith.constant 0 : index
    %get3A_4 = vector.load %arg2[%get3A_2, %get3A_3] : memref<10000x16xf32, #tpu.memory_space<vmem>>, vector<10000x1xf32>
    %get3A_5 = arith.constant 0 : index
    %get3A_6 = arith.constant 8 : index
    %get3A_7 = vector.load %arg2[%get3A_5, %get3A_6] : memref<10000x16xf32, #tpu.memory_space<vmem>>, vector<10000x1xf32>
    %add3A = arith.addf %get3A_4, %get3A_7 : vector<10000x1xf32>
    %add3A_8 = arith.constant 1.000000e+00 : f32
    %add3A_9 = vector.broadcast %add3A_8 : f32 to vector<10000x1xf32>
    %add3A_10 = arith.addf %add3A, %add3A_9 : vector<10000x1xf32>
    %rsqrt3A = math.rsqrt %add3A_10 : vector<10000x1xf32>
    %mul3A = vector.broadcast %rsqrt3A : vector<10000x1xf32> to vector<10000x64xf32>
    %mul3A_11 = arith.mulf %get3A_1, %mul3A : vector<10000x64xf32>
    %swap3A = arith.constant 0 : index
    %swap3A_12 = arith.constant 0 : index
    %swap3A_13 = vector.load %arg3[%swap3A, %swap3A_12] : memref<10000x64xf32, #tpu.memory_space<vmem>>, vector<10000x64xf32>
    tpu.vector_store %arg3[%swap3A, %swap3A_12], %mul3A_11 {strides = array<i32>} : memref<10000x64xf32, #tpu.memory_space<vmem>>, vector<10000x64xf32>,
    return
  }
  func.func @transform_0(%arg0: i32) -> (i32, i32) {
    %c0_i32 = arith.constant 0 : i32
    %c0_i32_0 = arith.constant 0 : i32
    return %arg0, %c0_i32 : i32, i32
  }
  func.func @transform_1(%arg0: i32) -> (i32, i32) {
    %c0_i32 = arith.constant 0 : i32
    %c0_i32_0 = arith.constant 0 : i32
    return %arg0, %c0_i32 : i32, i32
  }
  func.func @transform_2(%arg0: i32) -> (i32, i32) {
    %c0_i32 = arith.constant 0 : i32
    %c0_i32_0 = arith.constant 0 : i32
    return %arg0, %c0_i32 : i32, i32
  }
}

module attributes {stable_mosaic.version = 14 : i64} {
  func.func @body(%arg0: i32, %arg1: memref<10000x128xf32, #tpu.memory_space<vmem>>, %arg2: memref<10000x64xf32, #tpu.memory_space<vmem>>, %arg3: memref<10000x16xf32, #tpu.memory_space<vmem>>, %arg4: memref<1x64xf32, #tpu.memory_space<vmem>>, %arg5: memref<64x32xf32, #tpu.memory_space<vmem>>, %arg6: memref<10000x32xf32, #tpu.memory_space<vmem>>, %arg7: memref<10000x32xf32, #tpu.memory_space<vmem>>) attributes {dimension_semantics = [#tpu.dimension_semantics<arbitrary>], iteration_bounds = array<i64: 1>, scalar_prefetch = 0 : i64, scratch_operands = 0 : i64, tpu.core_type = #tpu.core_type<tc>, window_params = [{transform_indices = @transform_0, window_bounds = array<i64: 10000, 128>}, {transform_indices = @transform_1, window_bounds = array<i64: 10000, 64>}, {transform_indices = @transform_2, window_bounds = array<i64: 10000, 16>}, {pipeline_mode = #tpu.pipeline_mode<synchronous>, transform_indices = @transform_3, window_bounds = array<i64: 1, 64>}, {pipeline_mode = #tpu.pipeline_mode<synchronous>, transform_indices = @transform_4, window_bounds = array<i64: 64, 32>}, {transform_indices = @transform_5, window_bounds = array<i64: 10000, 32>}, {transform_indices = @transform_6, window_bounds = array<i64: 10000, 32>}]} {
    %get3A = arith.constant 0 : index
    %get3A_0 = arith.constant 0 : index
    %get3A_1 = vector.load %arg3[%get3A, %get3A_0] : memref<10000x16xf32, #tpu.memory_space<vmem>>, vector<10000x1xf32>
    %get3A_2 = arith.constant 0 : index
    %get3A_3 = arith.constant 8 : index
    %get3A_4 = vector.load %arg3[%get3A_2, %get3A_3] : memref<10000x16xf32, #tpu.memory_space<vmem>>, vector<10000x1xf32>
    %add3A = arith.addf %get3A_1, %get3A_4 : vector<10000x1xf32>
    %add3A_5 = arith.constant 1.000000e+00 : f32
    %add3A_6 = vector.broadcast %add3A_5 : f32 to vector<10000x1xf32>
    %add3A_7 = arith.addf %add3A, %add3A_6 : vector<10000x1xf32>
    %rsqrt3A = math.rsqrt %add3A_7 : vector<10000x1xf32>
    %get3A_8 = arith.constant 0 : index
    %get3A_9 = arith.constant 0 : index
    %get3A_10 = vector.load %arg1[%get3A_8, %get3A_9] : memref<10000x128xf32, #tpu.memory_space<vmem>>, vector<10000x64xf32>
    %get3A_11 = arith.constant 0 : index
    %get3A_12 = arith.constant 64 : index
    %get3A_13 = vector.load %arg1[%get3A_11, %get3A_12] : memref<10000x128xf32, #tpu.memory_space<vmem>>, vector<10000x64xf32>
    %add3A_14 = arith.addf %get3A_10, %get3A_13 : vector<10000x64xf32>
    %mul3A = vector.broadcast %rsqrt3A : vector<10000x1xf32> to vector<10000x64xf32>
    %mul3A_15 = arith.mulf %mul3A, %add3A_14 : vector<10000x64xf32>
    %mul3A_16 = arith.mulf %rsqrt3A, %rsqrt3A : vector<10000x1xf32>
    %get3A_17 = arith.constant 0 : index
    %get3A_18 = arith.constant 0 : index
    %get3A_19 = vector.load %arg2[%get3A_17, %get3A_18] : memref<10000x64xf32, #tpu.memory_space<vmem>>, vector<10000x64xf32>
    %mul3A_20 = vector.broadcast %mul3A_16 : vector<10000x1xf32> to vector<10000x64xf32>
    %mul3A_21 = arith.mulf %mul3A_20, %get3A_19 : vector<10000x64xf32>
    %add3A_22 = arith.addf %mul3A_15, %mul3A_21 : vector<10000x64xf32>
    %get3A_23 = arith.constant 0 : index
    %get3A_24 = arith.constant 0 : index
    %get3A_25 = vector.load %arg4[%get3A_23, %get3A_24] : memref<1x64xf32, #tpu.memory_space<vmem>>, vector<1x64xf32>
    %add3A_26 = vector.broadcast %get3A_25 : vector<1x64xf32> to vector<10000x64xf32>
    %add3A_27 = arith.addf %add3A_22, %add3A_26 : vector<10000x64xf32>
    %max3A = arith.constant 0.000000e+00 : f32
    %max3A_28 = vector.broadcast %max3A : f32 to vector<10000x64xf32>
    %max3A_29 = arith.maximumf %add3A_27, %max3A_28 : vector<10000x64xf32>
    %get3A_30 = arith.constant 0 : index
    %get3A_31 = arith.constant 0 : index
    %get3A_32 = vector.load %arg5[%get3A_30, %get3A_31] : memref<64x32xf32, #tpu.memory_space<vmem>>, vector<64x32xf32>
    %dot_general3A = arith.constant dense<0.000000e+00> : vector<10000x32xf32>
    %dot_general3A_33 = tpu.matmul %max3A_29, %get3A_32, %dot_general3A {dimension_numbers = #tpu.dot_dimension_numbers<[1], [0], [0], [1], [0, 0, 1, 1], [], []>, transpose_lhs_hint = false} : vector<10000x64xf32>, vector<64x32xf32>, vector<10000x32xf32> -> vector<10000x32xf32>
    %swap3A = arith.constant 0 : index
    %swap3A_34 = arith.constant 0 : index
    %swap3A_35 = vector.load %arg6[%swap3A, %swap3A_34] : memref<10000x32xf32, #tpu.memory_space<vmem>>, vector<10000x32xf32>
    tpu.vector_store %arg6[%swap3A, %swap3A_34], %dot_general3A_33 {strides = array<i32>} : memref<10000x32xf32, #tpu.memory_space<vmem>>, vector<10000x32xf32>,
    %mul3A_36 = vector.broadcast %rsqrt3A : vector<10000x1xf32> to vector<10000x32xf32>
    %mul3A_37 = arith.mulf %dot_general3A_33, %mul3A_36 : vector<10000x32xf32>
    %swap3A_38 = arith.constant 0 : index
    %swap3A_39 = arith.constant 0 : index
    %swap3A_40 = vector.load %arg7[%swap3A_38, %swap3A_39] : memref<10000x32xf32, #tpu.memory_space<vmem>>, vector<10000x32xf32>
    tpu.vector_store %arg7[%swap3A_38, %swap3A_39], %mul3A_37 {strides = array<i32>} : memref<10000x32xf32, #tpu.memory_space<vmem>>, vector<10000x32xf32>,
    return
  }
  func.func @transform_0(%arg0: i32) -> (i32, i32) {
    %c0_i32 = arith.constant 0 : i32
    %c0_i32_0 = arith.constant 0 : i32
    return %arg0, %c0_i32 : i32, i32
  }
  func.func @transform_1(%arg0: i32) -> (i32, i32) {
    %c0_i32 = arith.constant 0 : i32
    %c0_i32_0 = arith.constant 0 : i32
    return %arg0, %c0_i32 : i32, i32
  }
  func.func @transform_2(%arg0: i32) -> (i32, i32) {
    %c0_i32 = arith.constant 0 : i32
    %c0_i32_0 = arith.constant 0 : i32
    return %arg0, %c0_i32 : i32, i32
  }
  func.func @transform_3(%arg0: i32) -> (i32, i32) {
    %c0_i32 = arith.constant 0 : i32
    %c0_i32_0 = arith.constant 0 : i32
    %c0_i32_1 = arith.constant 0 : i32
    return %c0_i32, %c0_i32_0 : i32, i32
  }
  func.func @transform_4(%arg0: i32) -> (i32, i32) {
    %c0_i32 = arith.constant 0 : i32
    %c0_i32_0 = arith.constant 0 : i32
    %c0_i32_1 = arith.constant 0 : i32
    return %c0_i32, %c0_i32_0 : i32, i32
  }
  func.func @transform_5(%arg0: i32) -> (i32, i32) {
    %c0_i32 = arith.constant 0 : i32
    %c0_i32_0 = arith.constant 0 : i32
    return %arg0, %c0_i32 : i32, i32
  }
  func.func @transform_6(%arg0: i32) -> (i32, i32) {
    %c0_i32 = arith.constant 0 : i32
    %c0_i32_0 = arith.constant 0 : i32
    return %arg0, %c0_i32 : i32, i32
  }
}

module attributes {stable_mosaic.version = 14 : i64} {
  func.func @body(%arg0: i32, %arg1: memref<10000x64xf32, #tpu.memory_space<vmem>>, %arg2: memref<10000x32xf32, #tpu.memory_space<vmem>>, %arg3: memref<10000x16xf32, #tpu.memory_space<vmem>>, %arg4: memref<1x32xf32, #tpu.memory_space<vmem>>, %arg5: memref<32x16xf32, #tpu.memory_space<vmem>>, %arg6: memref<10000x16xf32, #tpu.memory_space<vmem>>, %arg7: memref<10000x16xf32, #tpu.memory_space<vmem>>) attributes {dimension_semantics = [#tpu.dimension_semantics<arbitrary>], iteration_bounds = array<i64: 1>, scalar_prefetch = 0 : i64, scratch_operands = 0 : i64, tpu.core_type = #tpu.core_type<tc>, window_params = [{transform_indices = @transform_0, window_bounds = array<i64: 10000, 64>}, {transform_indices = @transform_1, window_bounds = array<i64: 10000, 32>}, {transform_indices = @transform_2, window_bounds = array<i64: 10000, 16>}, {pipeline_mode = #tpu.pipeline_mode<synchronous>, transform_indices = @transform_3, window_bounds = array<i64: 1, 32>}, {pipeline_mode = #tpu.pipeline_mode<synchronous>, transform_indices = @transform_4, window_bounds = array<i64: 32, 16>}, {transform_indices = @transform_5, window_bounds = array<i64: 10000, 16>}, {transform_indices = @transform_6, window_bounds = array<i64: 10000, 16>}]} {
    %get3A = arith.constant 0 : index
    %get3A_0 = arith.constant 0 : index
    %get3A_1 = vector.load %arg3[%get3A, %get3A_0] : memref<10000x16xf32, #tpu.memory_space<vmem>>, vector<10000x1xf32>
    %get3A_2 = arith.constant 0 : index
    %get3A_3 = arith.constant 8 : index
    %get3A_4 = vector.load %arg3[%get3A_2, %get3A_3] : memref<10000x16xf32, #tpu.memory_space<vmem>>, vector<10000x1xf32>
    %add3A = arith.addf %get3A_1, %get3A_4 : vector<10000x1xf32>
    %add3A_5 = arith.constant 1.000000e+00 : f32
    %add3A_6 = vector.broadcast %add3A_5 : f32 to vector<10000x1xf32>
    %add3A_7 = arith.addf %add3A, %add3A_6 : vector<10000x1xf32>
    %rsqrt3A = math.rsqrt %add3A_7 : vector<10000x1xf32>
    %get3A_8 = arith.constant 0 : index
    %get3A_9 = arith.constant 0 : index
    %get3A_10 = vector.load %arg1[%get3A_8, %get3A_9] : memref<10000x64xf32, #tpu.memory_space<vmem>>, vector<10000x32xf32>
    %get3A_11 = arith.constant 0 : index
    %get3A_12 = arith.constant 32 : index
    %get3A_13 = vector.load %arg1[%get3A_11, %get3A_12] : memref<10000x64xf32, #tpu.memory_space<vmem>>, vector<10000x32xf32>
    %add3A_14 = arith.addf %get3A_10, %get3A_13 : vector<10000x32xf32>
    %mul3A = vector.broadcast %rsqrt3A : vector<10000x1xf32> to vector<10000x32xf32>
    %mul3A_15 = arith.mulf %mul3A, %add3A_14 : vector<10000x32xf32>
    %mul3A_16 = arith.mulf %rsqrt3A, %rsqrt3A : vector<10000x1xf32>
    %get3A_17 = arith.constant 0 : index
    %get3A_18 = arith.constant 0 : index
    %get3A_19 = vector.load %arg2[%get3A_17, %get3A_18] : memref<10000x32xf32, #tpu.memory_space<vmem>>, vector<10000x32xf32>
    %mul3A_20 = vector.broadcast %mul3A_16 : vector<10000x1xf32> to vector<10000x32xf32>
    %mul3A_21 = arith.mulf %mul3A_20, %get3A_19 : vector<10000x32xf32>
    %add3A_22 = arith.addf %mul3A_15, %mul3A_21 : vector<10000x32xf32>
    %get3A_23 = arith.constant 0 : index
    %get3A_24 = arith.constant 0 : index
    %get3A_25 = vector.load %arg4[%get3A_23, %get3A_24] : memref<1x32xf32, #tpu.memory_space<vmem>>, vector<1x32xf32>
    %add3A_26 = vector.broadcast %get3A_25 : vector<1x32xf32> to vector<10000x32xf32>
    %add3A_27 = arith.addf %add3A_22, %add3A_26 : vector<10000x32xf32>
    %max3A = arith.constant 0.000000e+00 : f32
    %max3A_28 = vector.broadcast %max3A : f32 to vector<10000x32xf32>
    %max3A_29 = arith.maximumf %add3A_27, %max3A_28 : vector<10000x32xf32>
    %get3A_30 = arith.constant 0 : index
    %get3A_31 = arith.constant 0 : index
    %get3A_32 = vector.load %arg5[%get3A_30, %get3A_31] : memref<32x16xf32, #tpu.memory_space<vmem>>, vector<32x16xf32>
    %dot_general3A = arith.constant dense<0.000000e+00> : vector<10000x16xf32>
    %dot_general3A_33 = tpu.matmul %max3A_29, %get3A_32, %dot_general3A {dimension_numbers = #tpu.dot_dimension_numbers<[1], [0], [0], [1], [0, 0, 1, 1], [], []>, transpose_lhs_hint = false} : vector<10000x32xf32>, vector<32x16xf32>, vector<10000x16xf32> -> vector<10000x16xf32>
    %swap3A = arith.constant 0 : index
    %swap3A_34 = arith.constant 0 : index
    %swap3A_35 = vector.load %arg6[%swap3A, %swap3A_34] : memref<10000x16xf32, #tpu.memory_space<vmem>>, vector<10000x16xf32>
    tpu.vector_store %arg6[%swap3A, %swap3A_34], %dot_general3A_33 {strides = array<i32>} : memref<10000x16xf32, #tpu.memory_space<vmem>>, vector<10000x16xf32>,
    %mul3A_36 = vector.broadcast %rsqrt3A : vector<10000x1xf32> to vector<10000x16xf32>
    %mul3A_37 = arith.mulf %dot_general3A_33, %mul3A_36 : vector<10000x16xf32>
    %swap3A_38 = arith.constant 0 : index
    %swap3A_39 = arith.constant 0 : index
    %swap3A_40 = vector.load %arg7[%swap3A_38, %swap3A_39] : memref<10000x16xf32, #tpu.memory_space<vmem>>, vector<10000x16xf32>
    tpu.vector_store %arg7[%swap3A_38, %swap3A_39], %mul3A_37 {strides = array<i32>} : memref<10000x16xf32, #tpu.memory_space<vmem>>, vector<10000x16xf32>,
    return
  }
  func.func @transform_0(%arg0: i32) -> (i32, i32) {
    %c0_i32 = arith.constant 0 : i32
    %c0_i32_0 = arith.constant 0 : i32
    return %arg0, %c0_i32 : i32, i32
  }
  func.func @transform_1(%arg0: i32) -> (i32, i32) {
    %c0_i32 = arith.constant 0 : i32
    %c0_i32_0 = arith.constant 0 : i32
    return %arg0, %c0_i32 : i32, i32
  }
  func.func @transform_2(%arg0: i32) -> (i32, i32) {
    %c0_i32 = arith.constant 0 : i32
    %c0_i32_0 = arith.constant 0 : i32
    return %arg0, %c0_i32 : i32, i32
  }
  func.func @transform_3(%arg0: i32) -> (i32, i32) {
    %c0_i32 = arith.constant 0 : i32
    %c0_i32_0 = arith.constant 0 : i32
    %c0_i32_1 = arith.constant 0 : i32
    return %c0_i32, %c0_i32_0 : i32, i32
  }
  func.func @transform_4(%arg0: i32) -> (i32, i32) {
    %c0_i32 = arith.constant 0 : i32
    %c0_i32_0 = arith.constant 0 : i32
    %c0_i32_1 = arith.constant 0 : i32
    return %c0_i32, %c0_i32_0 : i32, i32
  }
  func.func @transform_5(%arg0: i32) -> (i32, i32) {
    %c0_i32 = arith.constant 0 : i32
    %c0_i32_0 = arith.constant 0 : i32
    return %arg0, %c0_i32 : i32, i32
  }
  func.func @transform_6(%arg0: i32) -> (i32, i32) {
    %c0_i32 = arith.constant 0 : i32
    %c0_i32_0 = arith.constant 0 : i32
    return %arg0, %c0_i32 : i32, i32
  }
}

module attributes {stable_mosaic.version = 14 : i64} {
  func.func @body(%arg0: i32, %arg1: memref<10000x32xf32, #tpu.memory_space<vmem>>, %arg2: memref<10000x16xf32, #tpu.memory_space<vmem>>, %arg3: memref<10000x16xf32, #tpu.memory_space<vmem>>, %arg4: memref<1x16xf32, #tpu.memory_space<vmem>>, %arg5: memref<16x16xf32, #tpu.memory_space<vmem>>, %arg6: memref<10000x16xf32, #tpu.memory_space<vmem>>, %arg7: memref<10000x16xf32, #tpu.memory_space<vmem>>) attributes {dimension_semantics = [#tpu.dimension_semantics<arbitrary>], iteration_bounds = array<i64: 1>, scalar_prefetch = 0 : i64, scratch_operands = 0 : i64, tpu.core_type = #tpu.core_type<tc>, window_params = [{transform_indices = @transform_0, window_bounds = array<i64: 10000, 32>}, {transform_indices = @transform_1, window_bounds = array<i64: 10000, 16>}, {transform_indices = @transform_2, window_bounds = array<i64: 10000, 16>}, {pipeline_mode = #tpu.pipeline_mode<synchronous>, transform_indices = @transform_3, window_bounds = array<i64: 1, 16>}, {pipeline_mode = #tpu.pipeline_mode<synchronous>, transform_indices = @transform_4, window_bounds = array<i64: 16, 16>}, {transform_indices = @transform_5, window_bounds = array<i64: 10000, 16>}, {transform_indices = @transform_6, window_bounds = array<i64: 10000, 16>}]} {
    %get3A = arith.constant 0 : index
    %get3A_0 = arith.constant 0 : index
    %get3A_1 = vector.load %arg3[%get3A, %get3A_0] : memref<10000x16xf32, #tpu.memory_space<vmem>>, vector<10000x1xf32>
    %get3A_2 = arith.constant 0 : index
    %get3A_3 = arith.constant 8 : index
    %get3A_4 = vector.load %arg3[%get3A_2, %get3A_3] : memref<10000x16xf32, #tpu.memory_space<vmem>>, vector<10000x1xf32>
    %add3A = arith.addf %get3A_1, %get3A_4 : vector<10000x1xf32>
    %add3A_5 = arith.constant 1.000000e+00 : f32
    %add3A_6 = vector.broadcast %add3A_5 : f32 to vector<10000x1xf32>
    %add3A_7 = arith.addf %add3A, %add3A_6 : vector<10000x1xf32>
    %rsqrt3A = math.rsqrt %add3A_7 : vector<10000x1xf32>
    %get3A_8 = arith.constant 0 : index
    %get3A_9 = arith.constant 0 : index
    %get3A_10 = vector.load %arg1[%get3A_8, %get3A_9] : memref<10000x32xf32, #tpu.memory_space<vmem>>, vector<10000x16xf32>
    %get3A_11 = arith.constant 0 : index
    %get3A_12 = arith.constant 16 : index
    %get3A_13 = vector.load %arg1[%get3A_11, %get3A_12] : memref<10000x32xf32, #tpu.memory_space<vmem>>, vector<10000x16xf32>
    %add3A_14 = arith.addf %get3A_10, %get3A_13 : vector<10000x16xf32>
    %mul3A = vector.broadcast %rsqrt3A : vector<10000x1xf32> to vector<10000x16xf32>
    %mul3A_15 = arith.mulf %mul3A, %add3A_14 : vector<10000x16xf32>
    %mul3A_16 = arith.mulf %rsqrt3A, %rsqrt3A : vector<10000x1xf32>
    %get3A_17 = arith.constant 0 : index
    %get3A_18 = arith.constant 0 : index
    %get3A_19 = vector.load %arg2[%get3A_17, %get3A_18] : memref<10000x16xf32, #tpu.memory_space<vmem>>, vector<10000x16xf32>
    %mul3A_20 = vector.broadcast %mul3A_16 : vector<10000x1xf32> to vector<10000x16xf32>
    %mul3A_21 = arith.mulf %mul3A_20, %get3A_19 : vector<10000x16xf32>
    %add3A_22 = arith.addf %mul3A_15, %mul3A_21 : vector<10000x16xf32>
    %get3A_23 = arith.constant 0 : index
    %get3A_24 = arith.constant 0 : index
    %get3A_25 = vector.load %arg4[%get3A_23, %get3A_24] : memref<1x16xf32, #tpu.memory_space<vmem>>, vector<1x16xf32>
    %add3A_26 = vector.broadcast %get3A_25 : vector<1x16xf32> to vector<10000x16xf32>
    %add3A_27 = arith.addf %add3A_22, %add3A_26 : vector<10000x16xf32>
    %max3A = arith.constant 0.000000e+00 : f32
    %max3A_28 = vector.broadcast %max3A : f32 to vector<10000x16xf32>
    %max3A_29 = arith.maximumf %add3A_27, %max3A_28 : vector<10000x16xf32>
    %get3A_30 = arith.constant 0 : index
    %get3A_31 = arith.constant 0 : index
    %get3A_32 = vector.load %arg5[%get3A_30, %get3A_31] : memref<16x16xf32, #tpu.memory_space<vmem>>, vector<16x16xf32>
    %dot_general3A = arith.constant dense<0.000000e+00> : vector<10000x16xf32>
    %dot_general3A_33 = tpu.matmul %max3A_29, %get3A_32, %dot_general3A {dimension_numbers = #tpu.dot_dimension_numbers<[1], [0], [0], [1], [0, 0, 1, 1], [], []>, transpose_lhs_hint = false} : vector<10000x16xf32>, vector<16x16xf32>, vector<10000x16xf32> -> vector<10000x16xf32>
    %swap3A = arith.constant 0 : index
    %swap3A_34 = arith.constant 0 : index
    %swap3A_35 = vector.load %arg6[%swap3A, %swap3A_34] : memref<10000x16xf32, #tpu.memory_space<vmem>>, vector<10000x16xf32>
    tpu.vector_store %arg6[%swap3A, %swap3A_34], %dot_general3A_33 {strides = array<i32>} : memref<10000x16xf32, #tpu.memory_space<vmem>>, vector<10000x16xf32>,
    %mul3A_36 = vector.broadcast %rsqrt3A : vector<10000x1xf32> to vector<10000x16xf32>
    %mul3A_37 = arith.mulf %dot_general3A_33, %mul3A_36 : vector<10000x16xf32>
    %swap3A_38 = arith.constant 0 : index
    %swap3A_39 = arith.constant 0 : index
    %swap3A_40 = vector.load %arg7[%swap3A_38, %swap3A_39] : memref<10000x16xf32, #tpu.memory_space<vmem>>, vector<10000x16xf32>
    tpu.vector_store %arg7[%swap3A_38, %swap3A_39], %mul3A_37 {strides = array<i32>} : memref<10000x16xf32, #tpu.memory_space<vmem>>, vector<10000x16xf32>,
    return
  }
  func.func @transform_0(%arg0: i32) -> (i32, i32) {
    %c0_i32 = arith.constant 0 : i32
    %c0_i32_0 = arith.constant 0 : i32
    return %arg0, %c0_i32 : i32, i32
  }
  func.func @transform_1(%arg0: i32) -> (i32, i32) {
    %c0_i32 = arith.constant 0 : i32
    %c0_i32_0 = arith.constant 0 : i32
    return %arg0, %c0_i32 : i32, i32
  }
  func.func @transform_2(%arg0: i32) -> (i32, i32) {
    %c0_i32 = arith.constant 0 : i32
    %c0_i32_0 = arith.constant 0 : i32
    return %arg0, %c0_i32 : i32, i32
  }
  func.func @transform_3(%arg0: i32) -> (i32, i32) {
    %c0_i32 = arith.constant 0 : i32
    %c0_i32_0 = arith.constant 0 : i32
    %c0_i32_1 = arith.constant 0 : i32
    return %c0_i32, %c0_i32_0 : i32, i32
  }
  func.func @transform_4(%arg0: i32) -> (i32, i32) {
    %c0_i32 = arith.constant 0 : i32
    %c0_i32_0 = arith.constant 0 : i32
    %c0_i32_1 = arith.constant 0 : i32
    return %c0_i32, %c0_i32_0 : i32, i32
  }
  func.func @transform_5(%arg0: i32) -> (i32, i32) {
    %c0_i32 = arith.constant 0 : i32
    %c0_i32_0 = arith.constant 0 : i32
    return %arg0, %c0_i32 : i32, i32
  }
  func.func @transform_6(%arg0: i32) -> (i32, i32) {
    %c0_i32 = arith.constant 0 : i32
    %c0_i32_0 = arith.constant 0 : i32
    return %arg0, %c0_i32 : i32, i32
  }
}

module attributes {stable_mosaic.version = 14 : i64} {
  func.func @body(%arg0: i32, %arg1: memref<10000x32xf32, #tpu.memory_space<vmem>>, %arg2: memref<10000x16xf32, #tpu.memory_space<vmem>>, %arg3: memref<10000x16xf32, #tpu.memory_space<vmem>>, %arg4: memref<1x16xf32, #tpu.memory_space<vmem>>, %arg5: memref<10000x16xf32, #tpu.memory_space<vmem>>) attributes {dimension_semantics = [#tpu.dimension_semantics<arbitrary>], iteration_bounds = array<i64: 1>, scalar_prefetch = 0 : i64, scratch_operands = 0 : i64, tpu.core_type = #tpu.core_type<tc>, window_params = [{transform_indices = @transform_0, window_bounds = array<i64: 10000, 32>}, {transform_indices = @transform_1, window_bounds = array<i64: 10000, 16>}, {transform_indices = @transform_2, window_bounds = array<i64: 10000, 16>}, {pipeline_mode = #tpu.pipeline_mode<synchronous>, transform_indices = @transform_3, window_bounds = array<i64: 1, 16>}, {transform_indices = @transform_4, window_bounds = array<i64: 10000, 16>}]} {
    %get3A = arith.constant 0 : index
    %get3A_0 = arith.constant 0 : index
    %get3A_1 = vector.load %arg3[%get3A, %get3A_0] : memref<10000x16xf32, #tpu.memory_space<vmem>>, vector<10000x1xf32>
    %get3A_2 = arith.constant 0 : index
    %get3A_3 = arith.constant 8 : index
    %get3A_4 = vector.load %arg3[%get3A_2, %get3A_3] : memref<10000x16xf32, #tpu.memory_space<vmem>>, vector<10000x1xf32>
    %add3A = arith.addf %get3A_1, %get3A_4 : vector<10000x1xf32>
    %add3A_5 = arith.constant 1.000000e+00 : f32
    %add3A_6 = vector.broadcast %add3A_5 : f32 to vector<10000x1xf32>
    %add3A_7 = arith.addf %add3A, %add3A_6 : vector<10000x1xf32>
    %rsqrt3A = math.rsqrt %add3A_7 : vector<10000x1xf32>
    %get3A_8 = arith.constant 0 : index
    %get3A_9 = arith.constant 0 : index
    %get3A_10 = vector.load %arg1[%get3A_8, %get3A_9] : memref<10000x32xf32, #tpu.memory_space<vmem>>, vector<10000x16xf32>
    %get3A_11 = arith.constant 0 : index
    %get3A_12 = arith.constant 16 : index
    %get3A_13 = vector.load %arg1[%get3A_11, %get3A_12] : memref<10000x32xf32, #tpu.memory_space<vmem>>, vector<10000x16xf32>
    %add3A_14 = arith.addf %get3A_10, %get3A_13 : vector<10000x16xf32>
    %mul3A = vector.broadcast %rsqrt3A : vector<10000x1xf32> to vector<10000x16xf32>
    %mul3A_15 = arith.mulf %mul3A, %add3A_14 : vector<10000x16xf32>
    %mul3A_16 = arith.mulf %rsqrt3A, %rsqrt3A : vector<10000x1xf32>
    %get3A_17 = arith.constant 0 : index
    %get3A_18 = arith.constant 0 : index
    %get3A_19 = vector.load %arg2[%get3A_17, %get3A_18] : memref<10000x16xf32, #tpu.memory_space<vmem>>, vector<10000x16xf32>
    %mul3A_20 = vector.broadcast %mul3A_16 : vector<10000x1xf32> to vector<10000x16xf32>
    %mul3A_21 = arith.mulf %mul3A_20, %get3A_19 : vector<10000x16xf32>
    %add3A_22 = arith.addf %mul3A_15, %mul3A_21 : vector<10000x16xf32>
    %get3A_23 = arith.constant 0 : index
    %get3A_24 = arith.constant 0 : index
    %get3A_25 = vector.load %arg4[%get3A_23, %get3A_24] : memref<1x16xf32, #tpu.memory_space<vmem>>, vector<1x16xf32>
    %add3A_26 = vector.broadcast %get3A_25 : vector<1x16xf32> to vector<10000x16xf32>
    %add3A_27 = arith.addf %add3A_22, %add3A_26 : vector<10000x16xf32>
    %reduce_max3A = arith.constant dense<0xFF800000> : vector<10000xf32>
    %reduce_max3A_28 = vector.multi_reduction <maximumf>, %add3A_27, %reduce_max3A [1] : vector<10000x16xf32> to vector<10000xf32>
    %broadcast_in_dim3A = vector.shape_cast %reduce_max3A_28 : vector<10000xf32> to vector<10000x1xf32>
    %sub3A = vector.broadcast %broadcast_in_dim3A : vector<10000x1xf32> to vector<10000x16xf32>
    %sub3A_29 = arith.subf %add3A_27, %sub3A : vector<10000x16xf32>
    %exp3A = math.exp %sub3A_29 : vector<10000x16xf32>
    %reduce_sum3A = arith.constant dense<0.000000e+00> : vector<10000xf32>
    %reduce_sum3A_30 = vector.multi_reduction <add>, %exp3A, %reduce_sum3A [1] : vector<10000x16xf32> to vector<10000xf32>
    %broadcast_in_dim3A_31 = vector.shape_cast %reduce_sum3A_30 : vector<10000xf32> to vector<10000x1xf32>
    %log3A = math.log %broadcast_in_dim3A_31 : vector<10000x1xf32>
    %sub3A_32 = vector.broadcast %broadcast_in_dim3A : vector<10000x1xf32> to vector<10000x16xf32>
    %sub3A_33 = arith.subf %add3A_27, %sub3A_32 : vector<10000x16xf32>
    %sub3A_34 = vector.broadcast %log3A : vector<10000x1xf32> to vector<10000x16xf32>
    %sub3A_35 = arith.subf %sub3A_33, %sub3A_34 : vector<10000x16xf32>
    %swap3A = arith.constant 0 : index
    %swap3A_36 = arith.constant 0 : index
    %swap3A_37 = vector.load %arg5[%swap3A, %swap3A_36] : memref<10000x16xf32, #tpu.memory_space<vmem>>, vector<10000x16xf32>
    tpu.vector_store %arg5[%swap3A, %swap3A_36], %sub3A_35 {strides = array<i32>} : memref<10000x16xf32, #tpu.memory_space<vmem>>, vector<10000x16xf32>,
    return
  }
  func.func @transform_0(%arg0: i32) -> (i32, i32) {
    %c0_i32 = arith.constant 0 : i32
    %c0_i32_0 = arith.constant 0 : i32
    return %arg0, %c0_i32 : i32, i32
  }
  func.func @transform_1(%arg0: i32) -> (i32, i32) {
    %c0_i32 = arith.constant 0 : i32
    %c0_i32_0 = arith.constant 0 : i32
    return %arg0, %c0_i32 : i32, i32
  }
  func.func @transform_2(%arg0: i32) -> (i32, i32) {
    %c0_i32 = arith.constant 0 : i32
    %c0_i32_0 = arith.constant 0 : i32
    return %arg0, %c0_i32 : i32, i32
  }
  func.func @transform_3(%arg0: i32) -> (i32, i32) {
    %c0_i32 = arith.constant 0 : i32
    %c0_i32_0 = arith.constant 0 : i32
    %c0_i32_1 = arith.constant 0 : i32
    return %c0_i32, %c0_i32_0 : i32, i32
  }
  func.func @transform_4(%arg0: i32) -> (i32, i32) {
    %c0_i32 = arith.constant 0 : i32
    %c0_i32_0 = arith.constant 0 : i32
    return %arg0, %c0_i32 : i32, i32
  }
}

</mosaic_0001>

<sc_bundles>
// kernel: kernel.13.cloned.1.call-start
scs
__scs_entry_jumppad:
0x0: {  	(pc) =	sbr.rel $0x88, $3  }
0x1: {  	(tag) =	ssettag $0x0;
	lr =	simm.s32 $0x1  }
0x2: {  	[smem:$0x3F97] =	sst lr;
	_ =	strace $0xD0000000  }
0x3: {  	_ = 	snop  }
0x4: {  	_ = 	snop  }
0x5: {  	_ = 	snop  }
0x6: {  	_ = 	snop  }
0x7: {  	_ = 	snop  }
__scs_overlays_trampoline_lowered:
0x8: {  	[smem:$0x3FA6] =	sst s0  }
0x9: {  	[smem:$0x3FA7] =	sst s1  }
0xa: {  	[smem:$0x3FA8] =	sst s2  }
0xb: {  	[smem:$0x3FA9] =	sst s3  }
0xc: {  	[smem:$0x3FAA] =	sst s4  }
0xd: {  	[smem:$0x3FAB] =	sst s5  }
0xe: {  	[smem:$0x3FAC] =	sst s6  }
0xf: {  	[smem:$0x3FAD] =	sst s7  }
0x10: {  	[smem:$0x3FAE] =	sst s8  }
0x11: {  	[smem:$0x3FAF] =	sst s9;
	s0 =	simm.s32 @!p0 $0x0  }
0x12: {  	s1 =	sld [smem:$0x3F95];
	s0 =	simm.s32 @p0 $0x1  }
0x13: {  	[smem:$0x3FB0] =	sst s0;
	s0 =	simm.s32 @!p1 $0x0  }
0x14: {  	s2 =	sld [smem:$0x3F94];
	s0 =	simm.s32 @p1 $0x1  }
0x15: {  	[smem:$0x3FB1] =	sst s0;
	s0 =	simm.s32 @!p2 $0x0  }
0x16: {  	s3 =	sld [smem:$0x3FDB];
	s0 =	simm.s32 @p2 $0x1  }
0x17: {  	s4 =	simm.s32 $0x1BF5;
	[smem:$0x3FB3] =	sst s0  }
0x18: {  	s0 =	sld [smem:$0x3F96];
	_ =	swait.ge [sflag:s4], $0x0  }
0x19: {  	s7 =	sld [smem:$0x3F97]  }
0x1a: {  	s8 =	sadd.s32 $0xFFFFE003, lr  }
0x1b: {  	s9 =	sadd.s32 $0xFFFFFEF7, lr;
	s5 =	simm.s32 $0xFFFFFFFF;
	p2 =	slt.u32 s8, $0xFFFFF086  }
0x1c: {  	p1 =	slt.u32 s9, $0xF7A;
	s5 =	simm.s32 @!p2 $0x0  }
0x1d: {  	s5 =	simm.s32 @p1 $0x1;
	p0 =	seq.s32 s7, s2  }
0x1e: {  	s7 =	smul.u32 @!p0 $0xF7A, s2;
	p2 =	seq.s32 @!p0 s5, $0x0  }
0x1f: {  	s9 =	smul.u32 $0xF7A, s1;
	s8 =	simm.s32 @!p0 $0x1BF5;
	p2 =	por !p2, p0  }
0x20: {  	[sflag:s8] =	ssyncset.s32 @!p0 $0xFFFFF086;
	s6 =	sadd.s32 @!p0 s3, s7;
	s7 =	simm.s32 @!p0 $0x108  }
0x21: {  	s3 =	sadd.s32 s3, s9;
	s6 =	sadd.s32 @!p0 $0x88, s6;
	s7 =	simm.s32 @p2 $0x1082  }
0x22: {  	[simem:s7], [sflag:s8] =	dma.local @!p0 [hbm:s6], $0xF7A  }
0x23: {  	s9 =	sor.u32 $0xD0000000, s2;
	s6 =	simm.s32 $0x108;
	_ =	swait.ge @!p0 [sflag:s8], $0x0  }
0x24: {  	s3 =	sadd.s32 $0x88, s3;
	s6 =	simm.s32 @!p1 $0x1082;
	[sflag:s4] =	ssyncset.s32 $0xFFFFF086  }
0x25: {  	[simem:s6], [sflag:s4] =	dma.local [hbm:s3], $0xF7A  }
0x26: {  	[smem:$0x3F97] =	sst s1;
	(tag) =	ssettag s2;
	_ =	strace s9  }
0x27: {  	s1 =	sld [smem:$0x3FA7]  }
0x28: {  	s2 =	sld [smem:$0x3FA8]  }
0x29: {  	s4 =	sld [smem:$0x3FAA]  }
0x2a: {  	p0 =	seq.s32 s5, $0x0;
	s5 =	sld [smem:$0x3FAB]  }
0x2b: {  	s6 =	sld [smem:$0x3FAC]  }
0x2c: {  	s7 =	sld [smem:$0x3FAD]  }
0x2d: {  	s3 =	simm.s32 $0x108;
	s8 =	sld [smem:$0x3FAE]  }
0x2e: {  	s3 =	simm.s32 @!p0 $0x1082;
	s9 =	sld [smem:$0x3FAF]  }
0x2f: {  	lr =	sadd.s32 s0, s3;
	s0 =	sld [smem:$0x3FA6]  }
0x30: {  	s3 =	sld [smem:$0x3FA9]  }
0x31: {  	[smem:$0x3FB2] =	sst s10  }
0x32: {  	s10 =	sld [smem:$0x3FB0];
	_ =	sdelay $0x3  }
0x33: {  	p0 =	seq.s32 s10, $0x1;
	s10 =	sld [smem:$0x3FB2];
	_ =	sdelay $0x3  }
0x34: {  	[smem:$0x3FB2] =	sst s10  }
0x35: {  	s10 =	sld [smem:$0x3FB1];
	_ =	sdelay $0x3  }
0x36: {  	p1 =	seq.s32 s10, $0x1;
	s10 =	sld [smem:$0x3FB2];
	_ =	sdelay $0x3  }
0x37: {  	[smem:$0x3FB2] =	sst s10  }
0x38: {  	s10 =	sld [smem:$0x3FB3]  }
0x39: {  	_ = 	snop;
	(pc) =	sbr.ind lr, $3  }
0x3a: {  	_ = 	snop  }
0x3b: {  	_ = 	snop  }
0x3c: {  	p2 =	seq.s32 s10, $0x1;
	s10 =	sld [smem:$0x3FB2]  }
0x3d: {  	_ =	shalt  }
0x3e: {  	_ =	shalt  }
0x3f: {  	_ =	shalt  }
0x40: {  	_ =	shalt  }
0x41: {  	_ =	shalt  }
0x42: {  	_ =	shalt  }
0x43: {  	_ =	shalt  }
0x44: {  	_ =	shalt  }
0x45: {  	_ =	shalt  }
0x46: {  	_ =	shalt  }
0x47: {  	_ =	shalt  }
0x48: {  	_ =	shalt  }
0x49: {  	_ =	shalt  }
0x4a: {  	_ =	shalt  }
0x4b: {  	_ =	shalt  }
0x4c: {  	_ =	shalt  }
0x4d: {  	_ =	shalt  }
0x4e: {  	_ =	shalt  }
0x4f: {  	_ =	shalt  }
0x50: {  	_ =	shalt  }
0x51: {  	_ =	shalt  }
0x52: {  	_ =	shalt  }
0x53: {  	_ =	shalt  }
0x54: {  	_ =	shalt  }
0x55: {  	_ =	shalt  }
0x56: {  	_ =	shalt  }
0x57: {  	_ =	shalt  }
0x58: {  	_ =	shalt  }
0x59: {  	_ =	shalt  }
0x5a: {  	_ =	shalt  }
0x5b: {  	_ =	shalt  }
0x5c: {  	_ =	shalt  }
0x5d: {  	_ =	shalt  }
0x5e: {  	_ =	shalt  }
0x5f: {  	_ =	shalt  }
0x60: {  	_ =	shalt  }
0x61: {  	_ =	shalt  }
0x62: {  	_ =	shalt  }
0x63: {  	_ =	shalt  }
0x64: {  	_ =	shalt  }
0x65: {  	_ =	shalt  }
0x66: {  	_ =	shalt  }
0x67: {  	_ =	shalt  }
0x68: {  	_ =	shalt  }
0x69: {  	_ =	shalt  }
0x6a: {  	_ =	shalt  }
0x6b: {  	_ =	shalt  }
0x6c: {  	_ =	shalt  }
0x6d: {  	_ =	shalt  }
0x6e: {  	_ =	shalt  }
0x6f: {  	_ =	shalt  }
0x70: {  	_ =	shalt  }
0x71: {  	_ =	shalt  }
0x72: {  	_ =	shalt  }
0x73: {  	_ =	shalt  }
0x74: {  	_ =	shalt  }
0x75: {  	_ =	shalt  }
0x76: {  	_ =	shalt  }
0x77: {  	_ =	shalt  }
0x78: {  	_ =	shalt  }
0x79: {  	_ =	shalt  }
0x7a: {  	_ =	shalt  }
0x7b: {  	_ =	shalt  }
0x7c: {  	_ =	shalt  }
0x7d: {  	_ =	shalt  }
0x7e: {  	_ =	shalt  }
0x7f: {  	_ =	shalt  }
0x80: {  	_ =	shalt  }
0x81: {  	_ =	shalt  }
0x82: {  	_ =	shalt  }
0x83: {  	_ =	shalt  }
0x84: {  	_ =	shalt  }
0x85: {  	_ =	shalt  }
0x86: {  	_ =	shalt  }
0x87: {  	_ =	shalt  }
.Lfunc_end0:
.L_simem_size_0:
called_computation_lowered:
.L_overlay_start_0:
0x88: {  	s2 =	sld [smem:$0x3FD9]  }
0x89: {  	s3 =	sld [smem:$0x3FFE];
	_ =	sdelay $0x1  }
0x8a: {  	s1 =	srdreg.scid  }
0x8b: {  	s0 =	sand.u32 $0x1, s1  }
0x8c: {  	s17 =	sshll.u32 s0, $0xA;
	s2 =	sadd.s32 s3, s2  }
0x8d: {  	s2 =	sadd.s32 s2, s17  }
0x8e: {  	[smem:$0x3FBE] =	sst s2  }
0x8f: {  	_ = 	snop  }
0x90: {  	s2 =	sld [smem:$0x3FD0];
	(tm) =	ssettm $0x1  }
0x91: {  	s18 =	sld [smem:$0x3FFB];
	_ =	sdelay $0x3  }
0x92: {  	_ =	strace s18  }
0x93: {  	s3 =	sld [smem:$0x3FFC];
	_ =	sdelay $0x3  }
0x94: {  	_ =	strace s3  }
0x95: {  	s3 =	sld [smem:$0x3FFD];
	_ =	sdelay $0x3  }
0x96: {  	_ =	strace s3  }
0x97: {  	_ =	strace $0x8FFFFFFF  }
0x98: {  	s19 =	sld [smem:$0x3FDB];
	_ =	sdelay $0x1  }
0x99: {  	s4 =	simm.s32 $_scs_section_size  }
0x9a: {  	s5 =	simm.s32 $_size__tile_overlayer_lowered;
	s6 =	simm.s32 $_tile_overlayer_lowered  }
0x9b: {  	s22 =	simm.s32 $0x1BFF;
	s21 =	sshll.u32 s6, $0x1;
	s3 =	sadd.s32 s4, s19  }
0x9c: {  	s7 =	simm.s32 $0x0;
	s20 =	sshll.u32 s5, $0x1;
	s5 =	sadd.s32 s21, s3  }
0x9d: {  	[timem:s7], [sflag:s22] =	dma.local [hbm:s5], s20  }
0x9e: {  	_ =	swait.ge [sflag:s22], s20  }
0x9f: {  	s4 =	ssub.s32 $0x0, s20;
	[sflag:s22] =	ssyncset.done $0x0  }
0xa0: {  	[sflag:s22] =	ssyncadd.s32 s4;
	_ =	sdelay $0x1  }
0xa1: {  	s23 =	simm.s32 $0x1B8B  }
0xa2: {  	_ =	swait.ge [sflag:s23], $0x1  }
0xa3: {  	[sflag:s23] =	ssyncset.done $0x0  }
0xa4: {  	s25 =	simm.s32 $0x1B8E;
	s24 =	sld [smem:$0x3FFE];
	[sflag:s23] =	ssyncadd.s32 $0xFFFFFFFF  }
0xa5: {  	s26 =	simm.s32 $execute0_lowered;
	[smem:$0x3FD2] =	sst s25  }
0xa6: {  	s5 =	sshll.u32 s26, $0x1;
	_ =	strace $0x80000046;
	[dreg:$0x1] =	wrdreg $0xFFFFFFFF  }
0xa7: {  	s28 =	simm.s32 $_size_execute0_lowered;
	s3 =	sadd.s32 s3, s5;
	[dreg:$0x0] =	wrdreg $0x0  }
0xa8: {  	s5 =	sshll.u32 s28, $0x1;
	[dreg:$0x2] =	wrdreg s3  }
0xa9: {  	[dreg:$0x3] =	wrdreg s5  }
0xaa: {  	[dreg:$0x4] =	wrdreg $0xC0  }
0xab: {  	_ =	task [dreg:s7], $0x5FFFF  }
0xac: {  	[dreg:$0x1] =	wrdreg $0xFFFFFFFF  }
0xad: {  	[dreg:$0x0] =	wrdreg $0x60  }
0xae: {  	[dreg:$0x2] =	wrdreg s24  }
0xaf: {  	[dreg:$0x3] =	wrdreg s2  }
0xb0: {  	[dreg:$0x4] =	wrdreg $0x2C000  }
0xb1: {  	[dreg:$0x5] =	wrdreg $0x9  }
0xb2: {  	_ =	task.clear_ibuf [dreg:s7], $0x6FFFF;
	_ =	strace $0x90000046  }
0xb3: {  	s29 =	simm.s32 $0x9;
	_ =	strace $0x80000048  }
0xb4: {  	_ =	swait.ge [sflag:s29], $0x1  }
0xb5: {  	[sflag:s29] =	ssyncadd.s32 $0xFFFFFFFF  }
0xb6: {  	_ =	strace $0x90000048  }
0xb7: {  	_ =	sfence  }
0xb8: {  	s30 =	sld [smem:$0x0];
	_ =	sdelay $0x2  }
0xb9: {  	s31 =	sshll.u32 s1, $0xD;
	s1 =	sshrl.u32 s1, $0x2  }
0xba: {  	s3 =	sand.u32 $0x4000, s31;
	s1 =	sadd.s32 s1, s30  }
0xbb: {  	s0 =	sor.u32 s3, s0;
	s1 =	sshll.u32 s1, $0x11  }
0xbc: {  	s0 =	sor.u32 s1, s0  }
0xbd: {  	s0 =	sadd.s32 $0x8F2B, s0  }
0xbe: {  	[sflag:s0] =	ssyncadd.remote.s32 $0x1  }
0xbf: {  	_ =	sfence.sel $0xFFFF  }
0xc0: {  	[dreg:$0x0] =	wrdreg $0xFFFFFFFF;
	(pc) =	sbr.abs _section_cstart, $3  }
0xc1: {  	[dreg:$0x1] =	wrdreg $0xFFFFFFFF  }
0xc2: {  	_ =	task.clear_ibuf [dreg:s7], $0x2FFFF;
	_ =	strace $0x9FFFFFFF  }
0xc3: {  	(tm) =	ssettm $0x7FFFFFFF  }
tec
execute0_lowered:
.L_overlay_start_1:
0x0: {  	(tag) =	ssettag $0x1  }
0x1: {  	s5 =	rddreg [dreg:$0x0]  }
0x2: {  	s0 =	srdreg.scid;
	s7 =	rddreg [dreg:$0x1]  }
0x3: {  	s2 =	rddreg [dreg:$0x2];
	s3 =	simm.s32 $0x0;
	s14 =	simm.s32 $0x1  }
0x4: {  	s15 =	simm.s32 $0x0;
	s6 =	sand.u32 $0x1, s0;
	s0 =	stileid.u32  }
0x5: {  	[smem:$0x7FF] =	sst s3;
	s1 =	sshll.u32 s6, $0x4;
	s8 =	smul.u32 $0x13C0, s0  }
0x6: {  	s11 =	ssub.s32 $0x2, s6;
	s12 =	smul.u32 $0x4F0, s0;
	s7 =	sadd.s32 s7, s6  }
0x7: {  	s31 =	sshll.u32 s0, $0x6;
	s4 =	sor.u32 s0, s1;
	s1 =	rddreg [dreg:$0x3]  }
0x8: {  	_ =	strace $0x80000047;
	s30 =	sshrl.u32 s11, $0x1;
	s4 =	smul.u32 $0x500, s4  }
0x9: {  	s10 =	sshrl.u32 s8, $0x3;
	s11 =	ssub.s32 s11, s30;
	s13 =	sadd.s32 s8, s2  }
0xa: {  	s7 =	sadd.s32 s12, s7;
	s10 =	sadd.s32 s10, s5;
	s8 =	smax.u32 s11, $0x1  }
0xb: {  	s11 =	sor.u32 $0x1C02, s31;
	s12 =	sshrl.u32 s13, $0x3;
	s13 =	simm.s32 $0x80  }
0xc: {  	s9 =	sadd.s32 s4, s5;
	s4 =	sadd.s32 $0xFE00, s5;
	s6 =	sadd.s32 $0xD600, s10  }
0xd: {  	s10 =	simm.s32 $0x2800;
	s5 =	sadd.s32 $0x3600, s9;
	s9 =	simm.s32 $0x2  }
.LBB2_1:
0xe: {  	[tilespmem:s3], [sflag:$0x2] =	stream.linear.gather [hbm4b:s5+s3], $0x2800, $0x38;
	[tilespmem:$0x3FC0] =	vst v63  }
0xf: {  	_ =	swait.ge [sflag:s9], $0x2800  }
0x10: {  	[sflag:s9] =	ssyncset.done $0x0  }
0x11: {  	[sflag:s9] =	ssyncadd.s32 $0xFFFFD800  }
0x12: {  	[tilespmem:s10], [sflag:$0x2] =	stream.linear.gather [hbm4b:s4+s3], $0x400, $0x38;
	[tilespmem:$0x3FC0] =	vst v63  }
0x13: {  	_ =	swait.ge [sflag:s9], $0x400  }
0x14: {  	[sflag:s9] =	ssyncset.done $0x0  }
0x15: {  	[sflag:s9] =	ssyncadd.s32 $0xFFFFFC00  }
0x16: {  	[spmem:s12], [sflag:s11] =	dma.local [hbm:s6], $0x278  }
0x17: {  	_ =	swait.ge [sflag:s9], $0x278  }
0x18: {  	[sflag:s9] =	ssyncset.done $0x0  }
0x19: {  	[sflag:s9] =	ssyncadd.s32 $0xFFFFFD88  }
0x1a: {  	s16 =	simm.s32 $0x0;
	[bflag:$0x0] =	sbarrier.arrive $0xFFFF  }
.LBB2_2:
0x1b: {  	p0 =	sne.s32 s16, $0x9E00  }
.Ltmp0:
0x1c: {  	_ = 	snop;
	(pc) =	sbr.rel @p0 .LBB2_2-.Ltmp0, $3  }
0x1d: {  	_ =	sdelay $0x1  }
0x1e: {  	s17 =	sshra.s32 s16, $0x2;
	s16 =	sadd.s32 $0x200, s16  }
0x1f: {  	[spmem:s2] =	stream.indirect.scatter.add.f32 [tilespmem:s10], [sflag:$0x1], $0x8, s17, s13, $0xb8;
	[tilespmem:$0x3FC0] =	vst v63  }
0x20: {  	_ =	swait.ge [sflag:s14], $0x400  }
0x21: {  	s16 =	simm.s32 $0x4F;
	[sflag:s14] =	ssyncset.done $0x0  }
.LBB2_4:
0x22: {  	p0 =	sne.s32 s16, $0x1;
	s16 =	sadd.s32 $0xFFFFFFFF, s16;
	[sflag:s14] =	ssyncadd.s32 $0xFFFFFC00  }
.Ltmp1:
0x23: {  	(pc) =	sbr.rel @p0 .LBB2_4-.Ltmp1, $3  }
0x24: {  	_ =	sdelay $0x1  }
0x25: {  	_ =	swait.ge [sflag:s14], $0x400  }
0x26: {  	[sflag:s14] =	ssyncset.done $0x0  }
0x27: {  	s15 =	sadd.s32 $0x1, s15  }
0x28: {  	[sflag:s14] =	ssyncadd.s32 $0xFFFFFC00;
	p0 =	sne.s32 s15, s8  }
.Ltmp2:
0x29: {  	[bflag:$0x0] =	sbarrier.arrive $0xFFFF;
	(pc) =	sbr.rel @p0 .LBB2_1-.Ltmp2, $4  }
0x2a: {  	[hbm:s7@s9], [sflag:s11] =	dma.strided [spmem:s12@s14], $0x278, s14, $0x1   }
0x2b: {  	_ =	swait.ge [sflag:s9], $0x278  }
0x2c: {  	[sflag:s9] =	ssyncset.done $0x0  }
0x2d: {  	[sflag:s9] =	ssyncadd.s32 $0xFFFFFD88  }
0x2e: {  	_ =	sfence.sel $0x180000  }
0x2f: {  	[bflag:$0x0] =	sbarrier.arrive $0xFFFF  }
0x30: {  	p0 =	sne.s32 s0, $0x0;
	_ =	strace $0x90000047  }
0x31: {  	s0 =	sadd.s32 @!p0 $0x100000, s1;
	[bflag:$0x2] =	sbarrier.arrive $0xFFFF  }
0x32: {  	[sflag:s0] =	ssyncadd.tile.s32 @!p0 $0x1;
	_ =	shalt  }
.Lfunc_end2:
_tile_overlayer_lowered:
.L_overlay_start_2:
0x33: {  	(tag) =	ssettag $0x2  }
0x34: {  	s0 =	rddreg [dreg:$0x0];
	s2 =	stileid.u32  }
0x35: {  	s1 =	rddreg [dreg:$0x1];
	p0 =	sne.s32 s2, $0x0  }
0x36: {  	s3 =	rddreg [dreg:$0x2];
	[bflag:$0x3] =	sbarrier.arrive $0xFFFF;
	s2 =	simm.s32 @!p0 $0x1C02  }
0x37: {  	[timem:s3], [sflag:s2] =	dma.local @!p0 [hbm:s0], s1  }
0x38: {  	s0 =	simm.s32 @!p0 $0x2  }
0x39: {  	_ =	swait.ge @!p0 [sflag:s0], s1  }
0x3a: {  	s1 =	ssub.s32 @!p0 $0x0, s1;
	[sflag:s0] =	ssyncset.done @!p0 $0x0  }
0x3b: {  	[sflag:s0] =	ssyncadd.s32 @!p0 s1  }
0x3c: {  	[bflag:$0x3] =	sbarrier.arrive $0xFFFF  }
0x3d: {  	_ =	shalt  }

// kernel: kernel.16.cloned.1.call-start
scs
__scs_entry_jumppad:
0x0: {  	(pc) =	sbr.rel $0x88, $3  }
0x1: {  	(tag) =	ssettag $0x0;
	lr =	simm.s32 $0x1  }
0x2: {  	[smem:$0x3F97] =	sst lr;
	_ =	strace $0xD0000000  }
0x3: {  	_ = 	snop  }
0x4: {  	_ = 	snop  }
0x5: {  	_ = 	snop  }
0x6: {  	_ = 	snop  }
0x7: {  	_ = 	snop  }
__scs_overlays_trampoline_lowered:
0x8: {  	[smem:$0x3FA6] =	sst s0  }
0x9: {  	[smem:$0x3FA7] =	sst s1  }
0xa: {  	[smem:$0x3FA8] =	sst s2  }
0xb: {  	[smem:$0x3FA9] =	sst s3  }
0xc: {  	[smem:$0x3FAA] =	sst s4  }
0xd: {  	[smem:$0x3FAB] =	sst s5  }
0xe: {  	[smem:$0x3FAC] =	sst s6  }
0xf: {  	[smem:$0x3FAD] =	sst s7  }
0x10: {  	[smem:$0x3FAE] =	sst s8  }
0x11: {  	[smem:$0x3FAF] =	sst s9;
	s0 =	simm.s32 @!p0 $0x0  }
0x12: {  	s1 =	sld [smem:$0x3F95];
	s0 =	simm.s32 @p0 $0x1  }
0x13: {  	[smem:$0x3FB0] =	sst s0;
	s0 =	simm.s32 @!p1 $0x0  }
0x14: {  	s2 =	sld [smem:$0x3F94];
	s0 =	simm.s32 @p1 $0x1  }
0x15: {  	[smem:$0x3FB1] =	sst s0;
	s0 =	simm.s32 @!p2 $0x0  }
0x16: {  	s3 =	sld [smem:$0x3FDB];
	s0 =	simm.s32 @p2 $0x1  }
0x17: {  	s4 =	simm.s32 $0x1BF5;
	[smem:$0x3FB3] =	sst s0  }
0x18: {  	s0 =	sld [smem:$0x3F96];
	_ =	swait.ge [sflag:s4], $0x0  }
0x19: {  	s7 =	sld [smem:$0x3F97]  }
0x1a: {  	s8 =	sadd.s32 $0xFFFFE003, lr  }
0x1b: {  	s9 =	sadd.s32 $0xFFFFFEF7, lr;
	s5 =	simm.s32 $0xFFFFFFFF;
	p2 =	slt.u32 s8, $0xFFFFF086  }
0x1c: {  	p1 =	slt.u32 s9, $0xF7A;
	s5 =	simm.s32 @!p2 $0x0  }
0x1d: {  	s5 =	simm.s32 @p1 $0x1;
	p0 =	seq.s32 s7, s2  }
0x1e: {  	s7 =	smul.u32 @!p0 $0xF7A, s2;
	p2 =	seq.s32 @!p0 s5, $0x0  }
0x1f: {  	s9 =	smul.u32 $0xF7A, s1;
	s8 =	simm.s32 @!p0 $0x1BF5;
	p2 =	por !p2, p0  }
0x20: {  	[sflag:s8] =	ssyncset.s32 @!p0 $0xFFFFF086;
	s6 =	sadd.s32 @!p0 s3, s7;
	s7 =	simm.s32 @!p0 $0x108  }
0x21: {  	s3 =	sadd.s32 s3, s9;
	s6 =	sadd.s32 @!p0 $0x88, s6;
	s7 =	simm.s32 @p2 $0x1082  }
0x22: {  	[simem:s7], [sflag:s8] =	dma.local @!p0 [hbm:s6], $0xF7A  }
0x23: {  	s9 =	sor.u32 $0xD0000000, s2;
	s6 =	simm.s32 $0x108;
	_ =	swait.ge @!p0 [sflag:s8], $0x0  }
0x24: {  	s3 =	sadd.s32 $0x88, s3;
	s6 =	simm.s32 @!p1 $0x1082;
	[sflag:s4] =	ssyncset.s32 $0xFFFFF086  }
0x25: {  	[simem:s6], [sflag:s4] =	dma.local [hbm:s3], $0xF7A  }
0x26: {  	[smem:$0x3F97] =	sst s1;
	(tag) =	ssettag s2;
	_ =	strace s9  }
0x27: {  	s1 =	sld [smem:$0x3FA7]  }
0x28: {  	s2 =	sld [smem:$0x3FA8]  }
0x29: {  	s4 =	sld [smem:$0x3FAA]  }
0x2a: {  	p0 =	seq.s32 s5, $0x0;
	s5 =	sld [smem:$0x3FAB]  }
0x2b: {  	s6 =	sld [smem:$0x3FAC]  }
0x2c: {  	s7 =	sld [smem:$0x3FAD]  }
0x2d: {  	s3 =	simm.s32 $0x108;
	s8 =	sld [smem:$0x3FAE]  }
0x2e: {  	s3 =	simm.s32 @!p0 $0x1082;
	s9 =	sld [smem:$0x3FAF]  }
0x2f: {  	lr =	sadd.s32 s0, s3;
	s0 =	sld [smem:$0x3FA6]  }
0x30: {  	s3 =	sld [smem:$0x3FA9]  }
0x31: {  	[smem:$0x3FB2] =	sst s10  }
0x32: {  	s10 =	sld [smem:$0x3FB0];
	_ =	sdelay $0x3  }
0x33: {  	p0 =	seq.s32 s10, $0x1;
	s10 =	sld [smem:$0x3FB2];
	_ =	sdelay $0x3  }
0x34: {  	[smem:$0x3FB2] =	sst s10  }
0x35: {  	s10 =	sld [smem:$0x3FB1];
	_ =	sdelay $0x3  }
0x36: {  	p1 =	seq.s32 s10, $0x1;
	s10 =	sld [smem:$0x3FB2];
	_ =	sdelay $0x3  }
0x37: {  	[smem:$0x3FB2] =	sst s10  }
0x38: {  	s10 =	sld [smem:$0x3FB3]  }
0x39: {  	_ = 	snop;
	(pc) =	sbr.ind lr, $3  }
0x3a: {  	_ = 	snop  }
0x3b: {  	_ = 	snop  }
0x3c: {  	p2 =	seq.s32 s10, $0x1;
	s10 =	sld [smem:$0x3FB2]  }
0x3d: {  	_ =	shalt  }
0x3e: {  	_ =	shalt  }
0x3f: {  	_ =	shalt  }
0x40: {  	_ =	shalt  }
0x41: {  	_ =	shalt  }
0x42: {  	_ =	shalt  }
0x43: {  	_ =	shalt  }
0x44: {  	_ =	shalt  }
0x45: {  	_ =	shalt  }
0x46: {  	_ =	shalt  }
0x47: {  	_ =	shalt  }
0x48: {  	_ =	shalt  }
0x49: {  	_ =	shalt  }
0x4a: {  	_ =	shalt  }
0x4b: {  	_ =	shalt  }
0x4c: {  	_ =	shalt  }
0x4d: {  	_ =	shalt  }
0x4e: {  	_ =	shalt  }
0x4f: {  	_ =	shalt  }
0x50: {  	_ =	shalt  }
0x51: {  	_ =	shalt  }
0x52: {  	_ =	shalt  }
0x53: {  	_ =	shalt  }
0x54: {  	_ =	shalt  }
0x55: {  	_ =	shalt  }
0x56: {  	_ =	shalt  }
0x57: {  	_ =	shalt  }
0x58: {  	_ =	shalt  }
0x59: {  	_ =	shalt  }
0x5a: {  	_ =	shalt  }
0x5b: {  	_ =	shalt  }
0x5c: {  	_ =	shalt  }
0x5d: {  	_ =	shalt  }
0x5e: {  	_ =	shalt  }
0x5f: {  	_ =	shalt  }
0x60: {  	_ =	shalt  }
0x61: {  	_ =	shalt  }
0x62: {  	_ =	shalt  }
0x63: {  	_ =	shalt  }
0x64: {  	_ =	shalt  }
0x65: {  	_ =	shalt  }
0x66: {  	_ =	shalt  }
0x67: {  	_ =	shalt  }
0x68: {  	_ =	shalt  }
0x69: {  	_ =	shalt  }
0x6a: {  	_ =	shalt  }
0x6b: {  	_ =	shalt  }
0x6c: {  	_ =	shalt  }
0x6d: {  	_ =	shalt  }
0x6e: {  	_ =	shalt  }
0x6f: {  	_ =	shalt  }
0x70: {  	_ =	shalt  }
0x71: {  	_ =	shalt  }
0x72: {  	_ =	shalt  }
0x73: {  	_ =	shalt  }
0x74: {  	_ =	shalt  }
0x75: {  	_ =	shalt  }
0x76: {  	_ =	shalt  }
0x77: {  	_ =	shalt  }
0x78: {  	_ =	shalt  }
0x79: {  	_ =	shalt  }
0x7a: {  	_ =	shalt  }
0x7b: {  	_ =	shalt  }
0x7c: {  	_ =	shalt  }
0x7d: {  	_ =	shalt  }
0x7e: {  	_ =	shalt  }
0x7f: {  	_ =	shalt  }
0x80: {  	_ =	shalt  }
0x81: {  	_ =	shalt  }
0x82: {  	_ =	shalt  }
0x83: {  	_ =	shalt  }
0x84: {  	_ =	shalt  }
0x85: {  	_ =	shalt  }
0x86: {  	_ =	shalt  }
0x87: {  	_ =	shalt  }
.Lfunc_end0:
.L_simem_size_0:
called_computation.1_lowered:
.L_overlay_start_0:
0x88: {  	s2 =	sld [smem:$0x3FD9]  }
0x89: {  	s3 =	sld [smem:$0x3FFE];
	_ =	sdelay $0x1  }
0x8a: {  	s1 =	srdreg.scid  }
0x8b: {  	s0 =	sand.u32 $0x1, s1  }
0x8c: {  	s16 =	sshll.u32 s0, $0xA;
	s2 =	sadd.s32 s3, s2  }
0x8d: {  	s2 =	sadd.s32 s2, s16  }
0x8e: {  	[smem:$0x3FBE] =	sst s2  }
0x8f: {  	_ = 	snop  }
0x90: {  	(tm) =	ssettm $0x1  }
0x91: {  	s17 =	sld [smem:$0x3FFB];
	_ =	sdelay $0x3  }
0x92: {  	_ =	strace s17  }
0x93: {  	s2 =	sld [smem:$0x3FFC];
	_ =	sdelay $0x3  }
0x94: {  	_ =	strace s2  }
0x95: {  	s2 =	sld [smem:$0x3FFD];
	_ =	sdelay $0x3  }
0x96: {  	_ =	strace s2  }
0x97: {  	_ =	strace $0x8FFFFFFF  }
0x98: {  	s18 =	sld [smem:$0x3FDB];
	_ =	sdelay $0x1  }
0x99: {  	s19 =	simm.s32 $_scs_section_size  }
0x9a: {  	s4 =	simm.s32 $_size__tile_overlayer_lowered;
	s5 =	simm.s32 $_tile_overlayer_lowered  }
0x9b: {  	s22 =	simm.s32 $0x1BFF;
	s21 =	sshll.u32 s5, $0x1;
	s2 =	sadd.s32 s19, s18  }
0x9c: {  	s6 =	simm.s32 $0x0;
	s20 =	sshll.u32 s4, $0x1;
	s4 =	sadd.s32 s21, s2  }
0x9d: {  	[timem:s6], [sflag:s22] =	dma.local [hbm:s4], s20  }
0x9e: {  	_ =	swait.ge [sflag:s22], s20  }
0x9f: {  	s3 =	ssub.s32 $0x0, s20;
	[sflag:s22] =	ssyncset.done $0x0  }
0xa0: {  	[sflag:s22] =	ssyncadd.s32 s3;
	_ =	sdelay $0x1  }
0xa1: {  	s23 =	simm.s32 $0x1B8B  }
0xa2: {  	_ =	swait.ge [sflag:s23], $0x1  }
0xa3: {  	[sflag:s23] =	ssyncset.done $0x0  }
0xa4: {  	s25 =	simm.s32 $0x1B8E;
	s24 =	sld [smem:$0x3FFE];
	[sflag:s23] =	ssyncadd.s32 $0xFFFFFFFF  }
0xa5: {  	s26 =	simm.s32 $execute0_lowered;
	[smem:$0x3FD2] =	sst s25  }
0xa6: {  	s4 =	sshll.u32 s26, $0x1;
	_ =	strace $0x80000049;
	[dreg:$0x1] =	wrdreg $0xFFFFFFFF  }
0xa7: {  	s28 =	simm.s32 $_size_execute0_lowered;
	s2 =	sadd.s32 s2, s4;
	[dreg:$0x0] =	wrdreg $0x0  }
0xa8: {  	s4 =	sshll.u32 s28, $0x1;
	[dreg:$0x2] =	wrdreg s2  }
0xa9: {  	[dreg:$0x3] =	wrdreg s4  }
0xaa: {  	[dreg:$0x4] =	wrdreg $0xC0  }
0xab: {  	_ =	task [dreg:s6], $0x5FFFF  }
0xac: {  	[dreg:$0x1] =	wrdreg $0xFFFFFFFF  }
0xad: {  	[dreg:$0x0] =	wrdreg $0x60  }
0xae: {  	[dreg:$0x2] =	wrdreg s24  }
0xaf: {  	[dreg:$0x3] =	wrdreg $0x90000  }
0xb0: {  	[dreg:$0x4] =	wrdreg $0x12C400  }
0xb1: {  	[dreg:$0x5] =	wrdreg $0x9  }
0xb2: {  	_ =	task.clear_ibuf [dreg:s6], $0x6FFFF;
	_ =	strace $0x90000049  }
0xb3: {  	s29 =	simm.s32 $0x9;
	_ =	strace $0x8000004B  }
0xb4: {  	_ =	swait.ge [sflag:s29], $0x1  }
0xb5: {  	[sflag:s29] =	ssyncadd.s32 $0xFFFFFFFF  }
0xb6: {  	_ =	strace $0x9000004B  }
0xb7: {  	_ =	sfence  }
0xb8: {  	s30 =	sld [smem:$0x0];
	_ =	sdelay $0x2  }
0xb9: {  	s31 =	sshll.u32 s1, $0xD;
	s1 =	sshrl.u32 s1, $0x2  }
0xba: {  	s3 =	sand.u32 $0x4000, s31;
	s1 =	sadd.s32 s1, s30  }
0xbb: {  	s0 =	sor.u32 s3, s0;
	s1 =	sshll.u32 s1, $0x11  }
0xbc: {  	s0 =	sor.u32 s1, s0  }
0xbd: {  	s0 =	sadd.s32 $0x8F2B, s0  }
0xbe: {  	[sflag:s0] =	ssyncadd.remote.s32 $0x1  }
0xbf: {  	_ =	sfence.sel $0xFFFF  }
0xc0: {  	[dreg:$0x0] =	wrdreg $0xFFFFFFFF;
	(pc) =	sbr.abs _section_cstart, $3  }
0xc1: {  	[dreg:$0x1] =	wrdreg $0xFFFFFFFF  }
0xc2: {  	_ =	task.clear_ibuf [dreg:s6], $0x2FFFF;
	_ =	strace $0x9FFFFFFF  }
0xc3: {  	(tm) =	ssettm $0x7FFFFFFF  }
tec
execute0_lowered:
.L_overlay_start_1:
0x0: {  	(tag) =	ssettag $0x1  }
0x1: {  	s5 =	rddreg [dreg:$0x0]  }
0x2: {  	s1 =	rddreg [dreg:$0x1]  }
0x3: {  	s0 =	srdreg.scid;
	s3 =	rddreg [dreg:$0x2]  }
0x4: {  	s2 =	stileid.u32;
	s4 =	simm.s32 $0x0;
	s16 =	simm.s32 $0x80  }
0x5: {  	s17 =	simm.s32 $0x5000;
	s18 =	simm.s32 $0x7000;
	s19 =	simm.s32 $0x1  }
0x6: {  	s20 =	simm.s32 $0x2;
	s21 =	simm.s32 $0x4F00;
	s22 =	simm.s32 $0x4F80  }
0x7: {  	s23 =	simm.s32 $0x10;
	s24 =	simm.s32 $0x8;
	s8 =	smul.u32 $0x9C40, s2  }
0x8: {  	s6 =	sand.u32 $0x1, s0;
	s0 =	rddreg [dreg:$0x3];
	s10 =	smul.u32 $0x13C00, s2  }
0x9: {  	s25 =	simm.s32 $0x0;
	[smem:$0x7FF] =	sst s4;
	s11 =	smul.u32 $0x9E00, s2  }
0xa: {  	s31 =	sshll.u32 s2, $0x6;
	s7 =	sshll.u32 s6, $0x4;
	_ =	strace $0x8000004A  }
0xb: {  	s12 =	sshll.u32 s6, $0x6;
	s6 =	ssub.s32 $0x2, s6;
	s7 =	sor.u32 s2, s7  }
0xc: {  	s9 =	sshrl.u32 s8, $0x3;
	s10 =	sor.u32 s12, s10;
	s30 =	sshrl.u32 s11, $0x3  }
0xd: {  	s13 =	sshrl.u32 s6, $0x1;
	s14 =	sadd.s32 s8, s1;
	s15 =	sadd.s32 s11, s3  }
0xe: {  	s11 =	simm.s32 $0x3;
	s7 =	smul.u32 $0x500, s7;
	s9 =	sadd.s32 s9, s5  }
0xf: {  	s10 =	sshrl.u32 s10, $0x3;
	s12 =	sadd.s32 s30, s5;
	s13 =	ssub.s32 s6, s13  }
0x10: {  	s14 =	sshrl.u32 s14, $0x3;
	s15 =	sshrl.u32 s15, $0x3;
	s10 =	sadd.s32 s10, s5  }
0x11: {  	s8 =	sadd.s32 $0x55200, s12;
	s12 =	simm.s32 $0x2800;
	s7 =	sadd.s32 s7, s5  }
0x12: {  	s5 =	sadd.s32 $0x10000, s7;
	s6 =	sadd.s32 $0x3600, s7;
	s7 =	sadd.s32 $0x41800, s9  }
0x13: {  	s9 =	sadd.s32 $0x68E00, s10;
	s10 =	smax.u32 s13, $0x1;
	s13 =	sor.u32 $0x1C03, s31  }
.LBB2_1:
0x14: {  	[tilespmem:s4], [sflag:$0x3] =	stream.linear.gather [hbm4b:s5+s4], $0x2800, $0x38;
	[tilespmem:$0x1CA40] =	vst v63  }
0x15: {  	_ =	swait.ge [sflag:s11], $0x2800  }
0x16: {  	[sflag:s11] =	ssyncset.done $0x0  }
0x17: {  	[sflag:s11] =	ssyncadd.s32 $0xFFFFD800  }
0x18: {  	[tilespmem:s12], [sflag:$0x3] =	stream.linear.gather [hbm4b:s6+s4], $0x2800, $0x38;
	[tilespmem:$0x1CA40] =	vst v63  }
0x19: {  	_ =	swait.ge [sflag:s11], $0x2800  }
0x1a: {  	[sflag:s11] =	ssyncset.done $0x0  }
0x1b: {  	[sflag:s11] =	ssyncadd.s32 $0xFFFFD800  }
0x1c: {  	[spmem:s14], [sflag:s13] =	dma.local [hbm:s7], $0x1388  }
0x1d: {  	_ =	swait.ge [sflag:s11], $0x1388  }
0x1e: {  	[sflag:s11] =	ssyncset.done $0x0  }
0x1f: {  	[sflag:s11] =	ssyncadd.s32 $0xFFFFEC78  }
0x20: {  	[spmem:s15], [sflag:s13] =	dma.local [hbm:s8], $0x13C0  }
0x21: {  	_ =	swait.ge [sflag:s11], $0x13C0  }
0x22: {  	[sflag:s11] =	ssyncset.done $0x0  }
0x23: {  	[sflag:s11] =	ssyncadd.s32 $0xFFFFEC40  }
0x24: {  	[bflag:$0x0] =	sbarrier.arrive $0xFFFF  }
0x25: {  	[tilespmem:s17], [sflag:$0x1] =	stream.indirect.gather [spmem:s1], $0x40, s4, s16, $0xb8;
	[tilespmem:$0x1CA40] =	vst v63  }
0x26: {  	_ = 	snop  }
0x27: {  	[tilespmem:s18], [sflag:$0x2] =	stream.indirect.gather [spmem:s1], $0x40, s16, s16, $0xb8;
	[tilespmem:$0x1CA40] =	vst v63  }
0x28: {  	_ =	swait.ge [sflag:s19], $0x2000  }
0x29: {  	[sflag:s19] =	ssyncset.done $0x0  }
0x2a: {  	s26 =	simm.s32 $0x2800;
	[sflag:s19] =	ssyncadd.s32 $0xFFFFE000  }
0x2b: {  	[spmem:s3] =	stream.indirect.scatter.add.f32 [tilespmem:s17], [sflag:$0x3], $0x40, s26, s16, $0xb8;
	[tilespmem:$0x1CA40] =	vst v63  }
0x2c: {  	_ =	swait.ge [sflag:s11], $0x2000  }
0x2d: {  	[sflag:s11] =	ssyncset.done $0x0  }
0x2e: {  	s30 =	simm.s32 $0x100;
	[sflag:s11] =	ssyncadd.s32 $0xFFFFE000  }
0x2f: {  	[tilespmem:s17], [sflag:$0x1] =	stream.indirect.gather [spmem:s1], $0x40, s30, s16, $0xb8;
	[tilespmem:$0x1CA40] =	vst v63  }
0x30: {  	_ =	swait.ge [sflag:s20], $0x2000  }
0x31: {  	[sflag:s20] =	ssyncset.done $0x0  }
0x32: {  	s31 =	simm.s32 $0x2880;
	[sflag:s20] =	ssyncadd.s32 $0xFFFFE000  }
0x33: {  	[spmem:s3] =	stream.indirect.scatter.add.f32 [tilespmem:s18], [sflag:$0x3], $0x40, s31, s16, $0xb8;
	[tilespmem:$0x1CA40] =	vst v63  }
0x34: {  	_ =	swait.ge [sflag:s11], $0x2000  }
0x35: {  	[sflag:s11] =	ssyncset.done $0x0  }
0x36: {  	s28 =	simm.s32 $0x180;
	s26 =	simm.s32 $0x400;
	[sflag:s11] =	ssyncadd.s32 $0xFFFFE000  }
.LBB2_2:
0x37: {  	[tilespmem:s18], [sflag:$0x2] =	stream.indirect.gather [spmem:s1], $0x40, s28, s16, $0xb8;
	[tilespmem:$0x1CA40] =	vst v63  }
0x38: {  	s28 =	smov.u32 s26  }
0x39: {  	p0 =	sne.s32 s26, $0x9800;
	s26 =	sadd.s32 $0x400, s26;
	_ =	swait.ge [sflag:s19], $0x2000  }
0x3a: {  	s28 =	sshra.s32 s28, $0x2;
	[sflag:s19] =	ssyncset.done $0x0  }
0x3b: {  	s29 =	sadd.s32 $0x2800, s28;
	[sflag:s19] =	ssyncadd.s32 $0xFFFFE000  }
0x3c: {  	[spmem:s3] =	stream.indirect.scatter.add.f32 [tilespmem:s17], [sflag:$0x3], $0x40, s29, s16, $0xb8;
	[tilespmem:$0x1CA40] =	vst v63  }
0x3d: {  	_ =	swait.ge [sflag:s11], $0x2000  }
0x3e: {  	[sflag:s11] =	ssyncset.done $0x0  }
0x3f: {  	s29 =	sadd.s32 $0x100, s28;
	[sflag:s11] =	ssyncadd.s32 $0xFFFFE000  }
0x40: {  	[tilespmem:s17], [sflag:$0x1] =	stream.indirect.gather [spmem:s1], $0x40, s29, s16, $0xb8;
	[tilespmem:$0x1CA40] =	vst v63  }
0x41: {  	_ =	swait.ge [sflag:s20], $0x2000  }
0x42: {  	[sflag:s20] =	ssyncset.done $0x0  }
.Ltmp0:
0x43: {  	s29 =	sadd.s32 $0x2880, s28;
	[sflag:s20] =	ssyncadd.s32 $0xFFFFE000;
	(pc) =	sbr.rel @p0 .LBB2_2-.Ltmp0, $4  }
0x44: {  	[spmem:s3] =	stream.indirect.scatter.add.f32 [tilespmem:s18], [sflag:$0x3], $0x40, s29, s16, $0xb8;
	[tilespmem:$0x1CA40] =	vst v63  }
0x45: {  	_ =	swait.ge [sflag:s11], $0x2000  }
0x46: {  	[sflag:s11] =	ssyncset.done $0x0  }
0x47: {  	s28 =	sadd.s32 $0x180, s28;
	[sflag:s11] =	ssyncadd.s32 $0xFFFFE000  }
0x48: {  	[tilespmem:s18], [sflag:$0x2] =	stream.indirect.gather [spmem:s1], $0x40, s28, s16, $0xb8;
	[tilespmem:$0x1CA40] =	vst v63  }
0x49: {  	_ =	swait.ge [sflag:s19], $0x2000  }
0x4a: {  	[sflag:s19] =	ssyncset.done $0x0  }
0x4b: {  	[sflag:s19] =	ssyncadd.s32 $0xFFFFE000  }
0x4c: {  	[spmem:s3] =	stream.indirect.scatter.add.f32 [tilespmem:s17], [sflag:$0x3], $0x40, s21, s16, $0xb8;
	[tilespmem:$0x1CA40] =	vst v63  }
0x4d: {  	_ =	swait.ge [sflag:s11], $0x2000  }
0x4e: {  	[sflag:s11] =	ssyncset.done $0x0  }
0x4f: {  	[sflag:s11] =	ssyncadd.s32 $0xFFFFE000  }
0x50: {  	_ =	swait.ge [sflag:s20], $0x2000  }
0x51: {  	[sflag:s20] =	ssyncset.done $0x0  }
0x52: {  	[sflag:s20] =	ssyncadd.s32 $0xFFFFE000  }
0x53: {  	[spmem:s3] =	stream.indirect.scatter.add.f32 [tilespmem:s18], [sflag:$0x3], $0x40, s22, s16, $0xb8;
	[tilespmem:$0x1CA40] =	vst v63  }
0x54: {  	_ =	swait.ge [sflag:s11], $0x2000  }
0x55: {  	s25 =	sadd.s32 $0x1, s25;
	[sflag:s11] =	ssyncset.done $0x0  }
0x56: {  	p0 =	sne.s32 s25, s10;
	[sflag:s11] =	ssyncadd.s32 $0xFFFFE000  }
.Ltmp1:
0x57: {  	[bflag:$0x0] =	sbarrier.arrive $0xFFFF;
	(pc) =	sbr.rel @p0 .LBB2_1-.Ltmp1, $4  }
0x58: {  	[hbm:s9@s23], [sflag:s13] =	dma.strided [spmem:s15@s24], $0x13C0, s19, $0x8   }
0x59: {  	_ =	swait.ge [sflag:s11], $0x13C0  }
0x5a: {  	[sflag:s11] =	ssyncset.done $0x0  }
0x5b: {  	[sflag:s11] =	ssyncadd.s32 $0xFFFFEC40  }
0x5c: {  	_ =	sfence.sel $0x180000  }
0x5d: {  	[bflag:$0x0] =	sbarrier.arrive $0xFFFF  }
0x5e: {  	p0 =	sne.s32 s2, $0x0;
	_ =	strace $0x9000004A  }
0x5f: {  	s0 =	sadd.s32 @!p0 $0x100000, s0;
	[bflag:$0x2] =	sbarrier.arrive $0xFFFF  }
0x60: {  	[sflag:s0] =	ssyncadd.tile.s32 @!p0 $0x1;
	_ =	shalt  }
.Lfunc_end2:
_tile_overlayer_lowered:
.L_overlay_start_2:
0x61: {  	(tag) =	ssettag $0x2  }
0x62: {  	s0 =	rddreg [dreg:$0x0];
	s2 =	stileid.u32  }
0x63: {  	s1 =	rddreg [dreg:$0x1];
	p0 =	sne.s32 s2, $0x0  }
0x64: {  	s3 =	rddreg [dreg:$0x2];
	[bflag:$0x3] =	sbarrier.arrive $0xFFFF;
	s2 =	simm.s32 @!p0 $0x1C03  }
0x65: {  	[timem:s3], [sflag:s2] =	dma.local @!p0 [hbm:s0], s1  }
0x66: {  	s0 =	simm.s32 @!p0 $0x3  }
0x67: {  	_ =	swait.ge @!p0 [sflag:s0], s1  }
0x68: {  	s1 =	ssub.s32 @!p0 $0x0, s1;
	[sflag:s0] =	ssyncset.done @!p0 $0x0  }
0x69: {  	[sflag:s0] =	ssyncadd.s32 @!p0 s1  }
0x6a: {  	[bflag:$0x3] =	sbarrier.arrive $0xFFFF  }
0x6b: {  	_ =	shalt  }

// kernel: kernel.19.cloned.1.call-start
scs
__scs_entry_jumppad:
0x0: {  	(pc) =	sbr.rel $0x88, $3  }
0x1: {  	(tag) =	ssettag $0x0;
	lr =	simm.s32 $0x1  }
0x2: {  	[smem:$0x3F97] =	sst lr;
	_ =	strace $0xD0000000  }
0x3: {  	_ = 	snop  }
0x4: {  	_ = 	snop  }
0x5: {  	_ = 	snop  }
0x6: {  	_ = 	snop  }
0x7: {  	_ = 	snop  }
__scs_overlays_trampoline_lowered:
0x8: {  	[smem:$0x3FA6] =	sst s0  }
0x9: {  	[smem:$0x3FA7] =	sst s1  }
0xa: {  	[smem:$0x3FA8] =	sst s2  }
0xb: {  	[smem:$0x3FA9] =	sst s3  }
0xc: {  	[smem:$0x3FAA] =	sst s4  }
0xd: {  	[smem:$0x3FAB] =	sst s5  }
0xe: {  	[smem:$0x3FAC] =	sst s6  }
0xf: {  	[smem:$0x3FAD] =	sst s7  }
0x10: {  	[smem:$0x3FAE] =	sst s8  }
0x11: {  	[smem:$0x3FAF] =	sst s9;
	s0 =	simm.s32 @!p0 $0x0  }
0x12: {  	s1 =	sld [smem:$0x3F95];
	s0 =	simm.s32 @p0 $0x1  }
0x13: {  	[smem:$0x3FB0] =	sst s0;
	s0 =	simm.s32 @!p1 $0x0  }
0x14: {  	s2 =	sld [smem:$0x3F94];
	s0 =	simm.s32 @p1 $0x1  }
0x15: {  	[smem:$0x3FB1] =	sst s0;
	s0 =	simm.s32 @!p2 $0x0  }
0x16: {  	s3 =	sld [smem:$0x3FDB];
	s0 =	simm.s32 @p2 $0x1  }
0x17: {  	s4 =	simm.s32 $0x1BF5;
	[smem:$0x3FB3] =	sst s0  }
0x18: {  	s0 =	sld [smem:$0x3F96];
	_ =	swait.ge [sflag:s4], $0x0  }
0x19: {  	s7 =	sld [smem:$0x3F97]  }
0x1a: {  	s8 =	sadd.s32 $0xFFFFE003, lr  }
0x1b: {  	s9 =	sadd.s32 $0xFFFFFEF7, lr;
	s5 =	simm.s32 $0xFFFFFFFF;
	p2 =	slt.u32 s8, $0xFFFFF086  }
0x1c: {  	p1 =	slt.u32 s9, $0xF7A;
	s5 =	simm.s32 @!p2 $0x0  }
0x1d: {  	s5 =	simm.s32 @p1 $0x1;
	p0 =	seq.s32 s7, s2  }
0x1e: {  	s7 =	smul.u32 @!p0 $0xF7A, s2;
	p2 =	seq.s32 @!p0 s5, $0x0  }
0x1f: {  	s9 =	smul.u32 $0xF7A, s1;
	s8 =	simm.s32 @!p0 $0x1BF5;
	p2 =	por !p2, p0  }
0x20: {  	[sflag:s8] =	ssyncset.s32 @!p0 $0xFFFFF086;
	s6 =	sadd.s32 @!p0 s3, s7;
	s7 =	simm.s32 @!p0 $0x108  }
0x21: {  	s3 =	sadd.s32 s3, s9;
	s6 =	sadd.s32 @!p0 $0x88, s6;
	s7 =	simm.s32 @p2 $0x1082  }
0x22: {  	[simem:s7], [sflag:s8] =	dma.local @!p0 [hbm:s6], $0xF7A  }
0x23: {  	s9 =	sor.u32 $0xD0000000, s2;
	s6 =	simm.s32 $0x108;
	_ =	swait.ge @!p0 [sflag:s8], $0x0  }
0x24: {  	s3 =	sadd.s32 $0x88, s3;
	s6 =	simm.s32 @!p1 $0x1082;
	[sflag:s4] =	ssyncset.s32 $0xFFFFF086  }
0x25: {  	[simem:s6], [sflag:s4] =	dma.local [hbm:s3], $0xF7A  }
0x26: {  	[smem:$0x3F97] =	sst s1;
	(tag) =	ssettag s2;
	_ =	strace s9  }
0x27: {  	s1 =	sld [smem:$0x3FA7]  }
0x28: {  	s2 =	sld [smem:$0x3FA8]  }
0x29: {  	s4 =	sld [smem:$0x3FAA]  }
0x2a: {  	p0 =	seq.s32 s5, $0x0;
	s5 =	sld [smem:$0x3FAB]  }
0x2b: {  	s6 =	sld [smem:$0x3FAC]  }
0x2c: {  	s7 =	sld [smem:$0x3FAD]  }
0x2d: {  	s3 =	simm.s32 $0x108;
	s8 =	sld [smem:$0x3FAE]  }
0x2e: {  	s3 =	simm.s32 @!p0 $0x1082;
	s9 =	sld [smem:$0x3FAF]  }
0x2f: {  	lr =	sadd.s32 s0, s3;
	s0 =	sld [smem:$0x3FA6]  }
0x30: {  	s3 =	sld [smem:$0x3FA9]  }
0x31: {  	[smem:$0x3FB2] =	sst s10  }
0x32: {  	s10 =	sld [smem:$0x3FB0];
	_ =	sdelay $0x3  }
0x33: {  	p0 =	seq.s32 s10, $0x1;
	s10 =	sld [smem:$0x3FB2];
	_ =	sdelay $0x3  }
0x34: {  	[smem:$0x3FB2] =	sst s10  }
0x35: {  	s10 =	sld [smem:$0x3FB1];
	_ =	sdelay $0x3  }
0x36: {  	p1 =	seq.s32 s10, $0x1;
	s10 =	sld [smem:$0x3FB2];
	_ =	sdelay $0x3  }
0x37: {  	[smem:$0x3FB2] =	sst s10  }
0x38: {  	s10 =	sld [smem:$0x3FB3]  }
0x39: {  	_ = 	snop;
	(pc) =	sbr.ind lr, $3  }
0x3a: {  	_ = 	snop  }
0x3b: {  	_ = 	snop  }
0x3c: {  	p2 =	seq.s32 s10, $0x1;
	s10 =	sld [smem:$0x3FB2]  }
0x3d: {  	_ =	shalt  }
0x3e: {  	_ =	shalt  }
0x3f: {  	_ =	shalt  }
0x40: {  	_ =	shalt  }
0x41: {  	_ =	shalt  }
0x42: {  	_ =	shalt  }
0x43: {  	_ =	shalt  }
0x44: {  	_ =	shalt  }
0x45: {  	_ =	shalt  }
0x46: {  	_ =	shalt  }
0x47: {  	_ =	shalt  }
0x48: {  	_ =	shalt  }
0x49: {  	_ =	shalt  }
0x4a: {  	_ =	shalt  }
0x4b: {  	_ =	shalt  }
0x4c: {  	_ =	shalt  }
0x4d: {  	_ =	shalt  }
0x4e: {  	_ =	shalt  }
0x4f: {  	_ =	shalt  }
0x50: {  	_ =	shalt  }
0x51: {  	_ =	shalt  }
0x52: {  	_ =	shalt  }
0x53: {  	_ =	shalt  }
0x54: {  	_ =	shalt  }
0x55: {  	_ =	shalt  }
0x56: {  	_ =	shalt  }
0x57: {  	_ =	shalt  }
0x58: {  	_ =	shalt  }
0x59: {  	_ =	shalt  }
0x5a: {  	_ =	shalt  }
0x5b: {  	_ =	shalt  }
0x5c: {  	_ =	shalt  }
0x5d: {  	_ =	shalt  }
0x5e: {  	_ =	shalt  }
0x5f: {  	_ =	shalt  }
0x60: {  	_ =	shalt  }
0x61: {  	_ =	shalt  }
0x62: {  	_ =	shalt  }
0x63: {  	_ =	shalt  }
0x64: {  	_ =	shalt  }
0x65: {  	_ =	shalt  }
0x66: {  	_ =	shalt  }
0x67: {  	_ =	shalt  }
0x68: {  	_ =	shalt  }
0x69: {  	_ =	shalt  }
0x6a: {  	_ =	shalt  }
0x6b: {  	_ =	shalt  }
0x6c: {  	_ =	shalt  }
0x6d: {  	_ =	shalt  }
0x6e: {  	_ =	shalt  }
0x6f: {  	_ =	shalt  }
0x70: {  	_ =	shalt  }
0x71: {  	_ =	shalt  }
0x72: {  	_ =	shalt  }
0x73: {  	_ =	shalt  }
0x74: {  	_ =	shalt  }
0x75: {  	_ =	shalt  }
0x76: {  	_ =	shalt  }
0x77: {  	_ =	shalt  }
0x78: {  	_ =	shalt  }
0x79: {  	_ =	shalt  }
0x7a: {  	_ =	shalt  }
0x7b: {  	_ =	shalt  }
0x7c: {  	_ =	shalt  }
0x7d: {  	_ =	shalt  }
0x7e: {  	_ =	shalt  }
0x7f: {  	_ =	shalt  }
0x80: {  	_ =	shalt  }
0x81: {  	_ =	shalt  }
0x82: {  	_ =	shalt  }
0x83: {  	_ =	shalt  }
0x84: {  	_ =	shalt  }
0x85: {  	_ =	shalt  }
0x86: {  	_ =	shalt  }
0x87: {  	_ =	shalt  }
.Lfunc_end0:
.L_simem_size_0:
called_computation.2_lowered:
.L_overlay_start_0:
0x88: {  	s2 =	sld [smem:$0x3FD9]  }
0x89: {  	s3 =	sld [smem:$0x3FFE];
	_ =	sdelay $0x1  }
0x8a: {  	s1 =	srdreg.scid  }
0x8b: {  	s0 =	sand.u32 $0x1, s1  }
0x8c: {  	s16 =	sshll.u32 s0, $0xA;
	s2 =	sadd.s32 s3, s2  }
0x8d: {  	s2 =	sadd.s32 s2, s16  }
0x8e: {  	[smem:$0x3FBE] =	sst s2  }
0x8f: {  	_ = 	snop  }
0x90: {  	(tm) =	ssettm $0x1  }
0x91: {  	s17 =	sld [smem:$0x3FFB];
	_ =	sdelay $0x3  }
0x92: {  	_ =	strace s17  }
0x93: {  	s2 =	sld [smem:$0x3FFC];
	_ =	sdelay $0x3  }
0x94: {  	_ =	strace s2  }
0x95: {  	s2 =	sld [smem:$0x3FFD];
	_ =	sdelay $0x3  }
0x96: {  	_ =	strace s2  }
0x97: {  	_ =	strace $0x8FFFFFFF  }
0x98: {  	s18 =	sld [smem:$0x3FDB];
	_ =	sdelay $0x1  }
0x99: {  	s19 =	simm.s32 $_scs_section_size  }
0x9a: {  	s4 =	simm.s32 $_size__tile_overlayer_lowered;
	s5 =	simm.s32 $_tile_overlayer_lowered  }
0x9b: {  	s22 =	simm.s32 $0x1BFF;
	s21 =	sshll.u32 s5, $0x1;
	s2 =	sadd.s32 s19, s18  }
0x9c: {  	s6 =	simm.s32 $0x0;
	s20 =	sshll.u32 s4, $0x1;
	s4 =	sadd.s32 s21, s2  }
0x9d: {  	[timem:s6], [sflag:s22] =	dma.local [hbm:s4], s20  }
0x9e: {  	_ =	swait.ge [sflag:s22], s20  }
0x9f: {  	s3 =	ssub.s32 $0x0, s20;
	[sflag:s22] =	ssyncset.done $0x0  }
0xa0: {  	[sflag:s22] =	ssyncadd.s32 s3;
	_ =	sdelay $0x1  }
0xa1: {  	s23 =	simm.s32 $0x1B8B  }
0xa2: {  	_ =	swait.ge [sflag:s23], $0x1  }
0xa3: {  	[sflag:s23] =	ssyncset.done $0x0  }
0xa4: {  	s25 =	simm.s32 $0x1B8E;
	s24 =	sld [smem:$0x3FFE];
	[sflag:s23] =	ssyncadd.s32 $0xFFFFFFFF  }
0xa5: {  	s26 =	simm.s32 $execute0_lowered;
	[smem:$0x3FD2] =	sst s25  }
0xa6: {  	s4 =	sshll.u32 s26, $0x1;
	_ =	strace $0x8000004C;
	[dreg:$0x1] =	wrdreg $0xFFFFFFFF  }
0xa7: {  	s28 =	simm.s32 $_size_execute0_lowered;
	s2 =	sadd.s32 s2, s4;
	[dreg:$0x0] =	wrdreg $0x0  }
0xa8: {  	s4 =	sshll.u32 s28, $0x1;
	[dreg:$0x2] =	wrdreg s2  }
0xa9: {  	[dreg:$0x3] =	wrdreg s4  }
0xaa: {  	[dreg:$0x4] =	wrdreg $0xC0  }
0xab: {  	_ =	task [dreg:s6], $0x5FFFF  }
0xac: {  	[dreg:$0x1] =	wrdreg $0xFFFFFFFF  }
0xad: {  	[dreg:$0x0] =	wrdreg $0x60  }
0xae: {  	[dreg:$0x2] =	wrdreg s24  }
0xaf: {  	[dreg:$0x3] =	wrdreg $0x70000  }
0xb0: {  	[dreg:$0x4] =	wrdreg $0xBE200  }
0xb1: {  	[dreg:$0x5] =	wrdreg $0x9  }
0xb2: {  	_ =	task.clear_ibuf [dreg:s6], $0x6FFFF;
	_ =	strace $0x9000004C  }
0xb3: {  	s29 =	simm.s32 $0x9;
	_ =	strace $0x8000004E  }
0xb4: {  	_ =	swait.ge [sflag:s29], $0x1  }
0xb5: {  	[sflag:s29] =	ssyncadd.s32 $0xFFFFFFFF  }
0xb6: {  	_ =	strace $0x9000004E  }
0xb7: {  	_ =	sfence  }
0xb8: {  	s30 =	sld [smem:$0x0];
	_ =	sdelay $0x2  }
0xb9: {  	s31 =	sshll.u32 s1, $0xD;
	s1 =	sshrl.u32 s1, $0x2  }
0xba: {  	s3 =	sand.u32 $0x4000, s31;
	s1 =	sadd.s32 s1, s30  }
0xbb: {  	s0 =	sor.u32 s3, s0;
	s1 =	sshll.u32 s1, $0x11  }
0xbc: {  	s0 =	sor.u32 s1, s0  }
0xbd: {  	s0 =	sadd.s32 $0x8F2B, s0  }
0xbe: {  	[sflag:s0] =	ssyncadd.remote.s32 $0x1  }
0xbf: {  	_ =	sfence.sel $0xFFFF  }
0xc0: {  	[dreg:$0x0] =	wrdreg $0xFFFFFFFF;
	(pc) =	sbr.abs _section_cstart, $3  }
0xc1: {  	[dreg:$0x1] =	wrdreg $0xFFFFFFFF  }
0xc2: {  	_ =	task.clear_ibuf [dreg:s6], $0x2FFFF;
	_ =	strace $0x9FFFFFFF  }
0xc3: {  	(tm) =	ssettm $0x7FFFFFFF  }
tec
execute0_lowered:
.L_overlay_start_1:
0x0: {  	(tag) =	ssettag $0x1  }
0x1: {  	s5 =	rddreg [dreg:$0x0]  }
0x2: {  	s1 =	rddreg [dreg:$0x1]  }
0x3: {  	s0 =	srdreg.scid;
	s3 =	rddreg [dreg:$0x2]  }
0x4: {  	s2 =	stileid.u32;
	s4 =	simm.s32 $0x0;
	s16 =	simm.s32 $0x80  }
0x5: {  	s17 =	simm.s32 $0x5000;
	s18 =	simm.s32 $0x6000;
	s19 =	simm.s32 $0x1  }
0x6: {  	s20 =	simm.s32 $0x2;
	s21 =	simm.s32 $0x4F00;
	s22 =	simm.s32 $0x4F80  }
0x7: {  	s23 =	simm.s32 $0x8;
	s24 =	simm.s32 $0x4;
	s8 =	smul.u32 $0x4E20, s2  }
0x8: {  	s6 =	sand.u32 $0x1, s0;
	s0 =	rddreg [dreg:$0x3];
	s10 =	smul.u32 $0x9E00, s2  }
0x9: {  	s25 =	simm.s32 $0x0;
	[smem:$0x7FF] =	sst s4;
	s11 =	smul.u32 $0x4F00, s2  }
0xa: {  	s31 =	sshll.u32 s2, $0x6;
	s7 =	sshll.u32 s6, $0x4;
	_ =	strace $0x8000004D  }
0xb: {  	s12 =	sshll.u32 s6, $0x5;
	s6 =	ssub.s32 $0x2, s6;
	s7 =	sor.u32 s2, s7  }
0xc: {  	s9 =	sshrl.u32 s8, $0x3;
	s10 =	sor.u32 s12, s10;
	s30 =	sshrl.u32 s11, $0x3  }
0xd: {  	s13 =	sshrl.u32 s6, $0x1;
	s14 =	sadd.s32 s8, s1;
	s15 =	sadd.s32 s11, s3  }
0xe: {  	s11 =	simm.s32 $0x3;
	s7 =	smul.u32 $0x500, s7;
	s9 =	sadd.s32 s9, s5  }
0xf: {  	s10 =	sshrl.u32 s10, $0x3;
	s12 =	sadd.s32 s30, s5;
	s13 =	ssub.s32 s6, s13  }
0x10: {  	s14 =	sshrl.u32 s14, $0x3;
	s15 =	sshrl.u32 s15, $0x3;
	s10 =	sadd.s32 s10, s5  }
0x11: {  	s8 =	sadd.s32 $0x4B600, s12;
	s12 =	simm.s32 $0x2800;
	s7 =	sadd.s32 s7, s5  }
0x12: {  	s5 =	sadd.s32 $0x10000, s7;
	s6 =	sadd.s32 $0x3600, s7;
	s7 =	sadd.s32 $0x41800, s9  }
0x13: {  	s9 =	sadd.s32 $0x55400, s10;
	s10 =	smax.u32 s13, $0x1;
	s13 =	sor.u32 $0x1C03, s31  }
.LBB2_1:
0x14: {  	[tilespmem:s4], [sflag:$0x3] =	stream.linear.gather [hbm4b:s5+s4], $0x2800, $0x38;
	[tilespmem:$0x10D20] =	vst v63  }
0x15: {  	_ =	swait.ge [sflag:s11], $0x2800  }
0x16: {  	[sflag:s11] =	ssyncset.done $0x0  }
0x17: {  	[sflag:s11] =	ssyncadd.s32 $0xFFFFD800  }
0x18: {  	[tilespmem:s12], [sflag:$0x3] =	stream.linear.gather [hbm4b:s6+s4], $0x2800, $0x38;
	[tilespmem:$0x10D20] =	vst v63  }
0x19: {  	_ =	swait.ge [sflag:s11], $0x2800  }
0x1a: {  	[sflag:s11] =	ssyncset.done $0x0  }
0x1b: {  	[sflag:s11] =	ssyncadd.s32 $0xFFFFD800  }
0x1c: {  	[spmem:s14], [sflag:s13] =	dma.local [hbm:s7], $0x9C4  }
0x1d: {  	_ =	swait.ge [sflag:s11], $0x9C4  }
0x1e: {  	[sflag:s11] =	ssyncset.done $0x0  }
0x1f: {  	[sflag:s11] =	ssyncadd.s32 $0xFFFFF63C  }
0x20: {  	[spmem:s15], [sflag:s13] =	dma.local [hbm:s8], $0x9E0  }
0x21: {  	_ =	swait.ge [sflag:s11], $0x9E0  }
0x22: {  	[sflag:s11] =	ssyncset.done $0x0  }
0x23: {  	[sflag:s11] =	ssyncadd.s32 $0xFFFFF620  }
0x24: {  	[bflag:$0x0] =	sbarrier.arrive $0xFFFF  }
0x25: {  	[tilespmem:s17], [sflag:$0x1] =	stream.indirect.gather [spmem:s1], $0x20, s4, s16, $0xb8;
	[tilespmem:$0x10D20] =	vst v63  }
0x26: {  	_ = 	snop  }
0x27: {  	[tilespmem:s18], [sflag:$0x2] =	stream.indirect.gather [spmem:s1], $0x20, s16, s16, $0xb8;
	[tilespmem:$0x10D20] =	vst v63  }
0x28: {  	_ =	swait.ge [sflag:s19], $0x1000  }
0x29: {  	[sflag:s19] =	ssyncset.done $0x0  }
0x2a: {  	s26 =	simm.s32 $0x2800;
	[sflag:s19] =	ssyncadd.s32 $0xFFFFF000  }
0x2b: {  	[spmem:s3] =	stream.indirect.scatter.add.f32 [tilespmem:s17], [sflag:$0x3], $0x20, s26, s16, $0xb8;
	[tilespmem:$0x10D20] =	vst v63  }
0x2c: {  	_ =	swait.ge [sflag:s11], $0x1000  }
0x2d: {  	[sflag:s11] =	ssyncset.done $0x0  }
0x2e: {  	s30 =	simm.s32 $0x100;
	[sflag:s11] =	ssyncadd.s32 $0xFFFFF000  }
0x2f: {  	[tilespmem:s17], [sflag:$0x1] =	stream.indirect.gather [spmem:s1], $0x20, s30, s16, $0xb8;
	[tilespmem:$0x10D20] =	vst v63  }
0x30: {  	_ =	swait.ge [sflag:s20], $0x1000  }
0x31: {  	[sflag:s20] =	ssyncset.done $0x0  }
0x32: {  	s31 =	simm.s32 $0x2880;
	[sflag:s20] =	ssyncadd.s32 $0xFFFFF000  }
0x33: {  	[spmem:s3] =	stream.indirect.scatter.add.f32 [tilespmem:s18], [sflag:$0x3], $0x20, s31, s16, $0xb8;
	[tilespmem:$0x10D20] =	vst v63  }
0x34: {  	_ =	swait.ge [sflag:s11], $0x1000  }
0x35: {  	[sflag:s11] =	ssyncset.done $0x0  }
0x36: {  	s28 =	simm.s32 $0x180;
	s26 =	simm.s32 $0x400;
	[sflag:s11] =	ssyncadd.s32 $0xFFFFF000  }
.LBB2_2:
0x37: {  	[tilespmem:s18], [sflag:$0x2] =	stream.indirect.gather [spmem:s1], $0x20, s28, s16, $0xb8;
	[tilespmem:$0x10D20] =	vst v63  }
0x38: {  	s28 =	smov.u32 s26  }
0x39: {  	p0 =	sne.s32 s26, $0x9800;
	s26 =	sadd.s32 $0x400, s26;
	_ =	swait.ge [sflag:s19], $0x1000  }
0x3a: {  	s28 =	sshra.s32 s28, $0x2;
	[sflag:s19] =	ssyncset.done $0x0  }
0x3b: {  	s29 =	sadd.s32 $0x2800, s28;
	[sflag:s19] =	ssyncadd.s32 $0xFFFFF000  }
0x3c: {  	[spmem:s3] =	stream.indirect.scatter.add.f32 [tilespmem:s17], [sflag:$0x3], $0x20, s29, s16, $0xb8;
	[tilespmem:$0x10D20] =	vst v63  }
0x3d: {  	_ =	swait.ge [sflag:s11], $0x1000  }
0x3e: {  	[sflag:s11] =	ssyncset.done $0x0  }
0x3f: {  	s29 =	sadd.s32 $0x100, s28;
	[sflag:s11] =	ssyncadd.s32 $0xFFFFF000  }
0x40: {  	[tilespmem:s17], [sflag:$0x1] =	stream.indirect.gather [spmem:s1], $0x20, s29, s16, $0xb8;
	[tilespmem:$0x10D20] =	vst v63  }
0x41: {  	_ =	swait.ge [sflag:s20], $0x1000  }
0x42: {  	[sflag:s20] =	ssyncset.done $0x0  }
.Ltmp0:
0x43: {  	s29 =	sadd.s32 $0x2880, s28;
	[sflag:s20] =	ssyncadd.s32 $0xFFFFF000;
	(pc) =	sbr.rel @p0 .LBB2_2-.Ltmp0, $4  }
0x44: {  	[spmem:s3] =	stream.indirect.scatter.add.f32 [tilespmem:s18], [sflag:$0x3], $0x20, s29, s16, $0xb8;
	[tilespmem:$0x10D20] =	vst v63  }
0x45: {  	_ =	swait.ge [sflag:s11], $0x1000  }
0x46: {  	[sflag:s11] =	ssyncset.done $0x0  }
0x47: {  	s28 =	sadd.s32 $0x180, s28;
	[sflag:s11] =	ssyncadd.s32 $0xFFFFF000  }
0x48: {  	[tilespmem:s18], [sflag:$0x2] =	stream.indirect.gather [spmem:s1], $0x20, s28, s16, $0xb8;
	[tilespmem:$0x10D20] =	vst v63  }
0x49: {  	_ =	swait.ge [sflag:s19], $0x1000  }
0x4a: {  	[sflag:s19] =	ssyncset.done $0x0  }
0x4b: {  	[sflag:s19] =	ssyncadd.s32 $0xFFFFF000  }
0x4c: {  	[spmem:s3] =	stream.indirect.scatter.add.f32 [tilespmem:s17], [sflag:$0x3], $0x20, s21, s16, $0xb8;
	[tilespmem:$0x10D20] =	vst v63  }
0x4d: {  	_ =	swait.ge [sflag:s11], $0x1000  }
0x4e: {  	[sflag:s11] =	ssyncset.done $0x0  }
0x4f: {  	[sflag:s11] =	ssyncadd.s32 $0xFFFFF000  }
0x50: {  	_ =	swait.ge [sflag:s20], $0x1000  }
0x51: {  	[sflag:s20] =	ssyncset.done $0x0  }
0x52: {  	[sflag:s20] =	ssyncadd.s32 $0xFFFFF000  }
0x53: {  	[spmem:s3] =	stream.indirect.scatter.add.f32 [tilespmem:s18], [sflag:$0x3], $0x20, s22, s16, $0xb8;
	[tilespmem:$0x10D20] =	vst v63  }
0x54: {  	_ =	swait.ge [sflag:s11], $0x1000  }
0x55: {  	s25 =	sadd.s32 $0x1, s25;
	[sflag:s11] =	ssyncset.done $0x0  }
0x56: {  	p0 =	sne.s32 s25, s10;
	[sflag:s11] =	ssyncadd.s32 $0xFFFFF000  }
.Ltmp1:
0x57: {  	[bflag:$0x0] =	sbarrier.arrive $0xFFFF;
	(pc) =	sbr.rel @p0 .LBB2_1-.Ltmp1, $4  }
0x58: {  	[hbm:s9@s23], [sflag:s13] =	dma.strided [spmem:s15@s24], $0x9E0, s19, $0x4   }
0x59: {  	_ =	swait.ge [sflag:s11], $0x9E0  }
0x5a: {  	[sflag:s11] =	ssyncset.done $0x0  }
0x5b: {  	[sflag:s11] =	ssyncadd.s32 $0xFFFFF620  }
0x5c: {  	_ =	sfence.sel $0x180000  }
0x5d: {  	[bflag:$0x0] =	sbarrier.arrive $0xFFFF  }
0x5e: {  	p0 =	sne.s32 s2, $0x0;
	_ =	strace $0x9000004D  }
0x5f: {  	s0 =	sadd.s32 @!p0 $0x100000, s0;
	[bflag:$0x2] =	sbarrier.arrive $0xFFFF  }
0x60: {  	[sflag:s0] =	ssyncadd.tile.s32 @!p0 $0x1;
	_ =	shalt  }
.Lfunc_end2:
_tile_overlayer_lowered:
.L_overlay_start_2:
0x61: {  	(tag) =	ssettag $0x2  }
0x62: {  	s0 =	rddreg [dreg:$0x0];
	s2 =	stileid.u32  }
0x63: {  	s1 =	rddreg [dreg:$0x1];
	p0 =	sne.s32 s2, $0x0  }
0x64: {  	s3 =	rddreg [dreg:$0x2];
	[bflag:$0x3] =	sbarrier.arrive $0xFFFF;
	s2 =	simm.s32 @!p0 $0x1C03  }
0x65: {  	[timem:s3], [sflag:s2] =	dma.local @!p0 [hbm:s0], s1  }
0x66: {  	s0 =	simm.s32 @!p0 $0x3  }
0x67: {  	_ =	swait.ge @!p0 [sflag:s0], s1  }
0x68: {  	s1 =	ssub.s32 @!p0 $0x0, s1;
	[sflag:s0] =	ssyncset.done @!p0 $0x0  }
0x69: {  	[sflag:s0] =	ssyncadd.s32 @!p0 s1  }
0x6a: {  	[bflag:$0x3] =	sbarrier.arrive $0xFFFF  }
0x6b: {  	_ =	shalt  }

// kernel: kernel.22.cloned.1.call-start
scs
__scs_entry_jumppad:
0x0: {  	(pc) =	sbr.rel $0x88, $3  }
0x1: {  	(tag) =	ssettag $0x0;
	lr =	simm.s32 $0x1  }
0x2: {  	[smem:$0x3F97] =	sst lr;
	_ =	strace $0xD0000000  }
0x3: {  	_ = 	snop  }
0x4: {  	_ = 	snop  }
0x5: {  	_ = 	snop  }
0x6: {  	_ = 	snop  }
0x7: {  	_ = 	snop  }
__scs_overlays_trampoline_lowered:
0x8: {  	[smem:$0x3FA6] =	sst s0  }
0x9: {  	[smem:$0x3FA7] =	sst s1  }
0xa: {  	[smem:$0x3FA8] =	sst s2  }
0xb: {  	[smem:$0x3FA9] =	sst s3  }
0xc: {  	[smem:$0x3FAA] =	sst s4  }
0xd: {  	[smem:$0x3FAB] =	sst s5  }
0xe: {  	[smem:$0x3FAC] =	sst s6  }
0xf: {  	[smem:$0x3FAD] =	sst s7  }
0x10: {  	[smem:$0x3FAE] =	sst s8  }
0x11: {  	[smem:$0x3FAF] =	sst s9;
	s0 =	simm.s32 @!p0 $0x0  }
0x12: {  	s1 =	sld [smem:$0x3F95];
	s0 =	simm.s32 @p0 $0x1  }
0x13: {  	[smem:$0x3FB0] =	sst s0;
	s0 =	simm.s32 @!p1 $0x0  }
0x14: {  	s2 =	sld [smem:$0x3F94];
	s0 =	simm.s32 @p1 $0x1  }
0x15: {  	[smem:$0x3FB1] =	sst s0;
	s0 =	simm.s32 @!p2 $0x0  }
0x16: {  	s3 =	sld [smem:$0x3FDB];
	s0 =	simm.s32 @p2 $0x1  }
0x17: {  	s4 =	simm.s32 $0x1BF5;
	[smem:$0x3FB3] =	sst s0  }
0x18: {  	s0 =	sld [smem:$0x3F96];
	_ =	swait.ge [sflag:s4], $0x0  }
0x19: {  	s7 =	sld [smem:$0x3F97]  }
0x1a: {  	s8 =	sadd.s32 $0xFFFFE003, lr  }
0x1b: {  	s9 =	sadd.s32 $0xFFFFFEF7, lr;
	s5 =	simm.s32 $0xFFFFFFFF;
	p2 =	slt.u32 s8, $0xFFFFF086  }
0x1c: {  	p1 =	slt.u32 s9, $0xF7A;
	s5 =	simm.s32 @!p2 $0x0  }
0x1d: {  	s5 =	simm.s32 @p1 $0x1;
	p0 =	seq.s32 s7, s2  }
0x1e: {  	s7 =	smul.u32 @!p0 $0xF7A, s2;
	p2 =	seq.s32 @!p0 s5, $0x0  }
0x1f: {  	s9 =	smul.u32 $0xF7A, s1;
	s8 =	simm.s32 @!p0 $0x1BF5;
	p2 =	por !p2, p0  }
0x20: {  	[sflag:s8] =	ssyncset.s32 @!p0 $0xFFFFF086;
	s6 =	sadd.s32 @!p0 s3, s7;
	s7 =	simm.s32 @!p0 $0x108  }
0x21: {  	s3 =	sadd.s32 s3, s9;
	s6 =	sadd.s32 @!p0 $0x88, s6;
	s7 =	simm.s32 @p2 $0x1082  }
0x22: {  	[simem:s7], [sflag:s8] =	dma.local @!p0 [hbm:s6], $0xF7A  }
0x23: {  	s9 =	sor.u32 $0xD0000000, s2;
	s6 =	simm.s32 $0x108;
	_ =	swait.ge @!p0 [sflag:s8], $0x0  }
0x24: {  	s3 =	sadd.s32 $0x88, s3;
	s6 =	simm.s32 @!p1 $0x1082;
	[sflag:s4] =	ssyncset.s32 $0xFFFFF086  }
0x25: {  	[simem:s6], [sflag:s4] =	dma.local [hbm:s3], $0xF7A  }
0x26: {  	[smem:$0x3F97] =	sst s1;
	(tag) =	ssettag s2;
	_ =	strace s9  }
0x27: {  	s1 =	sld [smem:$0x3FA7]  }
0x28: {  	s2 =	sld [smem:$0x3FA8]  }
0x29: {  	s4 =	sld [smem:$0x3FAA]  }
0x2a: {  	p0 =	seq.s32 s5, $0x0;
	s5 =	sld [smem:$0x3FAB]  }
0x2b: {  	s6 =	sld [smem:$0x3FAC]  }
0x2c: {  	s7 =	sld [smem:$0x3FAD]  }
0x2d: {  	s3 =	simm.s32 $0x108;
	s8 =	sld [smem:$0x3FAE]  }
0x2e: {  	s3 =	simm.s32 @!p0 $0x1082;
	s9 =	sld [smem:$0x3FAF]  }
0x2f: {  	lr =	sadd.s32 s0, s3;
	s0 =	sld [smem:$0x3FA6]  }
0x30: {  	s3 =	sld [smem:$0x3FA9]  }
0x31: {  	[smem:$0x3FB2] =	sst s10  }
0x32: {  	s10 =	sld [smem:$0x3FB0];
	_ =	sdelay $0x3  }
0x33: {  	p0 =	seq.s32 s10, $0x1;
	s10 =	sld [smem:$0x3FB2];
	_ =	sdelay $0x3  }
0x34: {  	[smem:$0x3FB2] =	sst s10  }
0x35: {  	s10 =	sld [smem:$0x3FB1];
	_ =	sdelay $0x3  }
0x36: {  	p1 =	seq.s32 s10, $0x1;
	s10 =	sld [smem:$0x3FB2];
	_ =	sdelay $0x3  }
0x37: {  	[smem:$0x3FB2] =	sst s10  }
0x38: {  	s10 =	sld [smem:$0x3FB3]  }
0x39: {  	_ = 	snop;
	(pc) =	sbr.ind lr, $3  }
0x3a: {  	_ = 	snop  }
0x3b: {  	_ = 	snop  }
0x3c: {  	p2 =	seq.s32 s10, $0x1;
	s10 =	sld [smem:$0x3FB2]  }
0x3d: {  	_ =	shalt  }
0x3e: {  	_ =	shalt  }
0x3f: {  	_ =	shalt  }
0x40: {  	_ =	shalt  }
0x41: {  	_ =	shalt  }
0x42: {  	_ =	shalt  }
0x43: {  	_ =	shalt  }
0x44: {  	_ =	shalt  }
0x45: {  	_ =	shalt  }
0x46: {  	_ =	shalt  }
0x47: {  	_ =	shalt  }
0x48: {  	_ =	shalt  }
0x49: {  	_ =	shalt  }
0x4a: {  	_ =	shalt  }
0x4b: {  	_ =	shalt  }
0x4c: {  	_ =	shalt  }
0x4d: {  	_ =	shalt  }
0x4e: {  	_ =	shalt  }
0x4f: {  	_ =	shalt  }
0x50: {  	_ =	shalt  }
0x51: {  	_ =	shalt  }
0x52: {  	_ =	shalt  }
0x53: {  	_ =	shalt  }
0x54: {  	_ =	shalt  }
0x55: {  	_ =	shalt  }
0x56: {  	_ =	shalt  }
0x57: {  	_ =	shalt  }
0x58: {  	_ =	shalt  }
0x59: {  	_ =	shalt  }
0x5a: {  	_ =	shalt  }
0x5b: {  	_ =	shalt  }
0x5c: {  	_ =	shalt  }
0x5d: {  	_ =	shalt  }
0x5e: {  	_ =	shalt  }
0x5f: {  	_ =	shalt  }
0x60: {  	_ =	shalt  }
0x61: {  	_ =	shalt  }
0x62: {  	_ =	shalt  }
0x63: {  	_ =	shalt  }
0x64: {  	_ =	shalt  }
0x65: {  	_ =	shalt  }
0x66: {  	_ =	shalt  }
0x67: {  	_ =	shalt  }
0x68: {  	_ =	shalt  }
0x69: {  	_ =	shalt  }
0x6a: {  	_ =	shalt  }
0x6b: {  	_ =	shalt  }
0x6c: {  	_ =	shalt  }
0x6d: {  	_ =	shalt  }
0x6e: {  	_ =	shalt  }
0x6f: {  	_ =	shalt  }
0x70: {  	_ =	shalt  }
0x71: {  	_ =	shalt  }
0x72: {  	_ =	shalt  }
0x73: {  	_ =	shalt  }
0x74: {  	_ =	shalt  }
0x75: {  	_ =	shalt  }
0x76: {  	_ =	shalt  }
0x77: {  	_ =	shalt  }
0x78: {  	_ =	shalt  }
0x79: {  	_ =	shalt  }
0x7a: {  	_ =	shalt  }
0x7b: {  	_ =	shalt  }
0x7c: {  	_ =	shalt  }
0x7d: {  	_ =	shalt  }
0x7e: {  	_ =	shalt  }
0x7f: {  	_ =	shalt  }
0x80: {  	_ =	shalt  }
0x81: {  	_ =	shalt  }
0x82: {  	_ =	shalt  }
0x83: {  	_ =	shalt  }
0x84: {  	_ =	shalt  }
0x85: {  	_ =	shalt  }
0x86: {  	_ =	shalt  }
0x87: {  	_ =	shalt  }
.Lfunc_end0:
.L_simem_size_0:
called_computation.3_lowered:
.L_overlay_start_0:
0x88: {  	s2 =	sld [smem:$0x3FD9]  }
0x89: {  	s3 =	sld [smem:$0x3FFE];
	_ =	sdelay $0x1  }
0x8a: {  	s1 =	srdreg.scid  }
0x8b: {  	s0 =	sand.u32 $0x1, s1  }
0x8c: {  	s17 =	sshll.u32 s0, $0xA;
	s2 =	sadd.s32 s3, s2  }
0x8d: {  	s2 =	sadd.s32 s2, s17  }
0x8e: {  	[smem:$0x3FBE] =	sst s2  }
0x8f: {  	_ = 	snop  }
0x90: {  	s2 =	sld [smem:$0x3FD0];
	(tm) =	ssettm $0x1  }
0x91: {  	s18 =	sld [smem:$0x3FFB];
	_ =	sdelay $0x3  }
0x92: {  	_ =	strace s18  }
0x93: {  	s3 =	sld [smem:$0x3FFC];
	_ =	sdelay $0x3  }
0x94: {  	_ =	strace s3  }
0x95: {  	s3 =	sld [smem:$0x3FFD];
	_ =	sdelay $0x3  }
0x96: {  	_ =	strace s3  }
0x97: {  	_ =	strace $0x8FFFFFFF  }
0x98: {  	s19 =	sld [smem:$0x3FDB];
	_ =	sdelay $0x1  }
0x99: {  	s4 =	simm.s32 $_scs_section_size  }
0x9a: {  	s5 =	simm.s32 $_size__tile_overlayer_lowered;
	s6 =	simm.s32 $_tile_overlayer_lowered  }
0x9b: {  	s22 =	simm.s32 $0x1BFF;
	s21 =	sshll.u32 s6, $0x1;
	s3 =	sadd.s32 s4, s19  }
0x9c: {  	s7 =	simm.s32 $0x0;
	s20 =	sshll.u32 s5, $0x1;
	s5 =	sadd.s32 s21, s3  }
0x9d: {  	[timem:s7], [sflag:s22] =	dma.local [hbm:s5], s20  }
0x9e: {  	_ =	swait.ge [sflag:s22], s20  }
0x9f: {  	s4 =	ssub.s32 $0x0, s20;
	[sflag:s22] =	ssyncset.done $0x0  }
0xa0: {  	[sflag:s22] =	ssyncadd.s32 s4;
	_ =	sdelay $0x1  }
0xa1: {  	s23 =	simm.s32 $0x1B8B  }
0xa2: {  	_ =	swait.ge [sflag:s23], $0x1  }
0xa3: {  	[sflag:s23] =	ssyncset.done $0x0  }
0xa4: {  	s25 =	simm.s32 $0x1B8E;
	s24 =	sld [smem:$0x3FFE];
	[sflag:s23] =	ssyncadd.s32 $0xFFFFFFFF  }
0xa5: {  	s26 =	simm.s32 $execute0_lowered;
	[smem:$0x3FD2] =	sst s25  }
0xa6: {  	s5 =	sshll.u32 s26, $0x1;
	_ =	strace $0x8000004F;
	[dreg:$0x1] =	wrdreg $0xFFFFFFFF  }
0xa7: {  	s28 =	simm.s32 $_size_execute0_lowered;
	s3 =	sadd.s32 s3, s5;
	[dreg:$0x0] =	wrdreg $0x0  }
0xa8: {  	s5 =	sshll.u32 s28, $0x1;
	[dreg:$0x2] =	wrdreg s3  }
0xa9: {  	[dreg:$0x3] =	wrdreg s5  }
0xaa: {  	[dreg:$0x4] =	wrdreg $0xC0  }
0xab: {  	_ =	task [dreg:s7], $0x5FFFF  }
0xac: {  	[dreg:$0x1] =	wrdreg $0xFFFFFFFF  }
0xad: {  	[dreg:$0x0] =	wrdreg $0x60  }
0xae: {  	[dreg:$0x2] =	wrdreg s24  }
0xaf: {  	[dreg:$0x3] =	wrdreg s2  }
0xb0: {  	[dreg:$0x4] =	wrdreg $0x60000  }
0xb1: {  	[dreg:$0x5] =	wrdreg $0x87100  }
0xb2: {  	[dreg:$0x6] =	wrdreg $0x9  }
0xb3: {  	_ =	task.clear_ibuf [dreg:s7], $0x7FFFF;
	_ =	strace $0x9000004F  }
0xb4: {  	s29 =	simm.s32 $0x9;
	_ =	strace $0x80000051  }
0xb5: {  	_ =	swait.ge [sflag:s29], $0x1  }
0xb6: {  	[sflag:s29] =	ssyncadd.s32 $0xFFFFFFFF  }
0xb7: {  	_ =	strace $0x90000051  }
0xb8: {  	_ =	sfence  }
0xb9: {  	s30 =	sld [smem:$0x0];
	_ =	sdelay $0x2  }
0xba: {  	s31 =	sshll.u32 s1, $0xD;
	s1 =	sshrl.u32 s1, $0x2  }
0xbb: {  	s3 =	sand.u32 $0x4000, s31;
	s1 =	sadd.s32 s1, s30  }
0xbc: {  	s0 =	sor.u32 s3, s0;
	s1 =	sshll.u32 s1, $0x11  }
0xbd: {  	s0 =	sor.u32 s1, s0  }
0xbe: {  	s0 =	sadd.s32 $0x8F2B, s0  }
0xbf: {  	[sflag:s0] =	ssyncadd.remote.s32 $0x1  }
0xc0: {  	_ =	sfence.sel $0xFFFF  }
0xc1: {  	[dreg:$0x0] =	wrdreg $0xFFFFFFFF;
	(pc) =	sbr.abs _section_cstart, $3  }
0xc2: {  	[dreg:$0x1] =	wrdreg $0xFFFFFFFF  }
0xc3: {  	_ =	task.clear_ibuf [dreg:s7], $0x2FFFF;
	_ =	strace $0x9FFFFFFF  }
0xc4: {  	(tm) =	ssettm $0x7FFFFFFF  }
0xc5: {  	_ =	shalt  }
tec
execute0_lowered:
.L_overlay_start_1:
0x0: {  	(tag) =	ssettag $0x1  }
0x1: {  	s5 =	rddreg [dreg:$0x0]  }
0x2: {  	s8 =	rddreg [dreg:$0x1]  }
0x3: {  	s2 =	rddreg [dreg:$0x2]  }
0x4: {  	s3 =	rddreg [dreg:$0x3];
	s4 =	srdreg.scid  }
0x5: {  	s0 =	rddreg [dreg:$0x4];
	s1 =	stileid.u32;
	s16 =	simm.s32 $0x80  }
0x6: {  	s17 =	simm.s32 $0x5000;
	s18 =	simm.s32 $0x5800;
	s19 =	simm.s32 $0x1  }
0x7: {  	s20 =	simm.s32 $0x2;
	s21 =	simm.s32 $0x4F00;
	s22 =	simm.s32 $0x4F80  }
0x8: {  	s23 =	simm.s32 $0x4;
	s24 =	simm.s32 $0x0;
	s7 =	smul.u32 $0x2710, s1  }
0x9: {  	s6 =	sand.u32 $0x1, s4;
	s4 =	simm.s32 $0x0;
	s11 =	smul.u32 $0x4F00, s1  }
0xa: {  	s13 =	smul.u32 $0x2780, s1;
	s31 =	sshll.u32 s1, $0x6;
	s9 =	sshll.u32 s6, $0x4  }
0xb: {  	[smem:$0x7FF] =	sst s4;
	s6 =	ssub.s32 $0x2, s6;
	s10 =	sor.u32 s1, s9  }
0xc: {  	_ =	strace $0x80000050;
	s12 =	sshrl.u32 s7, $0x3;
	s9 =	sor.u32 s9, s11  }
0xd: {  	s29 =	sshrl.u32 s6, $0x1;
	s14 =	sadd.s32 s7, s2;
	s15 =	sadd.s32 s13, s3  }
0xe: {  	s30 =	sshrl.u32 s13, $0x3;
	s13 =	sor.u32 $0x1C03, s31;
	s10 =	smul.u32 $0x500, s10  }
0xf: {  	s12 =	sadd.s32 s12, s5;
	s9 =	sshrl.u32 s9, $0x3;
	s11 =	ssub.s32 s6, s29  }
0x10: {  	s8 =	sadd.s32 s8, s30;
	s14 =	sshrl.u32 s14, $0x3;
	s15 =	sshrl.u32 s15, $0x3  }
0x11: {  	s9 =	sadd.s32 s9, s5;
	s7 =	sadd.s32 $0x41800, s12;
	s10 =	sadd.s32 s10, s5  }
0x12: {  	s12 =	simm.s32 $0x2800;
	s9 =	sadd.s32 $0x46800, s9;
	s5 =	sadd.s32 $0x10000, s10  }
0x13: {  	s6 =	sadd.s32 $0x3600, s10;
	s10 =	smax.u32 s11, $0x1;
	s11 =	simm.s32 $0x3  }
.LBB2_1:
0x14: {  	[tilespmem:s4], [sflag:$0x3] =	stream.linear.gather [hbm4b:s5+s4], $0x2800, $0x38;
	[tilespmem:$0xAE90] =	vst v63  }
0x15: {  	_ =	swait.ge [sflag:s11], $0x2800  }
0x16: {  	[sflag:s11] =	ssyncset.done $0x0  }
0x17: {  	[sflag:s11] =	ssyncadd.s32 $0xFFFFD800  }
0x18: {  	[tilespmem:s12], [sflag:$0x3] =	stream.linear.gather [hbm4b:s6+s4], $0x2800, $0x38;
	[tilespmem:$0xAE90] =	vst v63  }
0x19: {  	_ =	swait.ge [sflag:s11], $0x2800  }
0x1a: {  	[sflag:s11] =	ssyncset.done $0x0  }
0x1b: {  	[sflag:s11] =	ssyncadd.s32 $0xFFFFD800  }
0x1c: {  	[spmem:s14], [sflag:s13] =	dma.local [hbm:s7], $0x4E2  }
0x1d: {  	_ =	swait.ge [sflag:s11], $0x4E2  }
0x1e: {  	[sflag:s11] =	ssyncset.done $0x0  }
0x1f: {  	[sflag:s11] =	ssyncadd.s32 $0xFFFFFB1E  }
0x20: {  	[spmem:s15], [sflag:s13] =	dma.local [hbm:s8], $0x4F0  }
0x21: {  	_ =	swait.ge [sflag:s11], $0x4F0  }
0x22: {  	[sflag:s11] =	ssyncset.done $0x0  }
0x23: {  	[sflag:s11] =	ssyncadd.s32 $0xFFFFFB10  }
0x24: {  	[bflag:$0x0] =	sbarrier.arrive $0xFFFF  }
0x25: {  	[tilespmem:s17], [sflag:$0x1] =	stream.indirect.gather [spmem:s2], $0x10, s4, s16, $0xb8;
	[tilespmem:$0xAE90] =	vst v63  }
0x26: {  	_ = 	snop  }
0x27: {  	[tilespmem:s18], [sflag:$0x2] =	stream.indirect.gather [spmem:s2], $0x10, s16, s16, $0xb8;
	[tilespmem:$0xAE90] =	vst v63  }
0x28: {  	_ =	swait.ge [sflag:s19], $0x800  }
0x29: {  	[sflag:s19] =	ssyncset.done $0x0  }
0x2a: {  	s25 =	simm.s32 $0x2800;
	[sflag:s19] =	ssyncadd.s32 $0xFFFFF800  }
0x2b: {  	[spmem:s3] =	stream.indirect.scatter.add.f32 [tilespmem:s17], [sflag:$0x3], $0x10, s25, s16, $0xb8;
	[tilespmem:$0xAE90] =	vst v63  }
0x2c: {  	_ =	swait.ge [sflag:s11], $0x800  }
0x2d: {  	[sflag:s11] =	ssyncset.done $0x0  }
0x2e: {  	s30 =	simm.s32 $0x100;
	[sflag:s11] =	ssyncadd.s32 $0xFFFFF800  }
0x2f: {  	[tilespmem:s17], [sflag:$0x1] =	stream.indirect.gather [spmem:s2], $0x10, s30, s16, $0xb8;
	[tilespmem:$0xAE90] =	vst v63  }
0x30: {  	_ =	swait.ge [sflag:s20], $0x800  }
0x31: {  	[sflag:s20] =	ssyncset.done $0x0  }
0x32: {  	s31 =	simm.s32 $0x2880;
	[sflag:s20] =	ssyncadd.s32 $0xFFFFF800  }
0x33: {  	[spmem:s3] =	stream.indirect.scatter.add.f32 [tilespmem:s18], [sflag:$0x3], $0x10, s31, s16, $0xb8;
	[tilespmem:$0xAE90] =	vst v63  }
0x34: {  	_ =	swait.ge [sflag:s11], $0x800  }
0x35: {  	[sflag:s11] =	ssyncset.done $0x0  }
0x36: {  	s26 =	simm.s32 $0x180;
	s25 =	simm.s32 $0x400;
	[sflag:s11] =	ssyncadd.s32 $0xFFFFF800  }
.LBB2_2:
0x37: {  	[tilespmem:s18], [sflag:$0x2] =	stream.indirect.gather [spmem:s2], $0x10, s26, s16, $0xb8;
	[tilespmem:$0xAE90] =	vst v63  }
0x38: {  	s26 =	smov.u32 s25  }
0x39: {  	p0 =	sne.s32 s25, $0x9800;
	s25 =	sadd.s32 $0x400, s25;
	_ =	swait.ge [sflag:s19], $0x800  }
0x3a: {  	s26 =	sshra.s32 s26, $0x2;
	[sflag:s19] =	ssyncset.done $0x0  }
0x3b: {  	s28 =	sadd.s32 $0x2800, s26;
	[sflag:s19] =	ssyncadd.s32 $0xFFFFF800  }
0x3c: {  	[spmem:s3] =	stream.indirect.scatter.add.f32 [tilespmem:s17], [sflag:$0x3], $0x10, s28, s16, $0xb8;
	[tilespmem:$0xAE90] =	vst v63  }
0x3d: {  	_ =	swait.ge [sflag:s11], $0x800  }
0x3e: {  	[sflag:s11] =	ssyncset.done $0x0  }
0x3f: {  	s28 =	sadd.s32 $0x100, s26;
	[sflag:s11] =	ssyncadd.s32 $0xFFFFF800  }
0x40: {  	[tilespmem:s17], [sflag:$0x1] =	stream.indirect.gather [spmem:s2], $0x10, s28, s16, $0xb8;
	[tilespmem:$0xAE90] =	vst v63  }
0x41: {  	_ =	swait.ge [sflag:s20], $0x800  }
0x42: {  	[sflag:s20] =	ssyncset.done $0x0  }
.Ltmp0:
0x43: {  	s28 =	sadd.s32 $0x2880, s26;
	[sflag:s20] =	ssyncadd.s32 $0xFFFFF800;
	(pc) =	sbr.rel @p0 .LBB2_2-.Ltmp0, $4  }
0x44: {  	[spmem:s3] =	stream.indirect.scatter.add.f32 [tilespmem:s18], [sflag:$0x3], $0x10, s28, s16, $0xb8;
	[tilespmem:$0xAE90] =	vst v63  }
0x45: {  	_ =	swait.ge [sflag:s11], $0x800  }
0x46: {  	[sflag:s11] =	ssyncset.done $0x0  }
0x47: {  	s26 =	sadd.s32 $0x180, s26;
	[sflag:s11] =	ssyncadd.s32 $0xFFFFF800  }
0x48: {  	[tilespmem:s18], [sflag:$0x2] =	stream.indirect.gather [spmem:s2], $0x10, s26, s16, $0xb8;
	[tilespmem:$0xAE90] =	vst v63  }
0x49: {  	_ =	swait.ge [sflag:s19], $0x800  }
0x4a: {  	[sflag:s19] =	ssyncset.done $0x0  }
0x4b: {  	[sflag:s19] =	ssyncadd.s32 $0xFFFFF800  }
0x4c: {  	[spmem:s3] =	stream.indirect.scatter.add.f32 [tilespmem:s17], [sflag:$0x3], $0x10, s21, s16, $0xb8;
	[tilespmem:$0xAE90] =	vst v63  }
0x4d: {  	_ =	swait.ge [sflag:s11], $0x800  }
0x4e: {  	[sflag:s11] =	ssyncset.done $0x0  }
0x4f: {  	[sflag:s11] =	ssyncadd.s32 $0xFFFFF800  }
0x50: {  	_ =	swait.ge [sflag:s20], $0x800  }
0x51: {  	[sflag:s20] =	ssyncset.done $0x0  }
0x52: {  	[sflag:s20] =	ssyncadd.s32 $0xFFFFF800  }
0x53: {  	[spmem:s3] =	stream.indirect.scatter.add.f32 [tilespmem:s18], [sflag:$0x3], $0x10, s22, s16, $0xb8;
	[tilespmem:$0xAE90] =	vst v63  }
0x54: {  	_ =	swait.ge [sflag:s11], $0x800  }
0x55: {  	s24 =	sadd.s32 $0x1, s24;
	[sflag:s11] =	ssyncset.done $0x0  }
0x56: {  	p0 =	sne.s32 s24, s10;
	[sflag:s11] =	ssyncadd.s32 $0xFFFFF800  }
.Ltmp1:
0x57: {  	[bflag:$0x0] =	sbarrier.arrive $0xFFFF;
	(pc) =	sbr.rel @p0 .LBB2_1-.Ltmp1, $4  }
0x58: {  	[hbm:s9@s23], [sflag:s13] =	dma.strided [spmem:s15@s20], $0x4F0, s19, $0x2   }
0x59: {  	_ =	swait.ge [sflag:s11], $0x4F0  }
0x5a: {  	[sflag:s11] =	ssyncset.done $0x0  }
0x5b: {  	[sflag:s11] =	ssyncadd.s32 $0xFFFFFB10  }
0x5c: {  	_ =	sfence.sel $0x180000  }
0x5d: {  	[bflag:$0x0] =	sbarrier.arrive $0xFFFF  }
0x5e: {  	p0 =	sne.s32 s1, $0x0;
	_ =	strace $0x90000050  }
0x5f: {  	s0 =	sadd.s32 @!p0 $0x100000, s0;
	[bflag:$0x2] =	sbarrier.arrive $0xFFFF  }
0x60: {  	[sflag:s0] =	ssyncadd.tile.s32 @!p0 $0x1;
	_ =	shalt  }
.Lfunc_end2:
_tile_overlayer_lowered:
.L_overlay_start_2:
0x61: {  	(tag) =	ssettag $0x2  }
0x62: {  	s0 =	rddreg [dreg:$0x0];
	s2 =	stileid.u32  }
0x63: {  	s1 =	rddreg [dreg:$0x1];
	p0 =	sne.s32 s2, $0x0  }
0x64: {  	s3 =	rddreg [dreg:$0x2];
	[bflag:$0x3] =	sbarrier.arrive $0xFFFF;
	s2 =	simm.s32 @!p0 $0x1C03  }
0x65: {  	[timem:s3], [sflag:s2] =	dma.local @!p0 [hbm:s0], s1  }
0x66: {  	s0 =	simm.s32 @!p0 $0x3  }
0x67: {  	_ =	swait.ge @!p0 [sflag:s0], s1  }
0x68: {  	s1 =	ssub.s32 @!p0 $0x0, s1;
	[sflag:s0] =	ssyncset.done @!p0 $0x0  }
0x69: {  	[sflag:s0] =	ssyncadd.s32 @!p0 s1  }
0x6a: {  	[bflag:$0x3] =	sbarrier.arrive $0xFFFF  }
0x6b: {  	_ =	shalt  }

// kernel: kernel.25.cloned.1.call-start
scs
__scs_entry_jumppad:
0x0: {  	(pc) =	sbr.rel $0x88, $3  }
0x1: {  	(tag) =	ssettag $0x0;
	lr =	simm.s32 $0x1  }
0x2: {  	[smem:$0x3F97] =	sst lr;
	_ =	strace $0xD0000000  }
0x3: {  	_ = 	snop  }
0x4: {  	_ = 	snop  }
0x5: {  	_ = 	snop  }
0x6: {  	_ = 	snop  }
0x7: {  	_ = 	snop  }
__scs_overlays_trampoline_lowered:
0x8: {  	[smem:$0x3FA6] =	sst s0  }
0x9: {  	[smem:$0x3FA7] =	sst s1  }
0xa: {  	[smem:$0x3FA8] =	sst s2  }
0xb: {  	[smem:$0x3FA9] =	sst s3  }
0xc: {  	[smem:$0x3FAA] =	sst s4  }
0xd: {  	[smem:$0x3FAB] =	sst s5  }
0xe: {  	[smem:$0x3FAC] =	sst s6  }
0xf: {  	[smem:$0x3FAD] =	sst s7  }
0x10: {  	[smem:$0x3FAE] =	sst s8  }
0x11: {  	[smem:$0x3FAF] =	sst s9;
	s0 =	simm.s32 @!p0 $0x0  }
0x12: {  	s1 =	sld [smem:$0x3F95];
	s0 =	simm.s32 @p0 $0x1  }
0x13: {  	[smem:$0x3FB0] =	sst s0;
	s0 =	simm.s32 @!p1 $0x0  }
0x14: {  	s2 =	sld [smem:$0x3F94];
	s0 =	simm.s32 @p1 $0x1  }
0x15: {  	[smem:$0x3FB1] =	sst s0;
	s0 =	simm.s32 @!p2 $0x0  }
0x16: {  	s3 =	sld [smem:$0x3FDB];
	s0 =	simm.s32 @p2 $0x1  }
0x17: {  	s4 =	simm.s32 $0x1BF5;
	[smem:$0x3FB3] =	sst s0  }
0x18: {  	s0 =	sld [smem:$0x3F96];
	_ =	swait.ge [sflag:s4], $0x0  }
0x19: {  	s7 =	sld [smem:$0x3F97]  }
0x1a: {  	s8 =	sadd.s32 $0xFFFFE003, lr  }
0x1b: {  	s9 =	sadd.s32 $0xFFFFFEF7, lr;
	s5 =	simm.s32 $0xFFFFFFFF;
	p2 =	slt.u32 s8, $0xFFFFF086  }
0x1c: {  	p1 =	slt.u32 s9, $0xF7A;
	s5 =	simm.s32 @!p2 $0x0  }
0x1d: {  	s5 =	simm.s32 @p1 $0x1;
	p0 =	seq.s32 s7, s2  }
0x1e: {  	s7 =	smul.u32 @!p0 $0xF7A, s2;
	p2 =	seq.s32 @!p0 s5, $0x0  }
0x1f: {  	s9 =	smul.u32 $0xF7A, s1;
	s8 =	simm.s32 @!p0 $0x1BF5;
	p2 =	por !p2, p0  }
0x20: {  	[sflag:s8] =	ssyncset.s32 @!p0 $0xFFFFF086;
	s6 =	sadd.s32 @!p0 s3, s7;
	s7 =	simm.s32 @!p0 $0x108  }
0x21: {  	s3 =	sadd.s32 s3, s9;
	s6 =	sadd.s32 @!p0 $0x88, s6;
	s7 =	simm.s32 @p2 $0x1082  }
0x22: {  	[simem:s7], [sflag:s8] =	dma.local @!p0 [hbm:s6], $0xF7A  }
0x23: {  	s9 =	sor.u32 $0xD0000000, s2;
	s6 =	simm.s32 $0x108;
	_ =	swait.ge @!p0 [sflag:s8], $0x0  }
0x24: {  	s3 =	sadd.s32 $0x88, s3;
	s6 =	simm.s32 @!p1 $0x1082;
	[sflag:s4] =	ssyncset.s32 $0xFFFFF086  }
0x25: {  	[simem:s6], [sflag:s4] =	dma.local [hbm:s3], $0xF7A  }
0x26: {  	[smem:$0x3F97] =	sst s1;
	(tag) =	ssettag s2;
	_ =	strace s9  }
0x27: {  	s1 =	sld [smem:$0x3FA7]  }
0x28: {  	s2 =	sld [smem:$0x3FA8]  }
0x29: {  	s4 =	sld [smem:$0x3FAA]  }
0x2a: {  	p0 =	seq.s32 s5, $0x0;
	s5 =	sld [smem:$0x3FAB]  }
0x2b: {  	s6 =	sld [smem:$0x3FAC]  }
0x2c: {  	s7 =	sld [smem:$0x3FAD]  }
0x2d: {  	s3 =	simm.s32 $0x108;
	s8 =	sld [smem:$0x3FAE]  }
0x2e: {  	s3 =	simm.s32 @!p0 $0x1082;
	s9 =	sld [smem:$0x3FAF]  }
0x2f: {  	lr =	sadd.s32 s0, s3;
	s0 =	sld [smem:$0x3FA6]  }
0x30: {  	s3 =	sld [smem:$0x3FA9]  }
0x31: {  	[smem:$0x3FB2] =	sst s10  }
0x32: {  	s10 =	sld [smem:$0x3FB0];
	_ =	sdelay $0x3  }
0x33: {  	p0 =	seq.s32 s10, $0x1;
	s10 =	sld [smem:$0x3FB2];
	_ =	sdelay $0x3  }
0x34: {  	[smem:$0x3FB2] =	sst s10  }
0x35: {  	s10 =	sld [smem:$0x3FB1];
	_ =	sdelay $0x3  }
0x36: {  	p1 =	seq.s32 s10, $0x1;
	s10 =	sld [smem:$0x3FB2];
	_ =	sdelay $0x3  }
0x37: {  	[smem:$0x3FB2] =	sst s10  }
0x38: {  	s10 =	sld [smem:$0x3FB3]  }
0x39: {  	_ = 	snop;
	(pc) =	sbr.ind lr, $3  }
0x3a: {  	_ = 	snop  }
0x3b: {  	_ = 	snop  }
0x3c: {  	p2 =	seq.s32 s10, $0x1;
	s10 =	sld [smem:$0x3FB2]  }
0x3d: {  	_ =	shalt  }
0x3e: {  	_ =	shalt  }
0x3f: {  	_ =	shalt  }
0x40: {  	_ =	shalt  }
0x41: {  	_ =	shalt  }
0x42: {  	_ =	shalt  }
0x43: {  	_ =	shalt  }
0x44: {  	_ =	shalt  }
0x45: {  	_ =	shalt  }
0x46: {  	_ =	shalt  }
0x47: {  	_ =	shalt  }
0x48: {  	_ =	shalt  }
0x49: {  	_ =	shalt  }
0x4a: {  	_ =	shalt  }
0x4b: {  	_ =	shalt  }
0x4c: {  	_ =	shalt  }
0x4d: {  	_ =	shalt  }
0x4e: {  	_ =	shalt  }
0x4f: {  	_ =	shalt  }
0x50: {  	_ =	shalt  }
0x51: {  	_ =	shalt  }
0x52: {  	_ =	shalt  }
0x53: {  	_ =	shalt  }
0x54: {  	_ =	shalt  }
0x55: {  	_ =	shalt  }
0x56: {  	_ =	shalt  }
0x57: {  	_ =	shalt  }
0x58: {  	_ =	shalt  }
0x59: {  	_ =	shalt  }
0x5a: {  	_ =	shalt  }
0x5b: {  	_ =	shalt  }
0x5c: {  	_ =	shalt  }
0x5d: {  	_ =	shalt  }
0x5e: {  	_ =	shalt  }
0x5f: {  	_ =	shalt  }
0x60: {  	_ =	shalt  }
0x61: {  	_ =	shalt  }
0x62: {  	_ =	shalt  }
0x63: {  	_ =	shalt  }
0x64: {  	_ =	shalt  }
0x65: {  	_ =	shalt  }
0x66: {  	_ =	shalt  }
0x67: {  	_ =	shalt  }
0x68: {  	_ =	shalt  }
0x69: {  	_ =	shalt  }
0x6a: {  	_ =	shalt  }
0x6b: {  	_ =	shalt  }
0x6c: {  	_ =	shalt  }
0x6d: {  	_ =	shalt  }
0x6e: {  	_ =	shalt  }
0x6f: {  	_ =	shalt  }
0x70: {  	_ =	shalt  }
0x71: {  	_ =	shalt  }
0x72: {  	_ =	shalt  }
0x73: {  	_ =	shalt  }
0x74: {  	_ =	shalt  }
0x75: {  	_ =	shalt  }
0x76: {  	_ =	shalt  }
0x77: {  	_ =	shalt  }
0x78: {  	_ =	shalt  }
0x79: {  	_ =	shalt  }
0x7a: {  	_ =	shalt  }
0x7b: {  	_ =	shalt  }
0x7c: {  	_ =	shalt  }
0x7d: {  	_ =	shalt  }
0x7e: {  	_ =	shalt  }
0x7f: {  	_ =	shalt  }
0x80: {  	_ =	shalt  }
0x81: {  	_ =	shalt  }
0x82: {  	_ =	shalt  }
0x83: {  	_ =	shalt  }
0x84: {  	_ =	shalt  }
0x85: {  	_ =	shalt  }
0x86: {  	_ =	shalt  }
0x87: {  	_ =	shalt  }
.Lfunc_end0:
.L_simem_size_0:
called_computation.4_lowered:
.L_overlay_start_0:
0x88: {  	s2 =	sld [smem:$0x3FD9]  }
0x89: {  	s3 =	sld [smem:$0x3FFE];
	_ =	sdelay $0x1  }
0x8a: {  	s1 =	srdreg.scid  }
0x8b: {  	s0 =	sand.u32 $0x1, s1  }
0x8c: {  	s17 =	sshll.u32 s0, $0xA;
	s2 =	sadd.s32 s3, s2  }
0x8d: {  	s2 =	sadd.s32 s2, s17  }
0x8e: {  	[smem:$0x3FBE] =	sst s2  }
0x8f: {  	_ = 	snop  }
0x90: {  	s2 =	sld [smem:$0x3FD0];
	(tm) =	ssettm $0x1  }
0x91: {  	s18 =	sld [smem:$0x3FFB];
	_ =	sdelay $0x3  }
0x92: {  	_ =	strace s18  }
0x93: {  	s3 =	sld [smem:$0x3FFC];
	_ =	sdelay $0x3  }
0x94: {  	_ =	strace s3  }
0x95: {  	s3 =	sld [smem:$0x3FFD];
	_ =	sdelay $0x3  }
0x96: {  	_ =	strace s3  }
0x97: {  	_ =	strace $0x8FFFFFFF  }
0x98: {  	s19 =	sld [smem:$0x3FDB];
	_ =	sdelay $0x1  }
0x99: {  	s4 =	simm.s32 $_scs_section_size  }
0x9a: {  	s5 =	simm.s32 $_size__tile_overlayer_lowered;
	s6 =	simm.s32 $_tile_overlayer_lowered  }
0x9b: {  	s22 =	simm.s32 $0x1BFF;
	s21 =	sshll.u32 s6, $0x1;
	s3 =	sadd.s32 s4, s19  }
0x9c: {  	s7 =	simm.s32 $0x0;
	s20 =	sshll.u32 s5, $0x1;
	s5 =	sadd.s32 s21, s3  }
0x9d: {  	[timem:s7], [sflag:s22] =	dma.local [hbm:s5], s20  }
0x9e: {  	_ =	swait.ge [sflag:s22], s20  }
0x9f: {  	s4 =	ssub.s32 $0x0, s20;
	[sflag:s22] =	ssyncset.done $0x0  }
0xa0: {  	[sflag:s22] =	ssyncadd.s32 s4;
	_ =	sdelay $0x1  }
0xa1: {  	s23 =	simm.s32 $0x1B8B  }
0xa2: {  	_ =	swait.ge [sflag:s23], $0x1  }
0xa3: {  	[sflag:s23] =	ssyncset.done $0x0  }
0xa4: {  	s25 =	simm.s32 $0x1B8E;
	s24 =	sld [smem:$0x3FFE];
	[sflag:s23] =	ssyncadd.s32 $0xFFFFFFFF  }
0xa5: {  	s26 =	simm.s32 $execute0_lowered;
	[smem:$0x3FD2] =	sst s25  }
0xa6: {  	s5 =	sshll.u32 s26, $0x1;
	_ =	strace $0x80000052;
	[dreg:$0x1] =	wrdreg $0xFFFFFFFF  }
0xa7: {  	s28 =	simm.s32 $_size_execute0_lowered;
	s3 =	sadd.s32 s3, s5;
	[dreg:$0x0] =	wrdreg $0x0  }
0xa8: {  	s5 =	sshll.u32 s28, $0x1;
	[dreg:$0x2] =	wrdreg s3  }
0xa9: {  	[dreg:$0x3] =	wrdreg s5  }
0xaa: {  	[dreg:$0x4] =	wrdreg $0xC0  }
0xab: {  	_ =	task [dreg:s7], $0x5FFFF  }
0xac: {  	[dreg:$0x1] =	wrdreg $0xFFFFFFFF  }
0xad: {  	[dreg:$0x0] =	wrdreg $0x60  }
0xae: {  	[dreg:$0x2] =	wrdreg s24  }
0xaf: {  	[dreg:$0x3] =	wrdreg s2  }
0xb0: {  	[dreg:$0x4] =	wrdreg $0x60000  }
0xb1: {  	[dreg:$0x5] =	wrdreg $0x87100  }
0xb2: {  	[dreg:$0x6] =	wrdreg $0x9  }
0xb3: {  	_ =	task.clear_ibuf [dreg:s7], $0x7FFFF;
	_ =	strace $0x90000052  }
0xb4: {  	s29 =	simm.s32 $0x9;
	_ =	strace $0x80000054  }
0xb5: {  	_ =	swait.ge [sflag:s29], $0x1  }
0xb6: {  	[sflag:s29] =	ssyncadd.s32 $0xFFFFFFFF  }
0xb7: {  	_ =	strace $0x90000054  }
0xb8: {  	_ =	sfence  }
0xb9: {  	s30 =	sld [smem:$0x0];
	_ =	sdelay $0x2  }
0xba: {  	s31 =	sshll.u32 s1, $0xD;
	s1 =	sshrl.u32 s1, $0x2  }
0xbb: {  	s3 =	sand.u32 $0x4000, s31;
	s1 =	sadd.s32 s1, s30  }
0xbc: {  	s0 =	sor.u32 s3, s0;
	s1 =	sshll.u32 s1, $0x11  }
0xbd: {  	s0 =	sor.u32 s1, s0  }
0xbe: {  	s0 =	sadd.s32 $0x8F2B, s0  }
0xbf: {  	[sflag:s0] =	ssyncadd.remote.s32 $0x1  }
0xc0: {  	_ =	sfence.sel $0xFFFF  }
0xc1: {  	[dreg:$0x0] =	wrdreg $0xFFFFFFFF;
	(pc) =	sbr.abs _section_cstart, $3  }
0xc2: {  	[dreg:$0x1] =	wrdreg $0xFFFFFFFF  }
0xc3: {  	_ =	task.clear_ibuf [dreg:s7], $0x2FFFF;
	_ =	strace $0x9FFFFFFF  }
0xc4: {  	(tm) =	ssettm $0x7FFFFFFF  }
0xc5: {  	_ =	shalt  }
tec
execute0_lowered:
.L_overlay_start_1:
0x0: {  	(tag) =	ssettag $0x1  }
0x1: {  	s5 =	rddreg [dreg:$0x0]  }
0x2: {  	s8 =	rddreg [dreg:$0x1]  }
0x3: {  	s2 =	rddreg [dreg:$0x2]  }
0x4: {  	s3 =	rddreg [dreg:$0x3];
	s4 =	srdreg.scid  }
0x5: {  	s0 =	rddreg [dreg:$0x4];
	s1 =	stileid.u32;
	s16 =	simm.s32 $0x80  }
0x6: {  	s17 =	simm.s32 $0x5000;
	s18 =	simm.s32 $0x5800;
	s19 =	simm.s32 $0x1  }
0x7: {  	s20 =	simm.s32 $0x2;
	s21 =	simm.s32 $0x4F00;
	s22 =	simm.s32 $0x4F80  }
0x8: {  	s23 =	simm.s32 $0x4;
	s24 =	simm.s32 $0x0;
	s7 =	smul.u32 $0x2710, s1  }
0x9: {  	s6 =	sand.u32 $0x1, s4;
	s4 =	simm.s32 $0x0;
	s11 =	smul.u32 $0x4F00, s1  }
0xa: {  	s13 =	smul.u32 $0x2780, s1;
	s31 =	sshll.u32 s1, $0x6;
	s9 =	sshll.u32 s6, $0x4  }
0xb: {  	[smem:$0x7FF] =	sst s4;
	s6 =	ssub.s32 $0x2, s6;
	s10 =	sor.u32 s1, s9  }
0xc: {  	_ =	strace $0x80000053;
	s12 =	sshrl.u32 s7, $0x3;
	s9 =	sor.u32 s9, s11  }
0xd: {  	s29 =	sshrl.u32 s6, $0x1;
	s14 =	sadd.s32 s7, s2;
	s15 =	sadd.s32 s13, s3  }
0xe: {  	s30 =	sshrl.u32 s13, $0x3;
	s13 =	sor.u32 $0x1C03, s31;
	s10 =	smul.u32 $0x500, s10  }
0xf: {  	s12 =	sadd.s32 s12, s5;
	s9 =	sshrl.u32 s9, $0x3;
	s11 =	ssub.s32 s6, s29  }
0x10: {  	s8 =	sadd.s32 s8, s30;
	s14 =	sshrl.u32 s14, $0x3;
	s15 =	sshrl.u32 s15, $0x3  }
0x11: {  	s9 =	sadd.s32 s9, s5;
	s7 =	sadd.s32 $0x41800, s12;
	s10 =	sadd.s32 s10, s5  }
0x12: {  	s12 =	simm.s32 $0x2800;
	s9 =	sadd.s32 $0x46800, s9;
	s5 =	sadd.s32 $0x10000, s10  }
0x13: {  	s6 =	sadd.s32 $0x3600, s10;
	s10 =	smax.u32 s11, $0x1;
	s11 =	simm.s32 $0x3  }
.LBB2_1:
0x14: {  	[tilespmem:s4], [sflag:$0x3] =	stream.linear.gather [hbm4b:s5+s4], $0x2800, $0x38;
	[tilespmem:$0xAE90] =	vst v63  }
0x15: {  	_ =	swait.ge [sflag:s11], $0x2800  }
0x16: {  	[sflag:s11] =	ssyncset.done $0x0  }
0x17: {  	[sflag:s11] =	ssyncadd.s32 $0xFFFFD800  }
0x18: {  	[tilespmem:s12], [sflag:$0x3] =	stream.linear.gather [hbm4b:s6+s4], $0x2800, $0x38;
	[tilespmem:$0xAE90] =	vst v63  }
0x19: {  	_ =	swait.ge [sflag:s11], $0x2800  }
0x1a: {  	[sflag:s11] =	ssyncset.done $0x0  }
0x1b: {  	[sflag:s11] =	ssyncadd.s32 $0xFFFFD800  }
0x1c: {  	[spmem:s14], [sflag:s13] =	dma.local [hbm:s7], $0x4E2  }
0x1d: {  	_ =	swait.ge [sflag:s11], $0x4E2  }
0x1e: {  	[sflag:s11] =	ssyncset.done $0x0  }
0x1f: {  	[sflag:s11] =	ssyncadd.s32 $0xFFFFFB1E  }
0x20: {  	[spmem:s15], [sflag:s13] =	dma.local [hbm:s8], $0x4F0  }
0x21: {  	_ =	swait.ge [sflag:s11], $0x4F0  }
0x22: {  	[sflag:s11] =	ssyncset.done $0x0  }
0x23: {  	[sflag:s11] =	ssyncadd.s32 $0xFFFFFB10  }
0x24: {  	[bflag:$0x0] =	sbarrier.arrive $0xFFFF  }
0x25: {  	[tilespmem:s17], [sflag:$0x1] =	stream.indirect.gather [spmem:s2], $0x10, s4, s16, $0xb8;
	[tilespmem:$0xAE90] =	vst v63  }
0x26: {  	_ = 	snop  }
0x27: {  	[tilespmem:s18], [sflag:$0x2] =	stream.indirect.gather [spmem:s2], $0x10, s16, s16, $0xb8;
	[tilespmem:$0xAE90] =	vst v63  }
0x28: {  	_ =	swait.ge [sflag:s19], $0x800  }
0x29: {  	[sflag:s19] =	ssyncset.done $0x0  }
0x2a: {  	s25 =	simm.s32 $0x2800;
	[sflag:s19] =	ssyncadd.s32 $0xFFFFF800  }
0x2b: {  	[spmem:s3] =	stream.indirect.scatter.add.f32 [tilespmem:s17], [sflag:$0x3], $0x10, s25, s16, $0xb8;
	[tilespmem:$0xAE90] =	vst v63  }
0x2c: {  	_ =	swait.ge [sflag:s11], $0x800  }
0x2d: {  	[sflag:s11] =	ssyncset.done $0x0  }
0x2e: {  	s30 =	simm.s32 $0x100;
	[sflag:s11] =	ssyncadd.s32 $0xFFFFF800  }
0x2f: {  	[tilespmem:s17], [sflag:$0x1] =	stream.indirect.gather [spmem:s2], $0x10, s30, s16, $0xb8;
	[tilespmem:$0xAE90] =	vst v63  }
0x30: {  	_ =	swait.ge [sflag:s20], $0x800  }
0x31: {  	[sflag:s20] =	ssyncset.done $0x0  }
0x32: {  	s31 =	simm.s32 $0x2880;
	[sflag:s20] =	ssyncadd.s32 $0xFFFFF800  }
0x33: {  	[spmem:s3] =	stream.indirect.scatter.add.f32 [tilespmem:s18], [sflag:$0x3], $0x10, s31, s16, $0xb8;
	[tilespmem:$0xAE90] =	vst v63  }
0x34: {  	_ =	swait.ge [sflag:s11], $0x800  }
0x35: {  	[sflag:s11] =	ssyncset.done $0x0  }
0x36: {  	s26 =	simm.s32 $0x180;
	s25 =	simm.s32 $0x400;
	[sflag:s11] =	ssyncadd.s32 $0xFFFFF800  }
.LBB2_2:
0x37: {  	[tilespmem:s18], [sflag:$0x2] =	stream.indirect.gather [spmem:s2], $0x10, s26, s16, $0xb8;
	[tilespmem:$0xAE90] =	vst v63  }
0x38: {  	s26 =	smov.u32 s25  }
0x39: {  	p0 =	sne.s32 s25, $0x9800;
	s25 =	sadd.s32 $0x400, s25;
	_ =	swait.ge [sflag:s19], $0x800  }
0x3a: {  	s26 =	sshra.s32 s26, $0x2;
	[sflag:s19] =	ssyncset.done $0x0  }
0x3b: {  	s28 =	sadd.s32 $0x2800, s26;
	[sflag:s19] =	ssyncadd.s32 $0xFFFFF800  }
0x3c: {  	[spmem:s3] =	stream.indirect.scatter.add.f32 [tilespmem:s17], [sflag:$0x3], $0x10, s28, s16, $0xb8;
	[tilespmem:$0xAE90] =	vst v63  }
0x3d: {  	_ =	swait.ge [sflag:s11], $0x800  }
0x3e: {  	[sflag:s11] =	ssyncset.done $0x0  }
0x3f: {  	s28 =	sadd.s32 $0x100, s26;
	[sflag:s11] =	ssyncadd.s32 $0xFFFFF800  }
0x40: {  	[tilespmem:s17], [sflag:$0x1] =	stream.indirect.gather [spmem:s2], $0x10, s28, s16, $0xb8;
	[tilespmem:$0xAE90] =	vst v63  }
0x41: {  	_ =	swait.ge [sflag:s20], $0x800  }
0x42: {  	[sflag:s20] =	ssyncset.done $0x0  }
.Ltmp0:
0x43: {  	s28 =	sadd.s32 $0x2880, s26;
	[sflag:s20] =	ssyncadd.s32 $0xFFFFF800;
	(pc) =	sbr.rel @p0 .LBB2_2-.Ltmp0, $4  }
0x44: {  	[spmem:s3] =	stream.indirect.scatter.add.f32 [tilespmem:s18], [sflag:$0x3], $0x10, s28, s16, $0xb8;
	[tilespmem:$0xAE90] =	vst v63  }
0x45: {  	_ =	swait.ge [sflag:s11], $0x800  }
0x46: {  	[sflag:s11] =	ssyncset.done $0x0  }
0x47: {  	s26 =	sadd.s32 $0x180, s26;
	[sflag:s11] =	ssyncadd.s32 $0xFFFFF800  }
0x48: {  	[tilespmem:s18], [sflag:$0x2] =	stream.indirect.gather [spmem:s2], $0x10, s26, s16, $0xb8;
	[tilespmem:$0xAE90] =	vst v63  }
0x49: {  	_ =	swait.ge [sflag:s19], $0x800  }
0x4a: {  	[sflag:s19] =	ssyncset.done $0x0  }
0x4b: {  	[sflag:s19] =	ssyncadd.s32 $0xFFFFF800  }
0x4c: {  	[spmem:s3] =	stream.indirect.scatter.add.f32 [tilespmem:s17], [sflag:$0x3], $0x10, s21, s16, $0xb8;
	[tilespmem:$0xAE90] =	vst v63  }
0x4d: {  	_ =	swait.ge [sflag:s11], $0x800  }
0x4e: {  	[sflag:s11] =	ssyncset.done $0x0  }
0x4f: {  	[sflag:s11] =	ssyncadd.s32 $0xFFFFF800  }
0x50: {  	_ =	swait.ge [sflag:s20], $0x800  }
0x51: {  	[sflag:s20] =	ssyncset.done $0x0  }
0x52: {  	[sflag:s20] =	ssyncadd.s32 $0xFFFFF800  }
0x53: {  	[spmem:s3] =	stream.indirect.scatter.add.f32 [tilespmem:s18], [sflag:$0x3], $0x10, s22, s16, $0xb8;
	[tilespmem:$0xAE90] =	vst v63  }
0x54: {  	_ =	swait.ge [sflag:s11], $0x800  }
0x55: {  	s24 =	sadd.s32 $0x1, s24;
	[sflag:s11] =	ssyncset.done $0x0  }
0x56: {  	p0 =	sne.s32 s24, s10;
	[sflag:s11] =	ssyncadd.s32 $0xFFFFF800  }
.Ltmp1:
0x57: {  	[bflag:$0x0] =	sbarrier.arrive $0xFFFF;
	(pc) =	sbr.rel @p0 .LBB2_1-.Ltmp1, $4  }
0x58: {  	[hbm:s9@s23], [sflag:s13] =	dma.strided [spmem:s15@s20], $0x4F0, s19, $0x2   }
0x59: {  	_ =	swait.ge [sflag:s11], $0x4F0  }
0x5a: {  	[sflag:s11] =	ssyncset.done $0x0  }
0x5b: {  	[sflag:s11] =	ssyncadd.s32 $0xFFFFFB10  }
0x5c: {  	_ =	sfence.sel $0x180000  }
0x5d: {  	[bflag:$0x0] =	sbarrier.arrive $0xFFFF  }
0x5e: {  	p0 =	sne.s32 s1, $0x0;
	_ =	strace $0x90000053  }
0x5f: {  	s0 =	sadd.s32 @!p0 $0x100000, s0;
	[bflag:$0x2] =	sbarrier.arrive $0xFFFF  }
0x60: {  	[sflag:s0] =	ssyncadd.tile.s32 @!p0 $0x1;
	_ =	shalt  }
.Lfunc_end2:
_tile_overlayer_lowered:
.L_overlay_start_2:
0x61: {  	(tag) =	ssettag $0x2  }
0x62: {  	s0 =	rddreg [dreg:$0x0];
	s2 =	stileid.u32  }
0x63: {  	s1 =	rddreg [dreg:$0x1];
	p0 =	sne.s32 s2, $0x0  }
0x64: {  	s3 =	rddreg [dreg:$0x2];
	[bflag:$0x3] =	sbarrier.arrive $0xFFFF;
	s2 =	simm.s32 @!p0 $0x1C03  }
0x65: {  	[timem:s3], [sflag:s2] =	dma.local @!p0 [hbm:s0], s1  }
0x66: {  	s0 =	simm.s32 @!p0 $0x3  }
0x67: {  	_ =	swait.ge @!p0 [sflag:s0], s1  }
0x68: {  	s1 =	ssub.s32 @!p0 $0x0, s1;
	[sflag:s0] =	ssyncset.done @!p0 $0x0  }
0x69: {  	[sflag:s0] =	ssyncadd.s32 @!p0 s1  }
0x6a: {  	[bflag:$0x3] =	sbarrier.arrive $0xFFFF  }
0x6b: {  	_ =	shalt  }

</sc_bundles>
